<compile_context>
chip_gen: v7x
topology: tpu7x:2x2x1
jax: 0.10.2.dev20260603
libtpu: 0.0.44.dev20260713+nightly
codegen_flags: <defaults>
</compile_context>

<pallas_src>
import jax
import jax.numpy as jnp
from jax import lax
from jax.experimental import pallas as pl
from jax.experimental.pallas import tpu as pltpu
from jax.experimental.pallas import tpu_sc as plsc

N = 10000
E = 320000
NC = 2
NS = 16
NW = NC * NS
K = 128
KM = 80
EPT = E // NW
NCHUNK = 80
NCHUNKM = EPT // KM
EPTP = NCHUNK * K
NPAD = 10112
RPT = NPAD // NS
D = 128
BM = 400
F32 = jnp.float32

_MESH = plsc.VectorSubcoreMesh(core_axis_name="c", subcore_axis_name="s")



def _deg_body(src_hbm, dst_hbm, out_hbm, sidx_all, didx_all, ones_v, zrow_v,
              acc_out, acc_in, sem0, sem1):
    c = lax.axis_index("c")
    s = lax.axis_index("s")
    wid = s * NC + c

    pltpu.async_copy(src_hbm.at[wid], sidx_all, sem0)
    pltpu.async_copy(dst_hbm.at[wid], didx_all, sem1)

    @pl.loop(0, K, step=16)
    def _(i):
        ones_v[pl.ds(i, 16)] = jnp.ones((16,), F32)

    @pl.loop(0, RPT + 8, step=16)
    def _(i):
        zrow_v[pl.ds(i, 16)] = jnp.zeros((16,), F32)

    pltpu.make_async_copy(src_hbm.at[wid], sidx_all, sem0).wait()
    pltpu.make_async_copy(dst_hbm.at[wid], didx_all, sem1).wait()

    r0 = s * RPT
    pltpu.sync_copy(zrow_v.at[pl.ds(0, RPT)], acc_out.at[pl.ds(r0, RPT)])
    pltpu.sync_copy(zrow_v.at[pl.ds(0, RPT)], acc_in.at[pl.ds(r0, RPT)])
    plsc.subcore_barrier()

    def fire(j):
        pltpu.async_copy(ones_v, acc_out.at[sidx_all.at[j]], sem0, add=True)
        pltpu.async_copy(ones_v, acc_in.at[didx_all.at[j]], sem1, add=True)

    def drain(j):
        pltpu.make_async_copy(ones_v, acc_out.at[sidx_all.at[j]], sem0).wait()
        pltpu.make_async_copy(ones_v, acc_in.at[didx_all.at[j]], sem1).wait()

    fire(0)

    @pl.loop(1, NCHUNK)
    def _(j):
        fire(j)
        drain(j - 1)

    drain(NCHUNK - 1)

    plsc.subcore_barrier()
    obase = c * 2 * NPAD

    pltpu.sync_copy(acc_out.at[pl.ds(r0, RPT)], zrow_v.at[pl.ds(0, RPT)])
    pltpu.sync_copy(zrow_v.at[pl.ds(0, RPT)], out_hbm.at[pl.ds(obase + r0, RPT)])
    pltpu.sync_copy(acc_in.at[pl.ds(r0, RPT)], zrow_v.at[pl.ds(0, RPT)])
    pltpu.sync_copy(zrow_v.at[pl.ds(0, RPT)],
                    out_hbm.at[pl.ds(obase + NPAD + r0, RPT)])


def _degrees(src3, dst3):
    fn = pl.kernel(
        _deg_body,
        out_type=jax.ShapeDtypeStruct((NC * 2 * NPAD,), F32),
        mesh=_MESH,
        scratch_types=[
            pltpu.VMEM((NCHUNK, K), jnp.int32),
            pltpu.VMEM((NCHUNK, K), jnp.int32),
            pltpu.VMEM((K,), F32),
            pltpu.VMEM((RPT + 8,), F32),
            pltpu.VMEM_SHARED((NPAD,), F32),
            pltpu.VMEM_SHARED((NPAD,), F32),
            pltpu.SemaphoreType.DMA,
            pltpu.SemaphoreType.DMA,
        ],
    )
    return fn(src3, dst3)


def _mp_body(h_hbm, src_hbm, dst_hbm, out_hbm, sidx_all,
             didx0, didx1, didx2, rows0, rows1, rows2, acc,
             sg0, sg1, sg2, ss0, ss1, ss2, sd0, sd1, sd2):
    c = lax.axis_index("c")
    s = lax.axis_index("s")
    wid = s * NC + c
    didx = (didx0, didx1, didx2)
    rows = (rows0, rows1, rows2)
    sg = (sg0, sg1, sg2)
    ss = (ss0, ss1, ss2)
    sd = (sd0, sd1, sd2)

    ebase = wid * EPT
    r0 = s * RPT

    pltpu.async_copy(src_hbm.at[pl.ds(ebase, EPT)], sidx_all, sg2)

    @pl.loop(0, KM)
    def _(r):
        @pl.loop(0, D, step=16)
        def _(c0):
            rows2[r, pl.ds(c0, 16)] = jnp.zeros((16,), F32)

    pltpu.make_async_copy(src_hbm.at[pl.ds(ebase, EPT)], sidx_all, sg2).wait()

    def dload(j, b):
        pltpu.async_copy(dst_hbm.at[pl.ds(ebase + j * KM, KM)], didx[b], sd[b])

    def dwait(j, b):
        pltpu.make_async_copy(dst_hbm.at[pl.ds(ebase + j * KM, KM)],
                              didx[b], sd[b]).wait()

    def gather(j, b):
        pltpu.async_copy(h_hbm.at[sidx_all.at[pl.ds(j * KM, KM)]], rows[b], sg[b])

    def gwait(j, b):
        pltpu.make_async_copy(h_hbm.at[sidx_all.at[pl.ds(j * KM, KM)]],
                              rows[b], sg[b]).wait()

    for u in range(2):
        dload(u, u)
        gather(u, u)

    @pl.loop(0, RPT // KM)
    def _(t):
        pltpu.sync_copy(rows2, acc.at[pl.ds(r0 + t * KM, KM)])

    pltpu.sync_copy(rows2.at[pl.ds(0, RPT % KM)],
                    acc.at[pl.ds(r0 + (RPT // KM) * KM, RPT % KM)])
    plsc.subcore_barrier()

    @pl.loop(0, (NCHUNKM - 3) // 2)
    def _(t):
        j = 2 * t
        for u in range(2):
            dwait(j + u, u)
            gwait(j + u, u)
            pltpu.sync_copy(rows[u], acc.at[didx[u]], add=True)
            dload(j + 2 + u, u)
            gather(j + 2 + u, u)

    jf = NCHUNKM - 3
    for u in range(2):
        dwait(jf + u, u)
        gwait(jf + u, u)
        pltpu.sync_copy(rows[u], acc.at[didx[u]], add=True)
        if u == 0:
            dload(jf + 2, 0)
            gather(jf + 2, 0)
    dwait(jf + 2, 0)
    gwait(jf + 2, 0)
    pltpu.sync_copy(rows[0], acc.at[didx[0]], add=True)

    plsc.subcore_barrier()
    pltpu.sync_copy(acc.at[pl.ds(r0, RPT)], out_hbm.at[c, pl.ds(r0, RPT)])


def _message_pass(h, src1, dst1):
    fn = pl.kernel(
        _mp_body,
        out_type=jax.ShapeDtypeStruct((NC, NPAD, D), F32),
        mesh=_MESH,
        scratch_types=[
            pltpu.VMEM((EPT,), jnp.int32),
            pltpu.VMEM((KM,), jnp.int32),
            pltpu.VMEM((KM,), jnp.int32),
            pltpu.VMEM((KM,), jnp.int32),
            pltpu.VMEM((KM, D), F32),
            pltpu.VMEM((KM, D), F32),
            pltpu.VMEM((KM, D), F32),
            pltpu.VMEM_SHARED((NPAD, D), F32),
        ] + [pltpu.SemaphoreType.DMA] * 9,
    )
    return fn(h, src1, dst1)



def _ns_of(d_ref):
    return 1.0 / jnp.sqrt(jnp.maximum(d_ref[0, 0] + d_ref[1, 0], 1.0))


def _mm_first(x, degp, w):
    def body(x_ref, d_ref, w_ref, o_ref):
        o_ref[...] = lax.dot_general(
            x_ref[...] * _ns_of(d_ref), w_ref[...],
            (((1,), (0,)), ((), ())), preferred_element_type=F32)

    return pl.pallas_call(
        body,
        grid=(N // BM,),
        in_specs=[
            pl.BlockSpec((BM, x.shape[1]), lambda i: (i, 0)),
            pl.BlockSpec((NC, 2, BM, 1), lambda i: (0, 0, i, 0)),
            pl.BlockSpec(w.shape, lambda i: (0, 0)),
        ],
        out_specs=pl.BlockSpec((BM, w.shape[1]), lambda i: (i, 0)),
        out_shape=jax.ShapeDtypeStruct((NPAD, w.shape[1]), F32),
    )(x, degp, w)


def _mm_mid(p, degp, b, w):
    din = p.shape[2]

    def body(p_ref, d_ref, b_ref, w_ref, o_ref):
        nd = 1.0 / jnp.sqrt(jnp.maximum(d_ref[0, 1] + d_ref[1, 1], 1.0))
        h = (p_ref[0] + p_ref[1]) * nd + b_ref[...]
        h = jnp.maximum(h, 0.0)
        o_ref[...] = lax.dot_general(
            h * _ns_of(d_ref), w_ref[...],
            (((1,), (0,)), ((), ())), preferred_element_type=F32)

    return pl.pallas_call(
        body,
        grid=(N // BM,),
        in_specs=[
            pl.BlockSpec((NC, BM, din), lambda i: (0, i, 0)),
            pl.BlockSpec((NC, 2, BM, 1), lambda i: (0, 0, i, 0)),
            pl.BlockSpec((1, din), lambda i: (0, 0)),
            pl.BlockSpec(w.shape, lambda i: (0, 0)),
        ],
        out_specs=pl.BlockSpec((BM, w.shape[1]), lambda i: (i, 0)),
        out_shape=jax.ShapeDtypeStruct((NPAD, w.shape[1]), F32),
    )(p, degp, b, w)


def _final(p, degp, b):
    dout = p.shape[2]

    def body(p_ref, d_ref, b_ref, o_ref):
        nd = 1.0 / jnp.sqrt(jnp.maximum(d_ref[0, 1] + d_ref[1, 1], 1.0))
        v = (p_ref[0] + p_ref[1]) * nd + b_ref[...]
        o_ref[...] = v[:, :40]

    return pl.pallas_call(
        body,
        grid=(N // BM,),
        in_specs=[
            pl.BlockSpec((NC, BM, dout), lambda i: (0, i, 0)),
            pl.BlockSpec((NC, 2, BM, 1), lambda i: (0, 0, i, 0)),
            pl.BlockSpec((1, dout), lambda i: (0, 0)),
        ],
        out_specs=pl.BlockSpec((BM, 40), lambda i: (i, 0)),
        out_shape=jax.ShapeDtypeStruct((N, 40), F32),
    )(p, degp, b)



def kernel(features, edge_index, W0, b0, W1, b1, W2, b2):
    ei = edge_index.reshape(2, NW, EPT)
    pad = jnp.broadcast_to((N + jnp.arange(NW, dtype=jnp.int32))[None, :, None],
                           (2, NW, EPTP - EPT))
    eip = jnp.concatenate([ei, pad], axis=2)
    src3 = eip[0].reshape(NW, NCHUNK, K)
    dst3 = eip[1].reshape(NW, NCHUNK, K)
    src1 = edge_index[0]
    dst1 = edge_index[1]

    w2p = jnp.pad(W2, ((0, 0), (0, 88)))
    b2p = jnp.pad(b2, (0, 88))

    degp = _degrees(src3, dst3)
    degp4 = degp.reshape(NC, 2, NPAD, 1)

    h0 = _mm_first(features, degp4, W0)
    p0 = _message_pass(h0, src1, dst1)
    h1 = _mm_mid(p0, degp4, b0.reshape(1, -1), W1)
    p1 = _message_pass(h1, src1, dst1)
    h2 = _mm_mid(p1, degp4, b1.reshape(1, -1), w2p)
    p2 = _message_pass(h2, src1, dst1)
    return _final(p2, degp4, b2p.reshape(1, -1))

# --- scband reference (transcript-rebuilt; emitter-appended) ---
"""Pipeline reference for scband-gcn-5789615915633 (READ-ONLY COPY).

The authoritative reference and input builder live on the scoring server;
editing this copy changes nothing except your own understanding.
"""

import jax, jax.numpy as jnp
import numpy as np

N = 10000
E = 320000
D_IN = 128
D_HID = 128
N_CLASSES = 40


def setup_inputs(seed: int = 0) -> dict:
    key = jax.random.key(seed)
    ks = jax.random.split(key, 9)
    features = jax.random.normal(ks[0], (N, D_IN), dtype=jnp.float32)
    edge_index = jax.random.randint(ks[1], (2, E), 0, N, dtype=jnp.int32)
    s = 1.0 / np.sqrt(D_IN)
    W0 = jax.random.uniform(ks[2], (D_IN, D_HID), minval=-s, maxval=s, dtype=jnp.float32)
    b0 = jnp.zeros((D_HID,), dtype=jnp.float32)
    W1 = jax.random.uniform(ks[3], (D_HID, D_HID), minval=-s, maxval=s, dtype=jnp.float32)
    b1 = jnp.zeros((D_HID,), dtype=jnp.float32)
    W2 = jax.random.uniform(ks[4], (D_HID, N_CLASSES), minval=-s, maxval=s, dtype=jnp.float32)
    b2 = jnp.zeros((N_CLASSES,), dtype=jnp.float32)
    return {"features": features, "edge_index": edge_index, "W0": W0, "b0": b0, "W1": W1, "b1": b1, "W2": W2, "b2": b2}


def reference(features, edge_index, W0, b0, W1, b1, W2, b2):
    # DGL-style GraphConv with norm='both': h' = D_in^{-1/2} A D_out^{-1/2} X W + b
    src = edge_index[0]
    dst = edge_index[1]
    ones_e = jnp.ones((E,), dtype=jnp.float32)
    deg_out = jax.ops.segment_sum(ones_e, src, num_segments=N)
    deg_in = jax.ops.segment_sum(ones_e, dst, num_segments=N)
    norm_src = 1.0 / jnp.sqrt(jnp.maximum(deg_out, 1.0))
    norm_dst = 1.0 / jnp.sqrt(jnp.maximum(deg_in, 1.0))

    def layer(h, W, b, act):
        h = h * norm_src[:, None]
        h = h @ W
        msg = h[src]  # gather per-edge
        agg = jax.ops.segment_sum(msg, dst, num_segments=N)  # scatter-add
        agg = agg * norm_dst[:, None] + b
        return jax.nn.relu(agg) if act else agg

    # dropout is identity in eval mode
    h = layer(features, W0, b0, True)
    h = layer(h, W1, b1, True)
    h = layer(h, W2, b2, False)
    return h

if __name__ == "__main__":
    import jax
    _d = setup_inputs()
    print(jax.jit(kernel)(*tuple(_d.values())))

</pallas_src>

<mosaic_0001>
#map = affine_map<(d0, d1) -> (0, 0)>
#map1 = affine_map<(d0, d1) -> (0)>
#map2 = affine_map<(d0, d1) -> (0, 0, 0)>
module attributes {stable_mosaic.version = 14 : i64} {
  func.func @_mp_body(%arg0: i32, %arg1: i32, %arg2: memref<10112x128xf32, #tpu.memory_space<hbm>>, %arg3: memref<320000xi32, #tpu.memory_space<hbm>>, %arg4: memref<320000xi32, #tpu.memory_space<hbm>>, %arg5: memref<2x10112x128xf32, #tpu.memory_space<hbm>>, %arg6: memref<10000xi32, #tpu.memory_space<vmem>>, %arg7: memref<80xi32, #tpu.memory_space<vmem>>, %arg8: memref<80xi32, #tpu.memory_space<vmem>>, %arg9: memref<80xi32, #tpu.memory_space<vmem>>, %arg10: memref<80x128xf32, #tpu.memory_space<vmem>>, %arg11: memref<80x128xf32, #tpu.memory_space<vmem>>, %arg12: memref<80x128xf32, #tpu.memory_space<vmem>>, %arg13: memref<10112x128xf32, #tpu.memory_space<vmem_shared>>, %arg14: memref<!tpu.dma_semaphore, #tpu.memory_space<semaphore_mem>>, %arg15: memref<!tpu.dma_semaphore, #tpu.memory_space<semaphore_mem>>, %arg16: memref<!tpu.dma_semaphore, #tpu.memory_space<semaphore_mem>>, %arg17: memref<!tpu.dma_semaphore, #tpu.memory_space<semaphore_mem>>, %arg18: memref<!tpu.dma_semaphore, #tpu.memory_space<semaphore_mem>>, %arg19: memref<!tpu.dma_semaphore, #tpu.memory_space<semaphore_mem>>, %arg20: memref<!tpu.dma_semaphore, #tpu.memory_space<semaphore_mem>>, %arg21: memref<!tpu.dma_semaphore, #tpu.memory_space<semaphore_mem>>, %arg22: memref<!tpu.dma_semaphore, #tpu.memory_space<semaphore_mem>>) attributes {dimension_semantics = [#tpu.dimension_semantics<core_parallel>, #tpu.dimension_semantics<subcore_parallel>], iteration_bounds = array<i64: 2, 16>, scalar_prefetch = 0 : i64, scratch_operands = 17 : i64, tpu.core_type = #tpu.core_type<sc_vector_subcore>, window_params = [{transform_indices = #map}, {transform_indices = #map1}, {transform_indices = #map1}, {transform_indices = #map2}]} {
    %mul3A = arith.constant 2 : i32
    %mul3A_0 = arith.muli %arg1, %mul3A : i32
    %add3A = arith.addi %mul3A_0, %arg0 : i32
    %mul3A_1 = arith.constant 10000 : i32
    %mul3A_2 = arith.muli %add3A, %mul3A_1 : i32
    %mul3A_3 = arith.constant 632 : i32
    %mul3A_4 = arith.muli %arg1, %mul3A_3 : i32
    %dma_start3A = tpu.memref_slice %arg3[%mul3A_2] : memref<320000xi32, #tpu.memory_space<hbm>> -> memref<10000xi32, #tpu.memory_space<hbm>>
    %dma_start3A_5 = tpu.memref_slice %arg3[%mul3A_2] : memref<320000xi32, #tpu.memory_space<hbm>> -> memref<10000xi32, #tpu.memory_space<hbm>>
    tpu.enqueue_dma source(%dma_start3A_5 : memref<10000xi32, #tpu.memory_space<hbm>>) target(%arg6 : memref<10000xi32, #tpu.memory_space<vmem>>) target_semaphore(%arg16 : memref<!tpu.dma_semaphore, #tpu.memory_space<semaphore_mem>>)
    %scan3A = arith.constant 0 : i32
    %scan3A_6 = arith.constant 80 : i32
    %scan3A_7 = arith.addi %scan3A, %scan3A_6 : i32
    %scan3A_8 = arith.constant 1 : i32
    scf.for %scan3A_78 = %scan3A to %scan3A_7 step %scan3A_8  : i32 {
      %mul3A_79 = arith.constant 1 : i32
      %mul3A_80 = arith.muli %scan3A_78, %mul3A_79 : i32
      %add3A_81 = arith.constant 0 : i32
      %add3A_82 = arith.addi %add3A_81, %mul3A_80 : i32
      %scan3A_83 = arith.constant 0 : i32
      %scan3A_84 = arith.constant 8 : i32
      %scan3A_85 = arith.addi %scan3A_83, %scan3A_84 : i32
      %scan3A_86 = arith.constant 1 : i32
      scf.for %scan3A_88 = %scan3A_83 to %scan3A_85 step %scan3A_86  : i32 {
        %mul3A_89 = arith.constant 16 : i32
        %mul3A_90 = arith.muli %scan3A_88, %mul3A_89 : i32
        %add3A_91 = arith.constant 0 : i32
        %add3A_92 = arith.addi %add3A_91, %mul3A_90 : i32
        %broadcast_in_dim3A = arith.constant 0.000000e+00 : f32
        %broadcast_in_dim3A_93 = vector.broadcast %broadcast_in_dim3A : f32 to vector<16xf32>
        %swap3A = arith.index_cast %add3A_82 : i32 to index
        %swap3A_94 = arith.index_cast %add3A_92 : i32 to index
        %swap3A_95 = tpu.vector_load %arg12[%swap3A, %swap3A_94] {strides = array<i32>} : memref<80x128xf32, #tpu.memory_space<vmem>>, vector<1x16xf32>,
        %swap3A_96 = vector.shape_cast %swap3A_95 : vector<1x16xf32> to vector<16xf32>
        %swap3A_97 = vector.shape_cast %broadcast_in_dim3A_93 : vector<16xf32> to vector<1x16xf32>
        tpu.vector_store %arg12[%swap3A, %swap3A_94], %swap3A_97 {strides = array<i32>} : memref<80x128xf32, #tpu.memory_space<vmem>>, vector<1x16xf32>,
      }
      %scan3A_87 = arith.constant 8 : i32
    }
    %scan3A_9 = arith.constant 80 : i32
    %dma_wait3A = tpu.memref_slice %arg3[%mul3A_2] : memref<320000xi32, #tpu.memory_space<hbm>> -> memref<10000xi32, #tpu.memory_space<hbm>>
    %dma_wait3A_10 = tpu.memref_slice %arg3[%mul3A_2] : memref<320000xi32, #tpu.memory_space<hbm>> -> memref<10000xi32, #tpu.memory_space<hbm>>
    tpu.wait_dma2 semaphore(%arg16 : memref<!tpu.dma_semaphore, #tpu.memory_space<semaphore_mem>>) src(%dma_wait3A_10 : memref<10000xi32, #tpu.memory_space<hbm>>) dst(%arg6 : memref<10000xi32, #tpu.memory_space<vmem>>)
    %add3A_11 = arith.constant 0 : i32
    %add3A_12 = arith.addi %mul3A_2, %add3A_11 : i32
    %dma_start3A_13 = tpu.memref_slice %arg4[%add3A_12] : memref<320000xi32, #tpu.memory_space<hbm>> -> memref<80xi32, #tpu.memory_space<hbm>>
    %dma_start3A_14 = tpu.memref_slice %arg4[%add3A_12] : memref<320000xi32, #tpu.memory_space<hbm>> -> memref<80xi32, #tpu.memory_space<hbm>>
    tpu.enqueue_dma source(%dma_start3A_14 : memref<80xi32, #tpu.memory_space<hbm>>) target(%arg7 : memref<80xi32, #tpu.memory_space<vmem>>) target_semaphore(%arg20 : memref<!tpu.dma_semaphore, #tpu.memory_space<semaphore_mem>>)
    %dma_start3A_15 = arith.constant 0 : i32
    %dma_start3A_16 = tpu.memref_slice %arg6[%dma_start3A_15] : memref<10000xi32, #tpu.memory_space<vmem>> -> memref<80xi32, #tpu.memory_space<vmem>>
    %dma_start3A_17 = arith.constant 0 : i32
    %dma_start3A_18 = arith.constant 0 : i32
    %dma_start3A_19 = tpu.memref_slice %arg2[%dma_start3A_17, %dma_start3A_18] : memref<10112x128xf32, #tpu.memory_space<hbm>> -> memref<10112x128xf32, #tpu.memory_space<hbm>>
    tpu.enqueue_indirect_dma source(%dma_start3A_19 : memref<10112x128xf32, #tpu.memory_space<hbm>>) target(%arg10 : memref<80x128xf32, #tpu.memory_space<vmem>>) offsets(%dma_start3A_16 : memref<80xi32, #tpu.memory_space<vmem>>) semaphore(%arg14 : memref<!tpu.dma_semaphore, #tpu.memory_space<semaphore_mem>>)
    %add3A_20 = arith.constant 80 : i32
    %add3A_21 = arith.addi %mul3A_2, %add3A_20 : i32
    %dma_start3A_22 = tpu.memref_slice %arg4[%add3A_21] : memref<320000xi32, #tpu.memory_space<hbm>> -> memref<80xi32, #tpu.memory_space<hbm>>
    %dma_start3A_23 = tpu.memref_slice %arg4[%add3A_21] : memref<320000xi32, #tpu.memory_space<hbm>> -> memref<80xi32, #tpu.memory_space<hbm>>
    tpu.enqueue_dma source(%dma_start3A_23 : memref<80xi32, #tpu.memory_space<hbm>>) target(%arg8 : memref<80xi32, #tpu.memory_space<vmem>>) target_semaphore(%arg21 : memref<!tpu.dma_semaphore, #tpu.memory_space<semaphore_mem>>)
    %dma_start3A_24 = arith.constant 80 : i32
    %dma_start3A_25 = tpu.memref_slice %arg6[%dma_start3A_24] : memref<10000xi32, #tpu.memory_space<vmem>> -> memref<80xi32, #tpu.memory_space<vmem>>
    %dma_start3A_26 = arith.constant 0 : i32
    %dma_start3A_27 = arith.constant 0 : i32
    %dma_start3A_28 = tpu.memref_slice %arg2[%dma_start3A_26, %dma_start3A_27] : memref<10112x128xf32, #tpu.memory_space<hbm>> -> memref<10112x128xf32, #tpu.memory_space<hbm>>
    tpu.enqueue_indirect_dma source(%dma_start3A_28 : memref<10112x128xf32, #tpu.memory_space<hbm>>) target(%arg11 : memref<80x128xf32, #tpu.memory_space<vmem>>) offsets(%dma_start3A_25 : memref<80xi32, #tpu.memory_space<vmem>>) semaphore(%arg15 : memref<!tpu.dma_semaphore, #tpu.memory_space<semaphore_mem>>)
    %scan3A_29 = arith.constant 0 : i32
    %scan3A_30 = arith.constant 7 : i32
    %scan3A_31 = arith.addi %scan3A_29, %scan3A_30 : i32
    %scan3A_32 = arith.constant 1 : i32
    scf.for %scan3A_78 = %scan3A_29 to %scan3A_31 step %scan3A_32  : i32 {
      %mul3A_79 = arith.constant 1 : i32
      %mul3A_80 = arith.muli %scan3A_78, %mul3A_79 : i32
      %add3A_81 = arith.constant 0 : i32
      %add3A_82 = arith.addi %add3A_81, %mul3A_80 : i32
      %mul3A_83 = arith.constant 80 : i32
      %mul3A_84 = arith.muli %add3A_82, %mul3A_83 : i32
      %add3A_85 = arith.addi %mul3A_4, %mul3A_84 : i32
      "tpu.region"() ({
        %run_scoped3A = tpu.sem_alloc : memref<!tpu.dma_semaphore, #tpu.memory_space<semaphore_mem>>
        %dma_start3A_86 = arith.constant 0 : i32
        %dma_start3A_87 = tpu.memref_slice %arg13[%add3A_85, %dma_start3A_86] : memref<10112x128xf32, #tpu.memory_space<vmem_shared>> -> memref<80x128xf32, #tpu.memory_space<vmem_shared>>
        %dma_start3A_88 = arith.constant 0 : i32
        %dma_start3A_89 = tpu.memref_slice %arg13[%add3A_85, %dma_start3A_88] : memref<10112x128xf32, #tpu.memory_space<vmem_shared>> -> memref<80x128xf32, #tpu.memory_space<vmem_shared>>
        tpu.enqueue_dma source(%arg12 : memref<80x128xf32, #tpu.memory_space<vmem>>) target(%dma_start3A_89 : memref<80x128xf32, #tpu.memory_space<vmem_shared>>) target_semaphore(%run_scoped3A : memref<!tpu.dma_semaphore, #tpu.memory_space<semaphore_mem>>)
        %dma_wait3A_90 = arith.constant 0 : i32
        %dma_wait3A_91 = tpu.memref_slice %arg13[%add3A_85, %dma_wait3A_90] : memref<10112x128xf32, #tpu.memory_space<vmem_shared>> -> memref<80x128xf32, #tpu.memory_space<vmem_shared>>
        %dma_wait3A_92 = arith.constant 0 : i32
        %dma_wait3A_93 = tpu.memref_slice %arg13[%add3A_85, %dma_wait3A_92] : memref<10112x128xf32, #tpu.memory_space<vmem_shared>> -> memref<80x128xf32, #tpu.memory_space<vmem_shared>>
        tpu.wait_dma2 semaphore(%run_scoped3A : memref<!tpu.dma_semaphore, #tpu.memory_space<semaphore_mem>>) src(%arg12 : memref<80x128xf32, #tpu.memory_space<vmem>>) dst(%dma_wait3A_93 : memref<80x128xf32, #tpu.memory_space<vmem_shared>>)
        tpu.yield
      }) : () -> ()
    }
    %scan3A_33 = arith.constant 7 : i32
    %add3A_34 = arith.constant 560 : i32
    %add3A_35 = arith.addi %mul3A_4, %add3A_34 : i32
    "tpu.region"() ({
      %run_scoped3A = tpu.sem_alloc : memref<!tpu.dma_semaphore, #tpu.memory_space<semaphore_mem>>
      %dma_start3A_78 = arith.constant 0 : i32
      %dma_start3A_79 = arith.constant 0 : i32
      %dma_start3A_80 = tpu.memref_slice %arg12[%dma_start3A_78, %dma_start3A_79] : memref<80x128xf32, #tpu.memory_space<vmem>> -> memref<72x128xf32, #tpu.memory_space<vmem>>
      %dma_start3A_81 = arith.constant 0 : i32
      %dma_start3A_82 = tpu.memref_slice %arg13[%add3A_35, %dma_start3A_81] : memref<10112x128xf32, #tpu.memory_space<vmem_shared>> -> memref<72x128xf32, #tpu.memory_space<vmem_shared>>
      %dma_start3A_83 = arith.constant 0 : i32
      %dma_start3A_84 = tpu.memref_slice %arg13[%add3A_35, %dma_start3A_83] : memref<10112x128xf32, #tpu.memory_space<vmem_shared>> -> memref<72x128xf32, #tpu.memory_space<vmem_shared>>
      %dma_start3A_85 = arith.constant 0 : i32
      %dma_start3A_86 = arith.constant 0 : i32
      %dma_start3A_87 = tpu.memref_slice %arg12[%dma_start3A_85, %dma_start3A_86] : memref<80x128xf32, #tpu.memory_space<vmem>> -> memref<72x128xf32, #tpu.memory_space<vmem>>
      tpu.enqueue_dma source(%dma_start3A_87 : memref<72x128xf32, #tpu.memory_space<vmem>>) target(%dma_start3A_84 : memref<72x128xf32, #tpu.memory_space<vmem_shared>>) target_semaphore(%run_scoped3A : memref<!tpu.dma_semaphore, #tpu.memory_space<semaphore_mem>>)
      %dma_wait3A_88 = arith.constant 0 : i32
      %dma_wait3A_89 = arith.constant 0 : i32
      %dma_wait3A_90 = tpu.memref_slice %arg12[%dma_wait3A_88, %dma_wait3A_89] : memref<80x128xf32, #tpu.memory_space<vmem>> -> memref<72x128xf32, #tpu.memory_space<vmem>>
      %dma_wait3A_91 = arith.constant 0 : i32
      %dma_wait3A_92 = tpu.memref_slice %arg13[%add3A_35, %dma_wait3A_91] : memref<10112x128xf32, #tpu.memory_space<vmem_shared>> -> memref<72x128xf32, #tpu.memory_space<vmem_shared>>
      %dma_wait3A_93 = arith.constant 0 : i32
      %dma_wait3A_94 = tpu.memref_slice %arg13[%add3A_35, %dma_wait3A_93] : memref<10112x128xf32, #tpu.memory_space<vmem_shared>> -> memref<72x128xf32, #tpu.memory_space<vmem_shared>>
      %dma_wait3A_95 = arith.constant 0 : i32
      %dma_wait3A_96 = arith.constant 0 : i32
      %dma_wait3A_97 = tpu.memref_slice %arg12[%dma_wait3A_95, %dma_wait3A_96] : memref<80x128xf32, #tpu.memory_space<vmem>> -> memref<72x128xf32, #tpu.memory_space<vmem>>
      tpu.wait_dma2 semaphore(%run_scoped3A : memref<!tpu.dma_semaphore, #tpu.memory_space<semaphore_mem>>) src(%dma_wait3A_97 : memref<72x128xf32, #tpu.memory_space<vmem>>) dst(%dma_wait3A_94 : memref<72x128xf32, #tpu.memory_space<vmem_shared>>)
      tpu.yield
    }) : () -> ()
    %barrier3A = arith.constant 0 : index
    tpu.barrier barrier_id(%barrier3A)
    %scan3A_36 = arith.constant 0 : i32
    %scan3A_37 = arith.constant 61 : i32
    %scan3A_38 = arith.addi %scan3A_36, %scan3A_37 : i32
    %scan3A_39 = arith.constant 1 : i32
    scf.for %scan3A_78 = %scan3A_36 to %scan3A_38 step %scan3A_39  : i32 {
      %mul3A_79 = arith.constant 1 : i32
      %mul3A_80 = arith.muli %scan3A_78, %mul3A_79 : i32
      %add3A_81 = arith.constant 0 : i32
      %add3A_82 = arith.addi %add3A_81, %mul3A_80 : i32
      %mul3A_83 = arith.constant 2 : i32
      %mul3A_84 = arith.muli %mul3A_83, %add3A_82 : i32
      %add3A_85 = arith.constant 0 : i32
      %add3A_86 = arith.addi %mul3A_84, %add3A_85 : i32
      %mul3A_87 = arith.constant 80 : i32
      %mul3A_88 = arith.muli %add3A_86, %mul3A_87 : i32
      %add3A_89 = arith.addi %mul3A_2, %mul3A_88 : i32
      %dma_wait3A_90 = tpu.memref_slice %arg4[%add3A_89] : memref<320000xi32, #tpu.memory_space<hbm>> -> memref<80xi32, #tpu.memory_space<hbm>>
      %dma_wait3A_91 = tpu.memref_slice %arg4[%add3A_89] : memref<320000xi32, #tpu.memory_space<hbm>> -> memref<80xi32, #tpu.memory_space<hbm>>
      tpu.wait_dma2 semaphore(%arg20 : memref<!tpu.dma_semaphore, #tpu.memory_space<semaphore_mem>>) src(%dma_wait3A_91 : memref<80xi32, #tpu.memory_space<hbm>>) dst(%arg7 : memref<80xi32, #tpu.memory_space<vmem>>)
      %add3A_92 = arith.constant 0 : i32
      %add3A_93 = arith.addi %mul3A_84, %add3A_92 : i32
      %mul3A_94 = arith.constant 80 : i32
      %mul3A_95 = arith.muli %add3A_93, %mul3A_94 : i32
      %dma_wait3A_96 = tpu.memref_slice %arg6[%mul3A_95] : memref<10000xi32, #tpu.memory_space<vmem>> -> memref<80xi32, #tpu.memory_space<vmem>>
      %dma_wait3A_97 = arith.constant 0 : i32
      %dma_wait3A_98 = arith.constant 0 : i32
      %dma_wait3A_99 = tpu.memref_slice %arg2[%dma_wait3A_97, %dma_wait3A_98] : memref<10112x128xf32, #tpu.memory_space<hbm>> -> memref<10112x128xf32, #tpu.memory_space<hbm>>
      tpu.wait_indirect_dma semaphore(%arg14 : memref<!tpu.dma_semaphore, #tpu.memory_space<semaphore_mem>>) src(%dma_wait3A_99 : memref<10112x128xf32, #tpu.memory_space<hbm>>) dst(%arg10 : memref<80x128xf32, #tpu.memory_space<vmem>>)
      "tpu.region"() ({
        %run_scoped3A = tpu.sem_alloc : memref<!tpu.dma_semaphore, #tpu.memory_space<semaphore_mem>>
        %dma_start3A_153 = arith.constant 0 : i32
        %dma_start3A_154 = arith.constant 0 : i32
        %dma_start3A_155 = tpu.memref_slice %arg13[%dma_start3A_153, %dma_start3A_154] : memref<10112x128xf32, #tpu.memory_space<vmem_shared>> -> memref<10112x128xf32, #tpu.memory_space<vmem_shared>>
        tpu.enqueue_indirect_dma source(%arg10 : memref<80x128xf32, #tpu.memory_space<vmem>>) target(%dma_start3A_155 : memref<10112x128xf32, #tpu.memory_space<vmem_shared>>) offsets(%arg7 : memref<80xi32, #tpu.memory_space<vmem>>) semaphore(%run_scoped3A : memref<!tpu.dma_semaphore, #tpu.memory_space<semaphore_mem>>) {add = true}
        %dma_wait3A_156 = arith.constant 0 : i32
        %dma_wait3A_157 = arith.constant 0 : i32
        %dma_wait3A_158 = tpu.memref_slice %arg13[%dma_wait3A_156, %dma_wait3A_157] : memref<10112x128xf32, #tpu.memory_space<vmem_shared>> -> memref<10112x128xf32, #tpu.memory_space<vmem_shared>>
        tpu.wait_indirect_dma semaphore(%run_scoped3A : memref<!tpu.dma_semaphore, #tpu.memory_space<semaphore_mem>>) src(%arg10 : memref<80x128xf32, #tpu.memory_space<vmem>>) dst(%dma_wait3A_158 : memref<10112x128xf32, #tpu.memory_space<vmem_shared>>)
        tpu.yield
      }) : () -> ()
      %add3A_100 = arith.constant 2 : i32
      %add3A_101 = arith.addi %mul3A_84, %add3A_100 : i32
      %add3A_102 = arith.constant 0 : i32
      %add3A_103 = arith.addi %add3A_101, %add3A_102 : i32
      %mul3A_104 = arith.constant 80 : i32
      %mul3A_105 = arith.muli %add3A_103, %mul3A_104 : i32
      %add3A_106 = arith.addi %mul3A_2, %mul3A_105 : i32
      %dma_start3A_107 = tpu.memref_slice %arg4[%add3A_106] : memref<320000xi32, #tpu.memory_space<hbm>> -> memref<80xi32, #tpu.memory_space<hbm>>
      %dma_start3A_108 = tpu.memref_slice %arg4[%add3A_106] : memref<320000xi32, #tpu.memory_space<hbm>> -> memref<80xi32, #tpu.memory_space<hbm>>
      tpu.enqueue_dma source(%dma_start3A_108 : memref<80xi32, #tpu.memory_space<hbm>>) target(%arg7 : memref<80xi32, #tpu.memory_space<vmem>>) target_semaphore(%arg20 : memref<!tpu.dma_semaphore, #tpu.memory_space<semaphore_mem>>)
      %add3A_109 = arith.constant 2 : i32
      %add3A_110 = arith.addi %mul3A_84, %add3A_109 : i32
      %add3A_111 = arith.constant 0 : i32
      %add3A_112 = arith.addi %add3A_110, %add3A_111 : i32
      %mul3A_113 = arith.constant 80 : i32
      %mul3A_114 = arith.muli %add3A_112, %mul3A_113 : i32
      %dma_start3A_115 = tpu.memref_slice %arg6[%mul3A_114] : memref<10000xi32, #tpu.memory_space<vmem>> -> memref<80xi32, #tpu.memory_space<vmem>>
      %dma_start3A_116 = arith.constant 0 : i32
      %dma_start3A_117 = arith.constant 0 : i32
      %dma_start3A_118 = tpu.memref_slice %arg2[%dma_start3A_116, %dma_start3A_117] : memref<10112x128xf32, #tpu.memory_space<hbm>> -> memref<10112x128xf32, #tpu.memory_space<hbm>>
      tpu.enqueue_indirect_dma source(%dma_start3A_118 : memref<10112x128xf32, #tpu.memory_space<hbm>>) target(%arg10 : memref<80x128xf32, #tpu.memory_space<vmem>>) offsets(%dma_start3A_115 : memref<80xi32, #tpu.memory_space<vmem>>) semaphore(%arg14 : memref<!tpu.dma_semaphore, #tpu.memory_space<semaphore_mem>>)
      %add3A_119 = arith.constant 1 : i32
      %add3A_120 = arith.addi %mul3A_84, %add3A_119 : i32
      %mul3A_121 = arith.constant 80 : i32
      %mul3A_122 = arith.muli %add3A_120, %mul3A_121 : i32
      %add3A_123 = arith.addi %mul3A_2, %mul3A_122 : i32
      %dma_wait3A_124 = tpu.memref_slice %arg4[%add3A_123] : memref<320000xi32, #tpu.memory_space<hbm>> -> memref<80xi32, #tpu.memory_space<hbm>>
      %dma_wait3A_125 = tpu.memref_slice %arg4[%add3A_123] : memref<320000xi32, #tpu.memory_space<hbm>> -> memref<80xi32, #tpu.memory_space<hbm>>
      tpu.wait_dma2 semaphore(%arg21 : memref<!tpu.dma_semaphore, #tpu.memory_space<semaphore_mem>>) src(%dma_wait3A_125 : memref<80xi32, #tpu.memory_space<hbm>>) dst(%arg8 : memref<80xi32, #tpu.memory_space<vmem>>)
      %add3A_126 = arith.constant 1 : i32
      %add3A_127 = arith.addi %mul3A_84, %add3A_126 : i32
      %mul3A_128 = arith.constant 80 : i32
      %mul3A_129 = arith.muli %add3A_127, %mul3A_128 : i32
      %dma_wait3A_130 = tpu.memref_slice %arg6[%mul3A_129] : memref<10000xi32, #tpu.memory_space<vmem>> -> memref<80xi32, #tpu.memory_space<vmem>>
      %dma_wait3A_131 = arith.constant 0 : i32
      %dma_wait3A_132 = arith.constant 0 : i32
      %dma_wait3A_133 = tpu.memref_slice %arg2[%dma_wait3A_131, %dma_wait3A_132] : memref<10112x128xf32, #tpu.memory_space<hbm>> -> memref<10112x128xf32, #tpu.memory_space<hbm>>
      tpu.wait_indirect_dma semaphore(%arg15 : memref<!tpu.dma_semaphore, #tpu.memory_space<semaphore_mem>>) src(%dma_wait3A_133 : memref<10112x128xf32, #tpu.memory_space<hbm>>) dst(%arg11 : memref<80x128xf32, #tpu.memory_space<vmem>>)
      "tpu.region"() ({
        %run_scoped3A = tpu.sem_alloc : memref<!tpu.dma_semaphore, #tpu.memory_space<semaphore_mem>>
        %dma_start3A_153 = arith.constant 0 : i32
        %dma_start3A_154 = arith.constant 0 : i32
        %dma_start3A_155 = tpu.memref_slice %arg13[%dma_start3A_153, %dma_start3A_154] : memref<10112x128xf32, #tpu.memory_space<vmem_shared>> -> memref<10112x128xf32, #tpu.memory_space<vmem_shared>>
        tpu.enqueue_indirect_dma source(%arg11 : memref<80x128xf32, #tpu.memory_space<vmem>>) target(%dma_start3A_155 : memref<10112x128xf32, #tpu.memory_space<vmem_shared>>) offsets(%arg8 : memref<80xi32, #tpu.memory_space<vmem>>) semaphore(%run_scoped3A : memref<!tpu.dma_semaphore, #tpu.memory_space<semaphore_mem>>) {add = true}
        %dma_wait3A_156 = arith.constant 0 : i32
        %dma_wait3A_157 = arith.constant 0 : i32
        %dma_wait3A_158 = tpu.memref_slice %arg13[%dma_wait3A_156, %dma_wait3A_157] : memref<10112x128xf32, #tpu.memory_space<vmem_shared>> -> memref<10112x128xf32, #tpu.memory_space<vmem_shared>>
        tpu.wait_indirect_dma semaphore(%run_scoped3A : memref<!tpu.dma_semaphore, #tpu.memory_space<semaphore_mem>>) src(%arg11 : memref<80x128xf32, #tpu.memory_space<vmem>>) dst(%dma_wait3A_158 : memref<10112x128xf32, #tpu.memory_space<vmem_shared>>)
        tpu.yield
      }) : () -> ()
      %add3A_134 = arith.constant 2 : i32
      %add3A_135 = arith.addi %mul3A_84, %add3A_134 : i32
      %add3A_136 = arith.constant 1 : i32
      %add3A_137 = arith.addi %add3A_135, %add3A_136 : i32
      %mul3A_138 = arith.constant 80 : i32
      %mul3A_139 = arith.muli %add3A_137, %mul3A_138 : i32
      %add3A_140 = arith.addi %mul3A_2, %mul3A_139 : i32
      %dma_start3A_141 = tpu.memref_slice %arg4[%add3A_140] : memref<320000xi32, #tpu.memory_space<hbm>> -> memref<80xi32, #tpu.memory_space<hbm>>
      %dma_start3A_142 = tpu.memref_slice %arg4[%add3A_140] : memref<320000xi32, #tpu.memory_space<hbm>> -> memref<80xi32, #tpu.memory_space<hbm>>
      tpu.enqueue_dma source(%dma_start3A_142 : memref<80xi32, #tpu.memory_space<hbm>>) target(%arg8 : memref<80xi32, #tpu.memory_space<vmem>>) target_semaphore(%arg21 : memref<!tpu.dma_semaphore, #tpu.memory_space<semaphore_mem>>)
      %add3A_143 = arith.constant 2 : i32
      %add3A_144 = arith.addi %mul3A_84, %add3A_143 : i32
      %add3A_145 = arith.constant 1 : i32
      %add3A_146 = arith.addi %add3A_144, %add3A_145 : i32
      %mul3A_147 = arith.constant 80 : i32
      %mul3A_148 = arith.muli %add3A_146, %mul3A_147 : i32
      %dma_start3A_149 = tpu.memref_slice %arg6[%mul3A_148] : memref<10000xi32, #tpu.memory_space<vmem>> -> memref<80xi32, #tpu.memory_space<vmem>>
      %dma_start3A_150 = arith.constant 0 : i32
      %dma_start3A_151 = arith.constant 0 : i32
      %dma_start3A_152 = tpu.memref_slice %arg2[%dma_start3A_150, %dma_start3A_151] : memref<10112x128xf32, #tpu.memory_space<hbm>> -> memref<10112x128xf32, #tpu.memory_space<hbm>>
      tpu.enqueue_indirect_dma source(%dma_start3A_152 : memref<10112x128xf32, #tpu.memory_space<hbm>>) target(%arg11 : memref<80x128xf32, #tpu.memory_space<vmem>>) offsets(%dma_start3A_149 : memref<80xi32, #tpu.memory_space<vmem>>) semaphore(%arg15 : memref<!tpu.dma_semaphore, #tpu.memory_space<semaphore_mem>>)
    }
    %scan3A_40 = arith.constant 61 : i32
    %add3A_41 = arith.constant 9760 : i32
    %add3A_42 = arith.addi %mul3A_2, %add3A_41 : i32
    %dma_wait3A_43 = tpu.memref_slice %arg4[%add3A_42] : memref<320000xi32, #tpu.memory_space<hbm>> -> memref<80xi32, #tpu.memory_space<hbm>>
    %dma_wait3A_44 = tpu.memref_slice %arg4[%add3A_42] : memref<320000xi32, #tpu.memory_space<hbm>> -> memref<80xi32, #tpu.memory_space<hbm>>
    tpu.wait_dma2 semaphore(%arg20 : memref<!tpu.dma_semaphore, #tpu.memory_space<semaphore_mem>>) src(%dma_wait3A_44 : memref<80xi32, #tpu.memory_space<hbm>>) dst(%arg7 : memref<80xi32, #tpu.memory_space<vmem>>)
    %dma_wait3A_45 = arith.constant 9760 : i32
    %dma_wait3A_46 = tpu.memref_slice %arg6[%dma_wait3A_45] : memref<10000xi32, #tpu.memory_space<vmem>> -> memref<80xi32, #tpu.memory_space<vmem>>
    %dma_wait3A_47 = arith.constant 0 : i32
    %dma_wait3A_48 = arith.constant 0 : i32
    %dma_wait3A_49 = tpu.memref_slice %arg2[%dma_wait3A_47, %dma_wait3A_48] : memref<10112x128xf32, #tpu.memory_space<hbm>> -> memref<10112x128xf32, #tpu.memory_space<hbm>>
    tpu.wait_indirect_dma semaphore(%arg14 : memref<!tpu.dma_semaphore, #tpu.memory_space<semaphore_mem>>) src(%dma_wait3A_49 : memref<10112x128xf32, #tpu.memory_space<hbm>>) dst(%arg10 : memref<80x128xf32, #tpu.memory_space<vmem>>)
    "tpu.region"() ({
      %run_scoped3A = tpu.sem_alloc : memref<!tpu.dma_semaphore, #tpu.memory_space<semaphore_mem>>
      %dma_start3A_78 = arith.constant 0 : i32
      %dma_start3A_79 = arith.constant 0 : i32
      %dma_start3A_80 = tpu.memref_slice %arg13[%dma_start3A_78, %dma_start3A_79] : memref<10112x128xf32, #tpu.memory_space<vmem_shared>> -> memref<10112x128xf32, #tpu.memory_space<vmem_shared>>
      tpu.enqueue_indirect_dma source(%arg10 : memref<80x128xf32, #tpu.memory_space<vmem>>) target(%dma_start3A_80 : memref<10112x128xf32, #tpu.memory_space<vmem_shared>>) offsets(%arg7 : memref<80xi32, #tpu.memory_space<vmem>>) semaphore(%run_scoped3A : memref<!tpu.dma_semaphore, #tpu.memory_space<semaphore_mem>>) {add = true}
      %dma_wait3A_81 = arith.constant 0 : i32
      %dma_wait3A_82 = arith.constant 0 : i32
      %dma_wait3A_83 = tpu.memref_slice %arg13[%dma_wait3A_81, %dma_wait3A_82] : memref<10112x128xf32, #tpu.memory_space<vmem_shared>> -> memref<10112x128xf32, #tpu.memory_space<vmem_shared>>
      tpu.wait_indirect_dma semaphore(%run_scoped3A : memref<!tpu.dma_semaphore, #tpu.memory_space<semaphore_mem>>) src(%arg10 : memref<80x128xf32, #tpu.memory_space<vmem>>) dst(%dma_wait3A_83 : memref<10112x128xf32, #tpu.memory_space<vmem_shared>>)
      tpu.yield
    }) : () -> ()
    %add3A_50 = arith.constant 9920 : i32
    %add3A_51 = arith.addi %mul3A_2, %add3A_50 : i32
    %dma_start3A_52 = tpu.memref_slice %arg4[%add3A_51] : memref<320000xi32, #tpu.memory_space<hbm>> -> memref<80xi32, #tpu.memory_space<hbm>>
    %dma_start3A_53 = tpu.memref_slice %arg4[%add3A_51] : memref<320000xi32, #tpu.memory_space<hbm>> -> memref<80xi32, #tpu.memory_space<hbm>>
    tpu.enqueue_dma source(%dma_start3A_53 : memref<80xi32, #tpu.memory_space<hbm>>) target(%arg7 : memref<80xi32, #tpu.memory_space<vmem>>) target_semaphore(%arg20 : memref<!tpu.dma_semaphore, #tpu.memory_space<semaphore_mem>>)
    %dma_start3A_54 = arith.constant 9920 : i32
    %dma_start3A_55 = tpu.memref_slice %arg6[%dma_start3A_54] : memref<10000xi32, #tpu.memory_space<vmem>> -> memref<80xi32, #tpu.memory_space<vmem>>
    %dma_start3A_56 = arith.constant 0 : i32
    %dma_start3A_57 = arith.constant 0 : i32
    %dma_start3A_58 = tpu.memref_slice %arg2[%dma_start3A_56, %dma_start3A_57] : memref<10112x128xf32, #tpu.memory_space<hbm>> -> memref<10112x128xf32, #tpu.memory_space<hbm>>
    tpu.enqueue_indirect_dma source(%dma_start3A_58 : memref<10112x128xf32, #tpu.memory_space<hbm>>) target(%arg10 : memref<80x128xf32, #tpu.memory_space<vmem>>) offsets(%dma_start3A_55 : memref<80xi32, #tpu.memory_space<vmem>>) semaphore(%arg14 : memref<!tpu.dma_semaphore, #tpu.memory_space<semaphore_mem>>)
    %add3A_59 = arith.constant 9840 : i32
    %add3A_60 = arith.addi %mul3A_2, %add3A_59 : i32
    %dma_wait3A_61 = tpu.memref_slice %arg4[%add3A_60] : memref<320000xi32, #tpu.memory_space<hbm>> -> memref<80xi32, #tpu.memory_space<hbm>>
    %dma_wait3A_62 = tpu.memref_slice %arg4[%add3A_60] : memref<320000xi32, #tpu.memory_space<hbm>> -> memref<80xi32, #tpu.memory_space<hbm>>
    tpu.wait_dma2 semaphore(%arg21 : memref<!tpu.dma_semaphore, #tpu.memory_space<semaphore_mem>>) src(%dma_wait3A_62 : memref<80xi32, #tpu.memory_space<hbm>>) dst(%arg8 : memref<80xi32, #tpu.memory_space<vmem>>)
    %dma_wait3A_63 = arith.constant 9840 : i32
    %dma_wait3A_64 = tpu.memref_slice %arg6[%dma_wait3A_63] : memref<10000xi32, #tpu.memory_space<vmem>> -> memref<80xi32, #tpu.memory_space<vmem>>
    %dma_wait3A_65 = arith.constant 0 : i32
    %dma_wait3A_66 = arith.constant 0 : i32
    %dma_wait3A_67 = tpu.memref_slice %arg2[%dma_wait3A_65, %dma_wait3A_66] : memref<10112x128xf32, #tpu.memory_space<hbm>> -> memref<10112x128xf32, #tpu.memory_space<hbm>>
    tpu.wait_indirect_dma semaphore(%arg15 : memref<!tpu.dma_semaphore, #tpu.memory_space<semaphore_mem>>) src(%dma_wait3A_67 : memref<10112x128xf32, #tpu.memory_space<hbm>>) dst(%arg11 : memref<80x128xf32, #tpu.memory_space<vmem>>)
    "tpu.region"() ({
      %run_scoped3A = tpu.sem_alloc : memref<!tpu.dma_semaphore, #tpu.memory_space<semaphore_mem>>
      %dma_start3A_78 = arith.constant 0 : i32
      %dma_start3A_79 = arith.constant 0 : i32
      %dma_start3A_80 = tpu.memref_slice %arg13[%dma_start3A_78, %dma_start3A_79] : memref<10112x128xf32, #tpu.memory_space<vmem_shared>> -> memref<10112x128xf32, #tpu.memory_space<vmem_shared>>
      tpu.enqueue_indirect_dma source(%arg11 : memref<80x128xf32, #tpu.memory_space<vmem>>) target(%dma_start3A_80 : memref<10112x128xf32, #tpu.memory_space<vmem_shared>>) offsets(%arg8 : memref<80xi32, #tpu.memory_space<vmem>>) semaphore(%run_scoped3A : memref<!tpu.dma_semaphore, #tpu.memory_space<semaphore_mem>>) {add = true}
      %dma_wait3A_81 = arith.constant 0 : i32
      %dma_wait3A_82 = arith.constant 0 : i32
      %dma_wait3A_83 = tpu.memref_slice %arg13[%dma_wait3A_81, %dma_wait3A_82] : memref<10112x128xf32, #tpu.memory_space<vmem_shared>> -> memref<10112x128xf32, #tpu.memory_space<vmem_shared>>
      tpu.wait_indirect_dma semaphore(%run_scoped3A : memref<!tpu.dma_semaphore, #tpu.memory_space<semaphore_mem>>) src(%arg11 : memref<80x128xf32, #tpu.memory_space<vmem>>) dst(%dma_wait3A_83 : memref<10112x128xf32, #tpu.memory_space<vmem_shared>>)
      tpu.yield
    }) : () -> ()
    %add3A_68 = arith.constant 9920 : i32
    %add3A_69 = arith.addi %mul3A_2, %add3A_68 : i32
    %dma_wait3A_70 = tpu.memref_slice %arg4[%add3A_69] : memref<320000xi32, #tpu.memory_space<hbm>> -> memref<80xi32, #tpu.memory_space<hbm>>
    %dma_wait3A_71 = tpu.memref_slice %arg4[%add3A_69] : memref<320000xi32, #tpu.memory_space<hbm>> -> memref<80xi32, #tpu.memory_space<hbm>>
    tpu.wait_dma2 semaphore(%arg20 : memref<!tpu.dma_semaphore, #tpu.memory_space<semaphore_mem>>) src(%dma_wait3A_71 : memref<80xi32, #tpu.memory_space<hbm>>) dst(%arg7 : memref<80xi32, #tpu.memory_space<vmem>>)
    %dma_wait3A_72 = arith.constant 9920 : i32
    %dma_wait3A_73 = tpu.memref_slice %arg6[%dma_wait3A_72] : memref<10000xi32, #tpu.memory_space<vmem>> -> memref<80xi32, #tpu.memory_space<vmem>>
    %dma_wait3A_74 = arith.constant 0 : i32
    %dma_wait3A_75 = arith.constant 0 : i32
    %dma_wait3A_76 = tpu.memref_slice %arg2[%dma_wait3A_74, %dma_wait3A_75] : memref<10112x128xf32, #tpu.memory_space<hbm>> -> memref<10112x128xf32, #tpu.memory_space<hbm>>
    tpu.wait_indirect_dma semaphore(%arg14 : memref<!tpu.dma_semaphore, #tpu.memory_space<semaphore_mem>>) src(%dma_wait3A_76 : memref<10112x128xf32, #tpu.memory_space<hbm>>) dst(%arg10 : memref<80x128xf32, #tpu.memory_space<vmem>>)
    "tpu.region"() ({
      %run_scoped3A = tpu.sem_alloc : memref<!tpu.dma_semaphore, #tpu.memory_space<semaphore_mem>>
      %dma_start3A_78 = arith.constant 0 : i32
      %dma_start3A_79 = arith.constant 0 : i32
      %dma_start3A_80 = tpu.memref_slice %arg13[%dma_start3A_78, %dma_start3A_79] : memref<10112x128xf32, #tpu.memory_space<vmem_shared>> -> memref<10112x128xf32, #tpu.memory_space<vmem_shared>>
      tpu.enqueue_indirect_dma source(%arg10 : memref<80x128xf32, #tpu.memory_space<vmem>>) target(%dma_start3A_80 : memref<10112x128xf32, #tpu.memory_space<vmem_shared>>) offsets(%arg7 : memref<80xi32, #tpu.memory_space<vmem>>) semaphore(%run_scoped3A : memref<!tpu.dma_semaphore, #tpu.memory_space<semaphore_mem>>) {add = true}
      %dma_wait3A_81 = arith.constant 0 : i32
      %dma_wait3A_82 = arith.constant 0 : i32
      %dma_wait3A_83 = tpu.memref_slice %arg13[%dma_wait3A_81, %dma_wait3A_82] : memref<10112x128xf32, #tpu.memory_space<vmem_shared>> -> memref<10112x128xf32, #tpu.memory_space<vmem_shared>>
      tpu.wait_indirect_dma semaphore(%run_scoped3A : memref<!tpu.dma_semaphore, #tpu.memory_space<semaphore_mem>>) src(%arg10 : memref<80x128xf32, #tpu.memory_space<vmem>>) dst(%dma_wait3A_83 : memref<10112x128xf32, #tpu.memory_space<vmem_shared>>)
      tpu.yield
    }) : () -> ()
    %barrier3A_77 = arith.constant 0 : index
    tpu.barrier barrier_id(%barrier3A_77)
    "tpu.region"() ({
      %run_scoped3A = tpu.sem_alloc : memref<!tpu.dma_semaphore, #tpu.memory_space<semaphore_mem>>
      %dma_start3A_78 = arith.constant 0 : i32
      %dma_start3A_79 = tpu.memref_slice %arg5[%arg0, %mul3A_4, %dma_start3A_78] : memref<2x10112x128xf32, #tpu.memory_space<hbm>> -> memref<1x632x128xf32, #tpu.memory_space<hbm>>
      %dma_start3A_80 = tpu.memref_squeeze %dma_start3A_79 : memref<1x632x128xf32, #tpu.memory_space<hbm>> -> memref<632x128xf32, #tpu.memory_space<hbm>>
      %dma_start3A_81 = arith.constant 0 : i32
      %dma_start3A_82 = tpu.memref_slice %arg13[%mul3A_4, %dma_start3A_81] : memref<10112x128xf32, #tpu.memory_space<vmem_shared>> -> memref<632x128xf32, #tpu.memory_space<vmem_shared>>
      tpu.enqueue_dma source(%dma_start3A_82 : memref<632x128xf32, #tpu.memory_space<vmem_shared>>) target(%dma_start3A_80 : memref<632x128xf32, #tpu.memory_space<hbm>>) target_semaphore(%run_scoped3A : memref<!tpu.dma_semaphore, #tpu.memory_space<semaphore_mem>>)
      %dma_wait3A_83 = arith.constant 0 : i32
      %dma_wait3A_84 = tpu.memref_slice %arg5[%arg0, %mul3A_4, %dma_wait3A_83] : memref<2x10112x128xf32, #tpu.memory_space<hbm>> -> memref<1x632x128xf32, #tpu.memory_space<hbm>>
      %dma_wait3A_85 = tpu.memref_squeeze %dma_wait3A_84 : memref<1x632x128xf32, #tpu.memory_space<hbm>> -> memref<632x128xf32, #tpu.memory_space<hbm>>
      %dma_wait3A_86 = arith.constant 0 : i32
      %dma_wait3A_87 = tpu.memref_slice %arg13[%mul3A_4, %dma_wait3A_86] : memref<10112x128xf32, #tpu.memory_space<vmem_shared>> -> memref<632x128xf32, #tpu.memory_space<vmem_shared>>
      tpu.wait_dma2 semaphore(%run_scoped3A : memref<!tpu.dma_semaphore, #tpu.memory_space<semaphore_mem>>) src(%dma_wait3A_87 : memref<632x128xf32, #tpu.memory_space<vmem_shared>>) dst(%dma_wait3A_85 : memref<632x128xf32, #tpu.memory_space<hbm>>)
      tpu.yield
    }) : () -> ()
    return
  }
}

#map = affine_map<(d0, d1) -> (0, 0)>
#map1 = affine_map<(d0, d1) -> (0)>
#map2 = affine_map<(d0, d1) -> (0, 0, 0)>
module attributes {stable_mosaic.version = 14 : i64} {
  func.func @_mp_body(%arg0: i32, %arg1: i32, %arg2: memref<10112x128xf32, #tpu.memory_space<hbm>>, %arg3: memref<320000xi32, #tpu.memory_space<hbm>>, %arg4: memref<320000xi32, #tpu.memory_space<hbm>>, %arg5: memref<2x10112x128xf32, #tpu.memory_space<hbm>>, %arg6: memref<10000xi32, #tpu.memory_space<vmem>>, %arg7: memref<80xi32, #tpu.memory_space<vmem>>, %arg8: memref<80xi32, #tpu.memory_space<vmem>>, %arg9: memref<80xi32, #tpu.memory_space<vmem>>, %arg10: memref<80x128xf32, #tpu.memory_space<vmem>>, %arg11: memref<80x128xf32, #tpu.memory_space<vmem>>, %arg12: memref<80x128xf32, #tpu.memory_space<vmem>>, %arg13: memref<10112x128xf32, #tpu.memory_space<vmem_shared>>, %arg14: memref<!tpu.dma_semaphore, #tpu.memory_space<semaphore_mem>>, %arg15: memref<!tpu.dma_semaphore, #tpu.memory_space<semaphore_mem>>, %arg16: memref<!tpu.dma_semaphore, #tpu.memory_space<semaphore_mem>>, %arg17: memref<!tpu.dma_semaphore, #tpu.memory_space<semaphore_mem>>, %arg18: memref<!tpu.dma_semaphore, #tpu.memory_space<semaphore_mem>>, %arg19: memref<!tpu.dma_semaphore, #tpu.memory_space<semaphore_mem>>, %arg20: memref<!tpu.dma_semaphore, #tpu.memory_space<semaphore_mem>>, %arg21: memref<!tpu.dma_semaphore, #tpu.memory_space<semaphore_mem>>, %arg22: memref<!tpu.dma_semaphore, #tpu.memory_space<semaphore_mem>>) attributes {dimension_semantics = [#tpu.dimension_semantics<core_parallel>, #tpu.dimension_semantics<subcore_parallel>], iteration_bounds = array<i64: 2, 16>, scalar_prefetch = 0 : i64, scratch_operands = 17 : i64, tpu.core_type = #tpu.core_type<sc_vector_subcore>, window_params = [{transform_indices = #map}, {transform_indices = #map1}, {transform_indices = #map1}, {transform_indices = #map2}]} {
    %mul3A = arith.constant 2 : i32
    %mul3A_0 = arith.muli %arg1, %mul3A : i32
    %add3A = arith.addi %mul3A_0, %arg0 : i32
    %mul3A_1 = arith.constant 10000 : i32
    %mul3A_2 = arith.muli %add3A, %mul3A_1 : i32
    %mul3A_3 = arith.constant 632 : i32
    %mul3A_4 = arith.muli %arg1, %mul3A_3 : i32
    %dma_start3A = tpu.memref_slice %arg3[%mul3A_2] : memref<320000xi32, #tpu.memory_space<hbm>> -> memref<10000xi32, #tpu.memory_space<hbm>>
    %dma_start3A_5 = tpu.memref_slice %arg3[%mul3A_2] : memref<320000xi32, #tpu.memory_space<hbm>> -> memref<10000xi32, #tpu.memory_space<hbm>>
    tpu.enqueue_dma source(%dma_start3A_5 : memref<10000xi32, #tpu.memory_space<hbm>>) target(%arg6 : memref<10000xi32, #tpu.memory_space<vmem>>) target_semaphore(%arg16 : memref<!tpu.dma_semaphore, #tpu.memory_space<semaphore_mem>>)
    %scan3A = arith.constant 0 : i32
    %scan3A_6 = arith.constant 80 : i32
    %scan3A_7 = arith.addi %scan3A, %scan3A_6 : i32
    %scan3A_8 = arith.constant 1 : i32
    scf.for %scan3A_78 = %scan3A to %scan3A_7 step %scan3A_8  : i32 {
      %mul3A_79 = arith.constant 1 : i32
      %mul3A_80 = arith.muli %scan3A_78, %mul3A_79 : i32
      %add3A_81 = arith.constant 0 : i32
      %add3A_82 = arith.addi %add3A_81, %mul3A_80 : i32
      %scan3A_83 = arith.constant 0 : i32
      %scan3A_84 = arith.constant 8 : i32
      %scan3A_85 = arith.addi %scan3A_83, %scan3A_84 : i32
      %scan3A_86 = arith.constant 1 : i32
      scf.for %scan3A_88 = %scan3A_83 to %scan3A_85 step %scan3A_86  : i32 {
        %mul3A_89 = arith.constant 16 : i32
        %mul3A_90 = arith.muli %scan3A_88, %mul3A_89 : i32
        %add3A_91 = arith.constant 0 : i32
        %add3A_92 = arith.addi %add3A_91, %mul3A_90 : i32
        %broadcast_in_dim3A = arith.constant 0.000000e+00 : f32
        %broadcast_in_dim3A_93 = vector.broadcast %broadcast_in_dim3A : f32 to vector<16xf32>
        %swap3A = arith.index_cast %add3A_82 : i32 to index
        %swap3A_94 = arith.index_cast %add3A_92 : i32 to index
        %swap3A_95 = tpu.vector_load %arg12[%swap3A, %swap3A_94] {strides = array<i32>} : memref<80x128xf32, #tpu.memory_space<vmem>>, vector<1x16xf32>,
        %swap3A_96 = vector.shape_cast %swap3A_95 : vector<1x16xf32> to vector<16xf32>
        %swap3A_97 = vector.shape_cast %broadcast_in_dim3A_93 : vector<16xf32> to vector<1x16xf32>
        tpu.vector_store %arg12[%swap3A, %swap3A_94], %swap3A_97 {strides = array<i32>} : memref<80x128xf32, #tpu.memory_space<vmem>>, vector<1x16xf32>,
      }
      %scan3A_87 = arith.constant 8 : i32
    }
    %scan3A_9 = arith.constant 80 : i32
    %dma_wait3A = tpu.memref_slice %arg3[%mul3A_2] : memref<320000xi32, #tpu.memory_space<hbm>> -> memref<10000xi32, #tpu.memory_space<hbm>>
    %dma_wait3A_10 = tpu.memref_slice %arg3[%mul3A_2] : memref<320000xi32, #tpu.memory_space<hbm>> -> memref<10000xi32, #tpu.memory_space<hbm>>
    tpu.wait_dma2 semaphore(%arg16 : memref<!tpu.dma_semaphore, #tpu.memory_space<semaphore_mem>>) src(%dma_wait3A_10 : memref<10000xi32, #tpu.memory_space<hbm>>) dst(%arg6 : memref<10000xi32, #tpu.memory_space<vmem>>)
    %add3A_11 = arith.constant 0 : i32
    %add3A_12 = arith.addi %mul3A_2, %add3A_11 : i32
    %dma_start3A_13 = tpu.memref_slice %arg4[%add3A_12] : memref<320000xi32, #tpu.memory_space<hbm>> -> memref<80xi32, #tpu.memory_space<hbm>>
    %dma_start3A_14 = tpu.memref_slice %arg4[%add3A_12] : memref<320000xi32, #tpu.memory_space<hbm>> -> memref<80xi32, #tpu.memory_space<hbm>>
    tpu.enqueue_dma source(%dma_start3A_14 : memref<80xi32, #tpu.memory_space<hbm>>) target(%arg7 : memref<80xi32, #tpu.memory_space<vmem>>) target_semaphore(%arg20 : memref<!tpu.dma_semaphore, #tpu.memory_space<semaphore_mem>>)
    %dma_start3A_15 = arith.constant 0 : i32
    %dma_start3A_16 = tpu.memref_slice %arg6[%dma_start3A_15] : memref<10000xi32, #tpu.memory_space<vmem>> -> memref<80xi32, #tpu.memory_space<vmem>>
    %dma_start3A_17 = arith.constant 0 : i32
    %dma_start3A_18 = arith.constant 0 : i32
    %dma_start3A_19 = tpu.memref_slice %arg2[%dma_start3A_17, %dma_start3A_18] : memref<10112x128xf32, #tpu.memory_space<hbm>> -> memref<10112x128xf32, #tpu.memory_space<hbm>>
    tpu.enqueue_indirect_dma source(%dma_start3A_19 : memref<10112x128xf32, #tpu.memory_space<hbm>>) target(%arg10 : memref<80x128xf32, #tpu.memory_space<vmem>>) offsets(%dma_start3A_16 : memref<80xi32, #tpu.memory_space<vmem>>) semaphore(%arg14 : memref<!tpu.dma_semaphore, #tpu.memory_space<semaphore_mem>>)
    %add3A_20 = arith.constant 80 : i32
    %add3A_21 = arith.addi %mul3A_2, %add3A_20 : i32
    %dma_start3A_22 = tpu.memref_slice %arg4[%add3A_21] : memref<320000xi32, #tpu.memory_space<hbm>> -> memref<80xi32, #tpu.memory_space<hbm>>
    %dma_start3A_23 = tpu.memref_slice %arg4[%add3A_21] : memref<320000xi32, #tpu.memory_space<hbm>> -> memref<80xi32, #tpu.memory_space<hbm>>
    tpu.enqueue_dma source(%dma_start3A_23 : memref<80xi32, #tpu.memory_space<hbm>>) target(%arg8 : memref<80xi32, #tpu.memory_space<vmem>>) target_semaphore(%arg21 : memref<!tpu.dma_semaphore, #tpu.memory_space<semaphore_mem>>)
    %dma_start3A_24 = arith.constant 80 : i32
    %dma_start3A_25 = tpu.memref_slice %arg6[%dma_start3A_24] : memref<10000xi32, #tpu.memory_space<vmem>> -> memref<80xi32, #tpu.memory_space<vmem>>
    %dma_start3A_26 = arith.constant 0 : i32
    %dma_start3A_27 = arith.constant 0 : i32
    %dma_start3A_28 = tpu.memref_slice %arg2[%dma_start3A_26, %dma_start3A_27] : memref<10112x128xf32, #tpu.memory_space<hbm>> -> memref<10112x128xf32, #tpu.memory_space<hbm>>
    tpu.enqueue_indirect_dma source(%dma_start3A_28 : memref<10112x128xf32, #tpu.memory_space<hbm>>) target(%arg11 : memref<80x128xf32, #tpu.memory_space<vmem>>) offsets(%dma_start3A_25 : memref<80xi32, #tpu.memory_space<vmem>>) semaphore(%arg15 : memref<!tpu.dma_semaphore, #tpu.memory_space<semaphore_mem>>)
    %scan3A_29 = arith.constant 0 : i32
    %scan3A_30 = arith.constant 7 : i32
    %scan3A_31 = arith.addi %scan3A_29, %scan3A_30 : i32
    %scan3A_32 = arith.constant 1 : i32
    scf.for %scan3A_78 = %scan3A_29 to %scan3A_31 step %scan3A_32  : i32 {
      %mul3A_79 = arith.constant 1 : i32
      %mul3A_80 = arith.muli %scan3A_78, %mul3A_79 : i32
      %add3A_81 = arith.constant 0 : i32
      %add3A_82 = arith.addi %add3A_81, %mul3A_80 : i32
      %mul3A_83 = arith.constant 80 : i32
      %mul3A_84 = arith.muli %add3A_82, %mul3A_83 : i32
      %add3A_85 = arith.addi %mul3A_4, %mul3A_84 : i32
      "tpu.region"() ({
        %run_scoped3A = tpu.sem_alloc : memref<!tpu.dma_semaphore, #tpu.memory_space<semaphore_mem>>
        %dma_start3A_86 = arith.constant 0 : i32
        %dma_start3A_87 = tpu.memref_slice %arg13[%add3A_85, %dma_start3A_86] : memref<10112x128xf32, #tpu.memory_space<vmem_shared>> -> memref<80x128xf32, #tpu.memory_space<vmem_shared>>
        %dma_start3A_88 = arith.constant 0 : i32
        %dma_start3A_89 = tpu.memref_slice %arg13[%add3A_85, %dma_start3A_88] : memref<10112x128xf32, #tpu.memory_space<vmem_shared>> -> memref<80x128xf32, #tpu.memory_space<vmem_shared>>
        tpu.enqueue_dma source(%arg12 : memref<80x128xf32, #tpu.memory_space<vmem>>) target(%dma_start3A_89 : memref<80x128xf32, #tpu.memory_space<vmem_shared>>) target_semaphore(%run_scoped3A : memref<!tpu.dma_semaphore, #tpu.memory_space<semaphore_mem>>)
        %dma_wait3A_90 = arith.constant 0 : i32
        %dma_wait3A_91 = tpu.memref_slice %arg13[%add3A_85, %dma_wait3A_90] : memref<10112x128xf32, #tpu.memory_space<vmem_shared>> -> memref<80x128xf32, #tpu.memory_space<vmem_shared>>
        %dma_wait3A_92 = arith.constant 0 : i32
        %dma_wait3A_93 = tpu.memref_slice %arg13[%add3A_85, %dma_wait3A_92] : memref<10112x128xf32, #tpu.memory_space<vmem_shared>> -> memref<80x128xf32, #tpu.memory_space<vmem_shared>>
        tpu.wait_dma2 semaphore(%run_scoped3A : memref<!tpu.dma_semaphore, #tpu.memory_space<semaphore_mem>>) src(%arg12 : memref<80x128xf32, #tpu.memory_space<vmem>>) dst(%dma_wait3A_93 : memref<80x128xf32, #tpu.memory_space<vmem_shared>>)
        tpu.yield
      }) : () -> ()
    }
    %scan3A_33 = arith.constant 7 : i32
    %add3A_34 = arith.constant 560 : i32
    %add3A_35 = arith.addi %mul3A_4, %add3A_34 : i32
    "tpu.region"() ({
      %run_scoped3A = tpu.sem_alloc : memref<!tpu.dma_semaphore, #tpu.memory_space<semaphore_mem>>
      %dma_start3A_78 = arith.constant 0 : i32
      %dma_start3A_79 = arith.constant 0 : i32
      %dma_start3A_80 = tpu.memref_slice %arg12[%dma_start3A_78, %dma_start3A_79] : memref<80x128xf32, #tpu.memory_space<vmem>> -> memref<72x128xf32, #tpu.memory_space<vmem>>
      %dma_start3A_81 = arith.constant 0 : i32
      %dma_start3A_82 = tpu.memref_slice %arg13[%add3A_35, %dma_start3A_81] : memref<10112x128xf32, #tpu.memory_space<vmem_shared>> -> memref<72x128xf32, #tpu.memory_space<vmem_shared>>
      %dma_start3A_83 = arith.constant 0 : i32
      %dma_start3A_84 = tpu.memref_slice %arg13[%add3A_35, %dma_start3A_83] : memref<10112x128xf32, #tpu.memory_space<vmem_shared>> -> memref<72x128xf32, #tpu.memory_space<vmem_shared>>
      %dma_start3A_85 = arith.constant 0 : i32
      %dma_start3A_86 = arith.constant 0 : i32
      %dma_start3A_87 = tpu.memref_slice %arg12[%dma_start3A_85, %dma_start3A_86] : memref<80x128xf32, #tpu.memory_space<vmem>> -> memref<72x128xf32, #tpu.memory_space<vmem>>
      tpu.enqueue_dma source(%dma_start3A_87 : memref<72x128xf32, #tpu.memory_space<vmem>>) target(%dma_start3A_84 : memref<72x128xf32, #tpu.memory_space<vmem_shared>>) target_semaphore(%run_scoped3A : memref<!tpu.dma_semaphore, #tpu.memory_space<semaphore_mem>>)
      %dma_wait3A_88 = arith.constant 0 : i32
      %dma_wait3A_89 = arith.constant 0 : i32
      %dma_wait3A_90 = tpu.memref_slice %arg12[%dma_wait3A_88, %dma_wait3A_89] : memref<80x128xf32, #tpu.memory_space<vmem>> -> memref<72x128xf32, #tpu.memory_space<vmem>>
      %dma_wait3A_91 = arith.constant 0 : i32
      %dma_wait3A_92 = tpu.memref_slice %arg13[%add3A_35, %dma_wait3A_91] : memref<10112x128xf32, #tpu.memory_space<vmem_shared>> -> memref<72x128xf32, #tpu.memory_space<vmem_shared>>
      %dma_wait3A_93 = arith.constant 0 : i32
      %dma_wait3A_94 = tpu.memref_slice %arg13[%add3A_35, %dma_wait3A_93] : memref<10112x128xf32, #tpu.memory_space<vmem_shared>> -> memref<72x128xf32, #tpu.memory_space<vmem_shared>>
      %dma_wait3A_95 = arith.constant 0 : i32
      %dma_wait3A_96 = arith.constant 0 : i32
      %dma_wait3A_97 = tpu.memref_slice %arg12[%dma_wait3A_95, %dma_wait3A_96] : memref<80x128xf32, #tpu.memory_space<vmem>> -> memref<72x128xf32, #tpu.memory_space<vmem>>
      tpu.wait_dma2 semaphore(%run_scoped3A : memref<!tpu.dma_semaphore, #tpu.memory_space<semaphore_mem>>) src(%dma_wait3A_97 : memref<72x128xf32, #tpu.memory_space<vmem>>) dst(%dma_wait3A_94 : memref<72x128xf32, #tpu.memory_space<vmem_shared>>)
      tpu.yield
    }) : () -> ()
    %barrier3A = arith.constant 0 : index
    tpu.barrier barrier_id(%barrier3A)
    %scan3A_36 = arith.constant 0 : i32
    %scan3A_37 = arith.constant 61 : i32
    %scan3A_38 = arith.addi %scan3A_36, %scan3A_37 : i32
    %scan3A_39 = arith.constant 1 : i32
    scf.for %scan3A_78 = %scan3A_36 to %scan3A_38 step %scan3A_39  : i32 {
      %mul3A_79 = arith.constant 1 : i32
      %mul3A_80 = arith.muli %scan3A_78, %mul3A_79 : i32
      %add3A_81 = arith.constant 0 : i32
      %add3A_82 = arith.addi %add3A_81, %mul3A_80 : i32
      %mul3A_83 = arith.constant 2 : i32
      %mul3A_84 = arith.muli %mul3A_83, %add3A_82 : i32
      %add3A_85 = arith.constant 0 : i32
      %add3A_86 = arith.addi %mul3A_84, %add3A_85 : i32
      %mul3A_87 = arith.constant 80 : i32
      %mul3A_88 = arith.muli %add3A_86, %mul3A_87 : i32
      %add3A_89 = arith.addi %mul3A_2, %mul3A_88 : i32
      %dma_wait3A_90 = tpu.memref_slice %arg4[%add3A_89] : memref<320000xi32, #tpu.memory_space<hbm>> -> memref<80xi32, #tpu.memory_space<hbm>>
      %dma_wait3A_91 = tpu.memref_slice %arg4[%add3A_89] : memref<320000xi32, #tpu.memory_space<hbm>> -> memref<80xi32, #tpu.memory_space<hbm>>
      tpu.wait_dma2 semaphore(%arg20 : memref<!tpu.dma_semaphore, #tpu.memory_space<semaphore_mem>>) src(%dma_wait3A_91 : memref<80xi32, #tpu.memory_space<hbm>>) dst(%arg7 : memref<80xi32, #tpu.memory_space<vmem>>)
      %add3A_92 = arith.constant 0 : i32
      %add3A_93 = arith.addi %mul3A_84, %add3A_92 : i32
      %mul3A_94 = arith.constant 80 : i32
      %mul3A_95 = arith.muli %add3A_93, %mul3A_94 : i32
      %dma_wait3A_96 = tpu.memref_slice %arg6[%mul3A_95] : memref<10000xi32, #tpu.memory_space<vmem>> -> memref<80xi32, #tpu.memory_space<vmem>>
      %dma_wait3A_97 = arith.constant 0 : i32
      %dma_wait3A_98 = arith.constant 0 : i32
      %dma_wait3A_99 = tpu.memref_slice %arg2[%dma_wait3A_97, %dma_wait3A_98] : memref<10112x128xf32, #tpu.memory_space<hbm>> -> memref<10112x128xf32, #tpu.memory_space<hbm>>
      tpu.wait_indirect_dma semaphore(%arg14 : memref<!tpu.dma_semaphore, #tpu.memory_space<semaphore_mem>>) src(%dma_wait3A_99 : memref<10112x128xf32, #tpu.memory_space<hbm>>) dst(%arg10 : memref<80x128xf32, #tpu.memory_space<vmem>>)
      "tpu.region"() ({
        %run_scoped3A = tpu.sem_alloc : memref<!tpu.dma_semaphore, #tpu.memory_space<semaphore_mem>>
        %dma_start3A_153 = arith.constant 0 : i32
        %dma_start3A_154 = arith.constant 0 : i32
        %dma_start3A_155 = tpu.memref_slice %arg13[%dma_start3A_153, %dma_start3A_154] : memref<10112x128xf32, #tpu.memory_space<vmem_shared>> -> memref<10112x128xf32, #tpu.memory_space<vmem_shared>>
        tpu.enqueue_indirect_dma source(%arg10 : memref<80x128xf32, #tpu.memory_space<vmem>>) target(%dma_start3A_155 : memref<10112x128xf32, #tpu.memory_space<vmem_shared>>) offsets(%arg7 : memref<80xi32, #tpu.memory_space<vmem>>) semaphore(%run_scoped3A : memref<!tpu.dma_semaphore, #tpu.memory_space<semaphore_mem>>) {add = true}
        %dma_wait3A_156 = arith.constant 0 : i32
        %dma_wait3A_157 = arith.constant 0 : i32
        %dma_wait3A_158 = tpu.memref_slice %arg13[%dma_wait3A_156, %dma_wait3A_157] : memref<10112x128xf32, #tpu.memory_space<vmem_shared>> -> memref<10112x128xf32, #tpu.memory_space<vmem_shared>>
        tpu.wait_indirect_dma semaphore(%run_scoped3A : memref<!tpu.dma_semaphore, #tpu.memory_space<semaphore_mem>>) src(%arg10 : memref<80x128xf32, #tpu.memory_space<vmem>>) dst(%dma_wait3A_158 : memref<10112x128xf32, #tpu.memory_space<vmem_shared>>)
        tpu.yield
      }) : () -> ()
      %add3A_100 = arith.constant 2 : i32
      %add3A_101 = arith.addi %mul3A_84, %add3A_100 : i32
      %add3A_102 = arith.constant 0 : i32
      %add3A_103 = arith.addi %add3A_101, %add3A_102 : i32
      %mul3A_104 = arith.constant 80 : i32
      %mul3A_105 = arith.muli %add3A_103, %mul3A_104 : i32
      %add3A_106 = arith.addi %mul3A_2, %mul3A_105 : i32
      %dma_start3A_107 = tpu.memref_slice %arg4[%add3A_106] : memref<320000xi32, #tpu.memory_space<hbm>> -> memref<80xi32, #tpu.memory_space<hbm>>
      %dma_start3A_108 = tpu.memref_slice %arg4[%add3A_106] : memref<320000xi32, #tpu.memory_space<hbm>> -> memref<80xi32, #tpu.memory_space<hbm>>
      tpu.enqueue_dma source(%dma_start3A_108 : memref<80xi32, #tpu.memory_space<hbm>>) target(%arg7 : memref<80xi32, #tpu.memory_space<vmem>>) target_semaphore(%arg20 : memref<!tpu.dma_semaphore, #tpu.memory_space<semaphore_mem>>)
      %add3A_109 = arith.constant 2 : i32
      %add3A_110 = arith.addi %mul3A_84, %add3A_109 : i32
      %add3A_111 = arith.constant 0 : i32
      %add3A_112 = arith.addi %add3A_110, %add3A_111 : i32
      %mul3A_113 = arith.constant 80 : i32
      %mul3A_114 = arith.muli %add3A_112, %mul3A_113 : i32
      %dma_start3A_115 = tpu.memref_slice %arg6[%mul3A_114] : memref<10000xi32, #tpu.memory_space<vmem>> -> memref<80xi32, #tpu.memory_space<vmem>>
      %dma_start3A_116 = arith.constant 0 : i32
      %dma_start3A_117 = arith.constant 0 : i32
      %dma_start3A_118 = tpu.memref_slice %arg2[%dma_start3A_116, %dma_start3A_117] : memref<10112x128xf32, #tpu.memory_space<hbm>> -> memref<10112x128xf32, #tpu.memory_space<hbm>>
      tpu.enqueue_indirect_dma source(%dma_start3A_118 : memref<10112x128xf32, #tpu.memory_space<hbm>>) target(%arg10 : memref<80x128xf32, #tpu.memory_space<vmem>>) offsets(%dma_start3A_115 : memref<80xi32, #tpu.memory_space<vmem>>) semaphore(%arg14 : memref<!tpu.dma_semaphore, #tpu.memory_space<semaphore_mem>>)
      %add3A_119 = arith.constant 1 : i32
      %add3A_120 = arith.addi %mul3A_84, %add3A_119 : i32
      %mul3A_121 = arith.constant 80 : i32
      %mul3A_122 = arith.muli %add3A_120, %mul3A_121 : i32
      %add3A_123 = arith.addi %mul3A_2, %mul3A_122 : i32
      %dma_wait3A_124 = tpu.memref_slice %arg4[%add3A_123] : memref<320000xi32, #tpu.memory_space<hbm>> -> memref<80xi32, #tpu.memory_space<hbm>>
      %dma_wait3A_125 = tpu.memref_slice %arg4[%add3A_123] : memref<320000xi32, #tpu.memory_space<hbm>> -> memref<80xi32, #tpu.memory_space<hbm>>
      tpu.wait_dma2 semaphore(%arg21 : memref<!tpu.dma_semaphore, #tpu.memory_space<semaphore_mem>>) src(%dma_wait3A_125 : memref<80xi32, #tpu.memory_space<hbm>>) dst(%arg8 : memref<80xi32, #tpu.memory_space<vmem>>)
      %add3A_126 = arith.constant 1 : i32
      %add3A_127 = arith.addi %mul3A_84, %add3A_126 : i32
      %mul3A_128 = arith.constant 80 : i32
      %mul3A_129 = arith.muli %add3A_127, %mul3A_128 : i32
      %dma_wait3A_130 = tpu.memref_slice %arg6[%mul3A_129] : memref<10000xi32, #tpu.memory_space<vmem>> -> memref<80xi32, #tpu.memory_space<vmem>>
      %dma_wait3A_131 = arith.constant 0 : i32
      %dma_wait3A_132 = arith.constant 0 : i32
      %dma_wait3A_133 = tpu.memref_slice %arg2[%dma_wait3A_131, %dma_wait3A_132] : memref<10112x128xf32, #tpu.memory_space<hbm>> -> memref<10112x128xf32, #tpu.memory_space<hbm>>
      tpu.wait_indirect_dma semaphore(%arg15 : memref<!tpu.dma_semaphore, #tpu.memory_space<semaphore_mem>>) src(%dma_wait3A_133 : memref<10112x128xf32, #tpu.memory_space<hbm>>) dst(%arg11 : memref<80x128xf32, #tpu.memory_space<vmem>>)
      "tpu.region"() ({
        %run_scoped3A = tpu.sem_alloc : memref<!tpu.dma_semaphore, #tpu.memory_space<semaphore_mem>>
        %dma_start3A_153 = arith.constant 0 : i32
        %dma_start3A_154 = arith.constant 0 : i32
        %dma_start3A_155 = tpu.memref_slice %arg13[%dma_start3A_153, %dma_start3A_154] : memref<10112x128xf32, #tpu.memory_space<vmem_shared>> -> memref<10112x128xf32, #tpu.memory_space<vmem_shared>>
        tpu.enqueue_indirect_dma source(%arg11 : memref<80x128xf32, #tpu.memory_space<vmem>>) target(%dma_start3A_155 : memref<10112x128xf32, #tpu.memory_space<vmem_shared>>) offsets(%arg8 : memref<80xi32, #tpu.memory_space<vmem>>) semaphore(%run_scoped3A : memref<!tpu.dma_semaphore, #tpu.memory_space<semaphore_mem>>) {add = true}
        %dma_wait3A_156 = arith.constant 0 : i32
        %dma_wait3A_157 = arith.constant 0 : i32
        %dma_wait3A_158 = tpu.memref_slice %arg13[%dma_wait3A_156, %dma_wait3A_157] : memref<10112x128xf32, #tpu.memory_space<vmem_shared>> -> memref<10112x128xf32, #tpu.memory_space<vmem_shared>>
        tpu.wait_indirect_dma semaphore(%run_scoped3A : memref<!tpu.dma_semaphore, #tpu.memory_space<semaphore_mem>>) src(%arg11 : memref<80x128xf32, #tpu.memory_space<vmem>>) dst(%dma_wait3A_158 : memref<10112x128xf32, #tpu.memory_space<vmem_shared>>)
        tpu.yield
      }) : () -> ()
      %add3A_134 = arith.constant 2 : i32
      %add3A_135 = arith.addi %mul3A_84, %add3A_134 : i32
      %add3A_136 = arith.constant 1 : i32
      %add3A_137 = arith.addi %add3A_135, %add3A_136 : i32
      %mul3A_138 = arith.constant 80 : i32
      %mul3A_139 = arith.muli %add3A_137, %mul3A_138 : i32
      %add3A_140 = arith.addi %mul3A_2, %mul3A_139 : i32
      %dma_start3A_141 = tpu.memref_slice %arg4[%add3A_140] : memref<320000xi32, #tpu.memory_space<hbm>> -> memref<80xi32, #tpu.memory_space<hbm>>
      %dma_start3A_142 = tpu.memref_slice %arg4[%add3A_140] : memref<320000xi32, #tpu.memory_space<hbm>> -> memref<80xi32, #tpu.memory_space<hbm>>
      tpu.enqueue_dma source(%dma_start3A_142 : memref<80xi32, #tpu.memory_space<hbm>>) target(%arg8 : memref<80xi32, #tpu.memory_space<vmem>>) target_semaphore(%arg21 : memref<!tpu.dma_semaphore, #tpu.memory_space<semaphore_mem>>)
      %add3A_143 = arith.constant 2 : i32
      %add3A_144 = arith.addi %mul3A_84, %add3A_143 : i32
      %add3A_145 = arith.constant 1 : i32
      %add3A_146 = arith.addi %add3A_144, %add3A_145 : i32
      %mul3A_147 = arith.constant 80 : i32
      %mul3A_148 = arith.muli %add3A_146, %mul3A_147 : i32
      %dma_start3A_149 = tpu.memref_slice %arg6[%mul3A_148] : memref<10000xi32, #tpu.memory_space<vmem>> -> memref<80xi32, #tpu.memory_space<vmem>>
      %dma_start3A_150 = arith.constant 0 : i32
      %dma_start3A_151 = arith.constant 0 : i32
      %dma_start3A_152 = tpu.memref_slice %arg2[%dma_start3A_150, %dma_start3A_151] : memref<10112x128xf32, #tpu.memory_space<hbm>> -> memref<10112x128xf32, #tpu.memory_space<hbm>>
      tpu.enqueue_indirect_dma source(%dma_start3A_152 : memref<10112x128xf32, #tpu.memory_space<hbm>>) target(%arg11 : memref<80x128xf32, #tpu.memory_space<vmem>>) offsets(%dma_start3A_149 : memref<80xi32, #tpu.memory_space<vmem>>) semaphore(%arg15 : memref<!tpu.dma_semaphore, #tpu.memory_space<semaphore_mem>>)
    }
    %scan3A_40 = arith.constant 61 : i32
    %add3A_41 = arith.constant 9760 : i32
    %add3A_42 = arith.addi %mul3A_2, %add3A_41 : i32
    %dma_wait3A_43 = tpu.memref_slice %arg4[%add3A_42] : memref<320000xi32, #tpu.memory_space<hbm>> -> memref<80xi32, #tpu.memory_space<hbm>>
    %dma_wait3A_44 = tpu.memref_slice %arg4[%add3A_42] : memref<320000xi32, #tpu.memory_space<hbm>> -> memref<80xi32, #tpu.memory_space<hbm>>
    tpu.wait_dma2 semaphore(%arg20 : memref<!tpu.dma_semaphore, #tpu.memory_space<semaphore_mem>>) src(%dma_wait3A_44 : memref<80xi32, #tpu.memory_space<hbm>>) dst(%arg7 : memref<80xi32, #tpu.memory_space<vmem>>)
    %dma_wait3A_45 = arith.constant 9760 : i32
    %dma_wait3A_46 = tpu.memref_slice %arg6[%dma_wait3A_45] : memref<10000xi32, #tpu.memory_space<vmem>> -> memref<80xi32, #tpu.memory_space<vmem>>
    %dma_wait3A_47 = arith.constant 0 : i32
    %dma_wait3A_48 = arith.constant 0 : i32
    %dma_wait3A_49 = tpu.memref_slice %arg2[%dma_wait3A_47, %dma_wait3A_48] : memref<10112x128xf32, #tpu.memory_space<hbm>> -> memref<10112x128xf32, #tpu.memory_space<hbm>>
    tpu.wait_indirect_dma semaphore(%arg14 : memref<!tpu.dma_semaphore, #tpu.memory_space<semaphore_mem>>) src(%dma_wait3A_49 : memref<10112x128xf32, #tpu.memory_space<hbm>>) dst(%arg10 : memref<80x128xf32, #tpu.memory_space<vmem>>)
    "tpu.region"() ({
      %run_scoped3A = tpu.sem_alloc : memref<!tpu.dma_semaphore, #tpu.memory_space<semaphore_mem>>
      %dma_start3A_78 = arith.constant 0 : i32
      %dma_start3A_79 = arith.constant 0 : i32
      %dma_start3A_80 = tpu.memref_slice %arg13[%dma_start3A_78, %dma_start3A_79] : memref<10112x128xf32, #tpu.memory_space<vmem_shared>> -> memref<10112x128xf32, #tpu.memory_space<vmem_shared>>
      tpu.enqueue_indirect_dma source(%arg10 : memref<80x128xf32, #tpu.memory_space<vmem>>) target(%dma_start3A_80 : memref<10112x128xf32, #tpu.memory_space<vmem_shared>>) offsets(%arg7 : memref<80xi32, #tpu.memory_space<vmem>>) semaphore(%run_scoped3A : memref<!tpu.dma_semaphore, #tpu.memory_space<semaphore_mem>>) {add = true}
      %dma_wait3A_81 = arith.constant 0 : i32
      %dma_wait3A_82 = arith.constant 0 : i32
      %dma_wait3A_83 = tpu.memref_slice %arg13[%dma_wait3A_81, %dma_wait3A_82] : memref<10112x128xf32, #tpu.memory_space<vmem_shared>> -> memref<10112x128xf32, #tpu.memory_space<vmem_shared>>
      tpu.wait_indirect_dma semaphore(%run_scoped3A : memref<!tpu.dma_semaphore, #tpu.memory_space<semaphore_mem>>) src(%arg10 : memref<80x128xf32, #tpu.memory_space<vmem>>) dst(%dma_wait3A_83 : memref<10112x128xf32, #tpu.memory_space<vmem_shared>>)
      tpu.yield
    }) : () -> ()
    %add3A_50 = arith.constant 9920 : i32
    %add3A_51 = arith.addi %mul3A_2, %add3A_50 : i32
    %dma_start3A_52 = tpu.memref_slice %arg4[%add3A_51] : memref<320000xi32, #tpu.memory_space<hbm>> -> memref<80xi32, #tpu.memory_space<hbm>>
    %dma_start3A_53 = tpu.memref_slice %arg4[%add3A_51] : memref<320000xi32, #tpu.memory_space<hbm>> -> memref<80xi32, #tpu.memory_space<hbm>>
    tpu.enqueue_dma source(%dma_start3A_53 : memref<80xi32, #tpu.memory_space<hbm>>) target(%arg7 : memref<80xi32, #tpu.memory_space<vmem>>) target_semaphore(%arg20 : memref<!tpu.dma_semaphore, #tpu.memory_space<semaphore_mem>>)
    %dma_start3A_54 = arith.constant 9920 : i32
    %dma_start3A_55 = tpu.memref_slice %arg6[%dma_start3A_54] : memref<10000xi32, #tpu.memory_space<vmem>> -> memref<80xi32, #tpu.memory_space<vmem>>
    %dma_start3A_56 = arith.constant 0 : i32
    %dma_start3A_57 = arith.constant 0 : i32
    %dma_start3A_58 = tpu.memref_slice %arg2[%dma_start3A_56, %dma_start3A_57] : memref<10112x128xf32, #tpu.memory_space<hbm>> -> memref<10112x128xf32, #tpu.memory_space<hbm>>
    tpu.enqueue_indirect_dma source(%dma_start3A_58 : memref<10112x128xf32, #tpu.memory_space<hbm>>) target(%arg10 : memref<80x128xf32, #tpu.memory_space<vmem>>) offsets(%dma_start3A_55 : memref<80xi32, #tpu.memory_space<vmem>>) semaphore(%arg14 : memref<!tpu.dma_semaphore, #tpu.memory_space<semaphore_mem>>)
    %add3A_59 = arith.constant 9840 : i32
    %add3A_60 = arith.addi %mul3A_2, %add3A_59 : i32
    %dma_wait3A_61 = tpu.memref_slice %arg4[%add3A_60] : memref<320000xi32, #tpu.memory_space<hbm>> -> memref<80xi32, #tpu.memory_space<hbm>>
    %dma_wait3A_62 = tpu.memref_slice %arg4[%add3A_60] : memref<320000xi32, #tpu.memory_space<hbm>> -> memref<80xi32, #tpu.memory_space<hbm>>
    tpu.wait_dma2 semaphore(%arg21 : memref<!tpu.dma_semaphore, #tpu.memory_space<semaphore_mem>>) src(%dma_wait3A_62 : memref<80xi32, #tpu.memory_space<hbm>>) dst(%arg8 : memref<80xi32, #tpu.memory_space<vmem>>)
    %dma_wait3A_63 = arith.constant 9840 : i32
    %dma_wait3A_64 = tpu.memref_slice %arg6[%dma_wait3A_63] : memref<10000xi32, #tpu.memory_space<vmem>> -> memref<80xi32, #tpu.memory_space<vmem>>
    %dma_wait3A_65 = arith.constant 0 : i32
    %dma_wait3A_66 = arith.constant 0 : i32
    %dma_wait3A_67 = tpu.memref_slice %arg2[%dma_wait3A_65, %dma_wait3A_66] : memref<10112x128xf32, #tpu.memory_space<hbm>> -> memref<10112x128xf32, #tpu.memory_space<hbm>>
    tpu.wait_indirect_dma semaphore(%arg15 : memref<!tpu.dma_semaphore, #tpu.memory_space<semaphore_mem>>) src(%dma_wait3A_67 : memref<10112x128xf32, #tpu.memory_space<hbm>>) dst(%arg11 : memref<80x128xf32, #tpu.memory_space<vmem>>)
    "tpu.region"() ({
      %run_scoped3A = tpu.sem_alloc : memref<!tpu.dma_semaphore, #tpu.memory_space<semaphore_mem>>
      %dma_start3A_78 = arith.constant 0 : i32
      %dma_start3A_79 = arith.constant 0 : i32
      %dma_start3A_80 = tpu.memref_slice %arg13[%dma_start3A_78, %dma_start3A_79] : memref<10112x128xf32, #tpu.memory_space<vmem_shared>> -> memref<10112x128xf32, #tpu.memory_space<vmem_shared>>
      tpu.enqueue_indirect_dma source(%arg11 : memref<80x128xf32, #tpu.memory_space<vmem>>) target(%dma_start3A_80 : memref<10112x128xf32, #tpu.memory_space<vmem_shared>>) offsets(%arg8 : memref<80xi32, #tpu.memory_space<vmem>>) semaphore(%run_scoped3A : memref<!tpu.dma_semaphore, #tpu.memory_space<semaphore_mem>>) {add = true}
      %dma_wait3A_81 = arith.constant 0 : i32
      %dma_wait3A_82 = arith.constant 0 : i32
      %dma_wait3A_83 = tpu.memref_slice %arg13[%dma_wait3A_81, %dma_wait3A_82] : memref<10112x128xf32, #tpu.memory_space<vmem_shared>> -> memref<10112x128xf32, #tpu.memory_space<vmem_shared>>
      tpu.wait_indirect_dma semaphore(%run_scoped3A : memref<!tpu.dma_semaphore, #tpu.memory_space<semaphore_mem>>) src(%arg11 : memref<80x128xf32, #tpu.memory_space<vmem>>) dst(%dma_wait3A_83 : memref<10112x128xf32, #tpu.memory_space<vmem_shared>>)
      tpu.yield
    }) : () -> ()
    %add3A_68 = arith.constant 9920 : i32
    %add3A_69 = arith.addi %mul3A_2, %add3A_68 : i32
    %dma_wait3A_70 = tpu.memref_slice %arg4[%add3A_69] : memref<320000xi32, #tpu.memory_space<hbm>> -> memref<80xi32, #tpu.memory_space<hbm>>
    %dma_wait3A_71 = tpu.memref_slice %arg4[%add3A_69] : memref<320000xi32, #tpu.memory_space<hbm>> -> memref<80xi32, #tpu.memory_space<hbm>>
    tpu.wait_dma2 semaphore(%arg20 : memref<!tpu.dma_semaphore, #tpu.memory_space<semaphore_mem>>) src(%dma_wait3A_71 : memref<80xi32, #tpu.memory_space<hbm>>) dst(%arg7 : memref<80xi32, #tpu.memory_space<vmem>>)
    %dma_wait3A_72 = arith.constant 9920 : i32
    %dma_wait3A_73 = tpu.memref_slice %arg6[%dma_wait3A_72] : memref<10000xi32, #tpu.memory_space<vmem>> -> memref<80xi32, #tpu.memory_space<vmem>>
    %dma_wait3A_74 = arith.constant 0 : i32
    %dma_wait3A_75 = arith.constant 0 : i32
    %dma_wait3A_76 = tpu.memref_slice %arg2[%dma_wait3A_74, %dma_wait3A_75] : memref<10112x128xf32, #tpu.memory_space<hbm>> -> memref<10112x128xf32, #tpu.memory_space<hbm>>
    tpu.wait_indirect_dma semaphore(%arg14 : memref<!tpu.dma_semaphore, #tpu.memory_space<semaphore_mem>>) src(%dma_wait3A_76 : memref<10112x128xf32, #tpu.memory_space<hbm>>) dst(%arg10 : memref<80x128xf32, #tpu.memory_space<vmem>>)
    "tpu.region"() ({
      %run_scoped3A = tpu.sem_alloc : memref<!tpu.dma_semaphore, #tpu.memory_space<semaphore_mem>>
      %dma_start3A_78 = arith.constant 0 : i32
      %dma_start3A_79 = arith.constant 0 : i32
      %dma_start3A_80 = tpu.memref_slice %arg13[%dma_start3A_78, %dma_start3A_79] : memref<10112x128xf32, #tpu.memory_space<vmem_shared>> -> memref<10112x128xf32, #tpu.memory_space<vmem_shared>>
      tpu.enqueue_indirect_dma source(%arg10 : memref<80x128xf32, #tpu.memory_space<vmem>>) target(%dma_start3A_80 : memref<10112x128xf32, #tpu.memory_space<vmem_shared>>) offsets(%arg7 : memref<80xi32, #tpu.memory_space<vmem>>) semaphore(%run_scoped3A : memref<!tpu.dma_semaphore, #tpu.memory_space<semaphore_mem>>) {add = true}
      %dma_wait3A_81 = arith.constant 0 : i32
      %dma_wait3A_82 = arith.constant 0 : i32
      %dma_wait3A_83 = tpu.memref_slice %arg13[%dma_wait3A_81, %dma_wait3A_82] : memref<10112x128xf32, #tpu.memory_space<vmem_shared>> -> memref<10112x128xf32, #tpu.memory_space<vmem_shared>>
      tpu.wait_indirect_dma semaphore(%run_scoped3A : memref<!tpu.dma_semaphore, #tpu.memory_space<semaphore_mem>>) src(%arg10 : memref<80x128xf32, #tpu.memory_space<vmem>>) dst(%dma_wait3A_83 : memref<10112x128xf32, #tpu.memory_space<vmem_shared>>)
      tpu.yield
    }) : () -> ()
    %barrier3A_77 = arith.constant 0 : index
    tpu.barrier barrier_id(%barrier3A_77)
    "tpu.region"() ({
      %run_scoped3A = tpu.sem_alloc : memref<!tpu.dma_semaphore, #tpu.memory_space<semaphore_mem>>
      %dma_start3A_78 = arith.constant 0 : i32
      %dma_start3A_79 = tpu.memref_slice %arg5[%arg0, %mul3A_4, %dma_start3A_78] : memref<2x10112x128xf32, #tpu.memory_space<hbm>> -> memref<1x632x128xf32, #tpu.memory_space<hbm>>
      %dma_start3A_80 = tpu.memref_squeeze %dma_start3A_79 : memref<1x632x128xf32, #tpu.memory_space<hbm>> -> memref<632x128xf32, #tpu.memory_space<hbm>>
      %dma_start3A_81 = arith.constant 0 : i32
      %dma_start3A_82 = tpu.memref_slice %arg13[%mul3A_4, %dma_start3A_81] : memref<10112x128xf32, #tpu.memory_space<vmem_shared>> -> memref<632x128xf32, #tpu.memory_space<vmem_shared>>
      tpu.enqueue_dma source(%dma_start3A_82 : memref<632x128xf32, #tpu.memory_space<vmem_shared>>) target(%dma_start3A_80 : memref<632x128xf32, #tpu.memory_space<hbm>>) target_semaphore(%run_scoped3A : memref<!tpu.dma_semaphore, #tpu.memory_space<semaphore_mem>>)
      %dma_wait3A_83 = arith.constant 0 : i32
      %dma_wait3A_84 = tpu.memref_slice %arg5[%arg0, %mul3A_4, %dma_wait3A_83] : memref<2x10112x128xf32, #tpu.memory_space<hbm>> -> memref<1x632x128xf32, #tpu.memory_space<hbm>>
      %dma_wait3A_85 = tpu.memref_squeeze %dma_wait3A_84 : memref<1x632x128xf32, #tpu.memory_space<hbm>> -> memref<632x128xf32, #tpu.memory_space<hbm>>
      %dma_wait3A_86 = arith.constant 0 : i32
      %dma_wait3A_87 = tpu.memref_slice %arg13[%mul3A_4, %dma_wait3A_86] : memref<10112x128xf32, #tpu.memory_space<vmem_shared>> -> memref<632x128xf32, #tpu.memory_space<vmem_shared>>
      tpu.wait_dma2 semaphore(%run_scoped3A : memref<!tpu.dma_semaphore, #tpu.memory_space<semaphore_mem>>) src(%dma_wait3A_87 : memref<632x128xf32, #tpu.memory_space<vmem_shared>>) dst(%dma_wait3A_85 : memref<632x128xf32, #tpu.memory_space<hbm>>)
      tpu.yield
    }) : () -> ()
    return
  }
}

#map = affine_map<(d0, d1) -> (0, 0, 0)>
#map1 = affine_map<(d0, d1) -> (0)>
module attributes {stable_mosaic.version = 14 : i64} {
  func.func @_deg_body(%arg0: i32, %arg1: i32, %arg2: memref<32x80x128xi32, #tpu.memory_space<hbm>>, %arg3: memref<32x80x128xi32, #tpu.memory_space<hbm>>, %arg4: memref<40448xf32, #tpu.memory_space<hbm>>, %arg5: memref<80x128xi32, #tpu.memory_space<vmem>>, %arg6: memref<80x128xi32, #tpu.memory_space<vmem>>, %arg7: memref<128xf32, #tpu.memory_space<vmem>>, %arg8: memref<640xf32, #tpu.memory_space<vmem>>, %arg9: memref<10112xf32, #tpu.memory_space<vmem_shared>>, %arg10: memref<10112xf32, #tpu.memory_space<vmem_shared>>, %arg11: memref<!tpu.dma_semaphore, #tpu.memory_space<semaphore_mem>>, %arg12: memref<!tpu.dma_semaphore, #tpu.memory_space<semaphore_mem>>) attributes {dimension_semantics = [#tpu.dimension_semantics<core_parallel>, #tpu.dimension_semantics<subcore_parallel>], iteration_bounds = array<i64: 2, 16>, scalar_prefetch = 0 : i64, scratch_operands = 8 : i64, tpu.core_type = #tpu.core_type<sc_vector_subcore>, window_params = [{transform_indices = #map}, {transform_indices = #map}, {transform_indices = #map1}]} {
    %mul3A = arith.constant 2 : i32
    %mul3A_0 = arith.muli %arg1, %mul3A : i32
    %add3A = arith.addi %mul3A_0, %arg0 : i32
    %dma_start3A = arith.constant 0 : i32
    %dma_start3A_1 = arith.constant 0 : i32
    %dma_start3A_2 = tpu.memref_slice %arg2[%add3A, %dma_start3A, %dma_start3A_1] : memref<32x80x128xi32, #tpu.memory_space<hbm>> -> memref<1x80x128xi32, #tpu.memory_space<hbm>>
    %dma_start3A_3 = tpu.memref_squeeze %dma_start3A_2 : memref<1x80x128xi32, #tpu.memory_space<hbm>> -> memref<80x128xi32, #tpu.memory_space<hbm>>
    %dma_start3A_4 = arith.constant 0 : i32
    %dma_start3A_5 = arith.constant 0 : i32
    %dma_start3A_6 = tpu.memref_slice %arg2[%add3A, %dma_start3A_4, %dma_start3A_5] : memref<32x80x128xi32, #tpu.memory_space<hbm>> -> memref<1x80x128xi32, #tpu.memory_space<hbm>>
    %dma_start3A_7 = tpu.memref_squeeze %dma_start3A_6 : memref<1x80x128xi32, #tpu.memory_space<hbm>> -> memref<80x128xi32, #tpu.memory_space<hbm>>
    tpu.enqueue_dma source(%dma_start3A_7 : memref<80x128xi32, #tpu.memory_space<hbm>>) target(%arg5 : memref<80x128xi32, #tpu.memory_space<vmem>>) target_semaphore(%arg11 : memref<!tpu.dma_semaphore, #tpu.memory_space<semaphore_mem>>)
    %dma_start3A_8 = arith.constant 0 : i32
    %dma_start3A_9 = arith.constant 0 : i32
    %dma_start3A_10 = tpu.memref_slice %arg3[%add3A, %dma_start3A_8, %dma_start3A_9] : memref<32x80x128xi32, #tpu.memory_space<hbm>> -> memref<1x80x128xi32, #tpu.memory_space<hbm>>
    %dma_start3A_11 = tpu.memref_squeeze %dma_start3A_10 : memref<1x80x128xi32, #tpu.memory_space<hbm>> -> memref<80x128xi32, #tpu.memory_space<hbm>>
    %dma_start3A_12 = arith.constant 0 : i32
    %dma_start3A_13 = arith.constant 0 : i32
    %dma_start3A_14 = tpu.memref_slice %arg3[%add3A, %dma_start3A_12, %dma_start3A_13] : memref<32x80x128xi32, #tpu.memory_space<hbm>> -> memref<1x80x128xi32, #tpu.memory_space<hbm>>
    %dma_start3A_15 = tpu.memref_squeeze %dma_start3A_14 : memref<1x80x128xi32, #tpu.memory_space<hbm>> -> memref<80x128xi32, #tpu.memory_space<hbm>>
    tpu.enqueue_dma source(%dma_start3A_15 : memref<80x128xi32, #tpu.memory_space<hbm>>) target(%arg6 : memref<80x128xi32, #tpu.memory_space<vmem>>) target_semaphore(%arg12 : memref<!tpu.dma_semaphore, #tpu.memory_space<semaphore_mem>>)
    %scan3A = arith.constant 0 : i32
    %scan3A_16 = arith.constant 8 : i32
    %scan3A_17 = arith.addi %scan3A, %scan3A_16 : i32
    %scan3A_18 = arith.constant 1 : i32
    scf.for %scan3A_80 = %scan3A to %scan3A_17 step %scan3A_18  : i32 {
      %mul3A_81 = arith.constant 16 : i32
      %mul3A_82 = arith.muli %scan3A_80, %mul3A_81 : i32
      %add3A_83 = arith.constant 0 : i32
      %add3A_84 = arith.addi %add3A_83, %mul3A_82 : i32
      %broadcast_in_dim3A = arith.constant 1.000000e+00 : f32
      %broadcast_in_dim3A_85 = vector.broadcast %broadcast_in_dim3A : f32 to vector<16xf32>
      %swap3A = arith.index_cast %add3A_84 : i32 to index
      %swap3A_86 = tpu.vector_load %arg7[%swap3A] {strides = array<i32>} : memref<128xf32, #tpu.memory_space<vmem>>, vector<16xf32>,
      %swap3A_87 = vector.shape_cast %swap3A_86 : vector<16xf32> to vector<16xf32>
      %swap3A_88 = vector.shape_cast %broadcast_in_dim3A_85 : vector<16xf32> to vector<16xf32>
      tpu.vector_store %arg7[%swap3A], %swap3A_88 {strides = array<i32>} : memref<128xf32, #tpu.memory_space<vmem>>, vector<16xf32>,
    }
    %scan3A_19 = arith.constant 8 : i32
    %scan3A_20 = arith.constant 0 : i32
    %scan3A_21 = arith.constant 40 : i32
    %scan3A_22 = arith.addi %scan3A_20, %scan3A_21 : i32
    %scan3A_23 = arith.constant 1 : i32
    scf.for %scan3A_80 = %scan3A_20 to %scan3A_22 step %scan3A_23  : i32 {
      %mul3A_81 = arith.constant 16 : i32
      %mul3A_82 = arith.muli %scan3A_80, %mul3A_81 : i32
      %add3A_83 = arith.constant 0 : i32
      %add3A_84 = arith.addi %add3A_83, %mul3A_82 : i32
      %broadcast_in_dim3A = arith.constant 0.000000e+00 : f32
      %broadcast_in_dim3A_85 = vector.broadcast %broadcast_in_dim3A : f32 to vector<16xf32>
      %swap3A = arith.index_cast %add3A_84 : i32 to index
      %swap3A_86 = tpu.vector_load %arg8[%swap3A] {strides = array<i32>} : memref<640xf32, #tpu.memory_space<vmem>>, vector<16xf32>,
      %swap3A_87 = vector.shape_cast %swap3A_86 : vector<16xf32> to vector<16xf32>
      %swap3A_88 = vector.shape_cast %broadcast_in_dim3A_85 : vector<16xf32> to vector<16xf32>
      tpu.vector_store %arg8[%swap3A], %swap3A_88 {strides = array<i32>} : memref<640xf32, #tpu.memory_space<vmem>>, vector<16xf32>,
    }
    %scan3A_24 = arith.constant 40 : i32
    %dma_wait3A = arith.constant 0 : i32
    %dma_wait3A_25 = arith.constant 0 : i32
    %dma_wait3A_26 = tpu.memref_slice %arg2[%add3A, %dma_wait3A, %dma_wait3A_25] : memref<32x80x128xi32, #tpu.memory_space<hbm>> -> memref<1x80x128xi32, #tpu.memory_space<hbm>>
    %dma_wait3A_27 = tpu.memref_squeeze %dma_wait3A_26 : memref<1x80x128xi32, #tpu.memory_space<hbm>> -> memref<80x128xi32, #tpu.memory_space<hbm>>
    %dma_wait3A_28 = arith.constant 0 : i32
    %dma_wait3A_29 = arith.constant 0 : i32
    %dma_wait3A_30 = tpu.memref_slice %arg2[%add3A, %dma_wait3A_28, %dma_wait3A_29] : memref<32x80x128xi32, #tpu.memory_space<hbm>> -> memref<1x80x128xi32, #tpu.memory_space<hbm>>
    %dma_wait3A_31 = tpu.memref_squeeze %dma_wait3A_30 : memref<1x80x128xi32, #tpu.memory_space<hbm>> -> memref<80x128xi32, #tpu.memory_space<hbm>>
    tpu.wait_dma2 semaphore(%arg11 : memref<!tpu.dma_semaphore, #tpu.memory_space<semaphore_mem>>) src(%dma_wait3A_31 : memref<80x128xi32, #tpu.memory_space<hbm>>) dst(%arg5 : memref<80x128xi32, #tpu.memory_space<vmem>>)
    %dma_wait3A_32 = arith.constant 0 : i32
    %dma_wait3A_33 = arith.constant 0 : i32
    %dma_wait3A_34 = tpu.memref_slice %arg3[%add3A, %dma_wait3A_32, %dma_wait3A_33] : memref<32x80x128xi32, #tpu.memory_space<hbm>> -> memref<1x80x128xi32, #tpu.memory_space<hbm>>
    %dma_wait3A_35 = tpu.memref_squeeze %dma_wait3A_34 : memref<1x80x128xi32, #tpu.memory_space<hbm>> -> memref<80x128xi32, #tpu.memory_space<hbm>>
    %dma_wait3A_36 = arith.constant 0 : i32
    %dma_wait3A_37 = arith.constant 0 : i32
    %dma_wait3A_38 = tpu.memref_slice %arg3[%add3A, %dma_wait3A_36, %dma_wait3A_37] : memref<32x80x128xi32, #tpu.memory_space<hbm>> -> memref<1x80x128xi32, #tpu.memory_space<hbm>>
    %dma_wait3A_39 = tpu.memref_squeeze %dma_wait3A_38 : memref<1x80x128xi32, #tpu.memory_space<hbm>> -> memref<80x128xi32, #tpu.memory_space<hbm>>
    tpu.wait_dma2 semaphore(%arg12 : memref<!tpu.dma_semaphore, #tpu.memory_space<semaphore_mem>>) src(%dma_wait3A_39 : memref<80x128xi32, #tpu.memory_space<hbm>>) dst(%arg6 : memref<80x128xi32, #tpu.memory_space<vmem>>)
    %mul3A_40 = arith.constant 632 : i32
    %mul3A_41 = arith.muli %arg1, %mul3A_40 : i32
    "tpu.region"() ({
      %run_scoped3A = tpu.sem_alloc : memref<!tpu.dma_semaphore, #tpu.memory_space<semaphore_mem>>
      %dma_start3A_80 = arith.constant 0 : i32
      %dma_start3A_81 = tpu.memref_slice %arg8[%dma_start3A_80] : memref<640xf32, #tpu.memory_space<vmem>> -> memref<632xf32, #tpu.memory_space<vmem>>
      %dma_start3A_82 = tpu.memref_slice %arg9[%mul3A_41] : memref<10112xf32, #tpu.memory_space<vmem_shared>> -> memref<632xf32, #tpu.memory_space<vmem_shared>>
      %dma_start3A_83 = tpu.memref_slice %arg9[%mul3A_41] : memref<10112xf32, #tpu.memory_space<vmem_shared>> -> memref<632xf32, #tpu.memory_space<vmem_shared>>
      %dma_start3A_84 = arith.constant 0 : i32
      %dma_start3A_85 = tpu.memref_slice %arg8[%dma_start3A_84] : memref<640xf32, #tpu.memory_space<vmem>> -> memref<632xf32, #tpu.memory_space<vmem>>
      tpu.enqueue_dma source(%dma_start3A_85 : memref<632xf32, #tpu.memory_space<vmem>>) target(%dma_start3A_83 : memref<632xf32, #tpu.memory_space<vmem_shared>>) target_semaphore(%run_scoped3A : memref<!tpu.dma_semaphore, #tpu.memory_space<semaphore_mem>>)
      %dma_wait3A_86 = arith.constant 0 : i32
      %dma_wait3A_87 = tpu.memref_slice %arg8[%dma_wait3A_86] : memref<640xf32, #tpu.memory_space<vmem>> -> memref<632xf32, #tpu.memory_space<vmem>>
      %dma_wait3A_88 = tpu.memref_slice %arg9[%mul3A_41] : memref<10112xf32, #tpu.memory_space<vmem_shared>> -> memref<632xf32, #tpu.memory_space<vmem_shared>>
      %dma_wait3A_89 = tpu.memref_slice %arg9[%mul3A_41] : memref<10112xf32, #tpu.memory_space<vmem_shared>> -> memref<632xf32, #tpu.memory_space<vmem_shared>>
      %dma_wait3A_90 = arith.constant 0 : i32
      %dma_wait3A_91 = tpu.memref_slice %arg8[%dma_wait3A_90] : memref<640xf32, #tpu.memory_space<vmem>> -> memref<632xf32, #tpu.memory_space<vmem>>
      tpu.wait_dma2 semaphore(%run_scoped3A : memref<!tpu.dma_semaphore, #tpu.memory_space<semaphore_mem>>) src(%dma_wait3A_91 : memref<632xf32, #tpu.memory_space<vmem>>) dst(%dma_wait3A_89 : memref<632xf32, #tpu.memory_space<vmem_shared>>)
      tpu.yield
    }) : () -> ()
    "tpu.region"() ({
      %run_scoped3A = tpu.sem_alloc : memref<!tpu.dma_semaphore, #tpu.memory_space<semaphore_mem>>
      %dma_start3A_80 = arith.constant 0 : i32
      %dma_start3A_81 = tpu.memref_slice %arg8[%dma_start3A_80] : memref<640xf32, #tpu.memory_space<vmem>> -> memref<632xf32, #tpu.memory_space<vmem>>
      %dma_start3A_82 = tpu.memref_slice %arg10[%mul3A_41] : memref<10112xf32, #tpu.memory_space<vmem_shared>> -> memref<632xf32, #tpu.memory_space<vmem_shared>>
      %dma_start3A_83 = tpu.memref_slice %arg10[%mul3A_41] : memref<10112xf32, #tpu.memory_space<vmem_shared>> -> memref<632xf32, #tpu.memory_space<vmem_shared>>
      %dma_start3A_84 = arith.constant 0 : i32
      %dma_start3A_85 = tpu.memref_slice %arg8[%dma_start3A_84] : memref<640xf32, #tpu.memory_space<vmem>> -> memref<632xf32, #tpu.memory_space<vmem>>
      tpu.enqueue_dma source(%dma_start3A_85 : memref<632xf32, #tpu.memory_space<vmem>>) target(%dma_start3A_83 : memref<632xf32, #tpu.memory_space<vmem_shared>>) target_semaphore(%run_scoped3A : memref<!tpu.dma_semaphore, #tpu.memory_space<semaphore_mem>>)
      %dma_wait3A_86 = arith.constant 0 : i32
      %dma_wait3A_87 = tpu.memref_slice %arg8[%dma_wait3A_86] : memref<640xf32, #tpu.memory_space<vmem>> -> memref<632xf32, #tpu.memory_space<vmem>>
      %dma_wait3A_88 = tpu.memref_slice %arg10[%mul3A_41] : memref<10112xf32, #tpu.memory_space<vmem_shared>> -> memref<632xf32, #tpu.memory_space<vmem_shared>>
      %dma_wait3A_89 = tpu.memref_slice %arg10[%mul3A_41] : memref<10112xf32, #tpu.memory_space<vmem_shared>> -> memref<632xf32, #tpu.memory_space<vmem_shared>>
      %dma_wait3A_90 = arith.constant 0 : i32
      %dma_wait3A_91 = tpu.memref_slice %arg8[%dma_wait3A_90] : memref<640xf32, #tpu.memory_space<vmem>> -> memref<632xf32, #tpu.memory_space<vmem>>
      tpu.wait_dma2 semaphore(%run_scoped3A : memref<!tpu.dma_semaphore, #tpu.memory_space<semaphore_mem>>) src(%dma_wait3A_91 : memref<632xf32, #tpu.memory_space<vmem>>) dst(%dma_wait3A_89 : memref<632xf32, #tpu.memory_space<vmem_shared>>)
      tpu.yield
    }) : () -> ()
    %barrier3A = arith.constant 0 : index
    tpu.barrier barrier_id(%barrier3A)
    %dma_start3A_42 = arith.constant 0 : i32
    %dma_start3A_43 = arith.constant 0 : i32
    %dma_start3A_44 = tpu.memref_slice %arg5[%dma_start3A_42, %dma_start3A_43] : memref<80x128xi32, #tpu.memory_space<vmem>> -> memref<1x128xi32, #tpu.memory_space<vmem>>
    %dma_start3A_45 = tpu.memref_squeeze %dma_start3A_44 : memref<1x128xi32, #tpu.memory_space<vmem>> -> memref<128xi32, #tpu.memory_space<vmem>>
    %dma_start3A_46 = arith.constant 0 : i32
    %dma_start3A_47 = tpu.memref_slice %arg9[%dma_start3A_46] : memref<10112xf32, #tpu.memory_space<vmem_shared>> -> memref<10112xf32, #tpu.memory_space<vmem_shared>>
    tpu.enqueue_indirect_dma source(%arg7 : memref<128xf32, #tpu.memory_space<vmem>>) target(%dma_start3A_47 : memref<10112xf32, #tpu.memory_space<vmem_shared>>) offsets(%dma_start3A_45 : memref<128xi32, #tpu.memory_space<vmem>>) semaphore(%arg11 : memref<!tpu.dma_semaphore, #tpu.memory_space<semaphore_mem>>) {add = true}
    %dma_start3A_48 = arith.constant 0 : i32
    %dma_start3A_49 = arith.constant 0 : i32
    %dma_start3A_50 = tpu.memref_slice %arg6[%dma_start3A_48, %dma_start3A_49] : memref<80x128xi32, #tpu.memory_space<vmem>> -> memref<1x128xi32, #tpu.memory_space<vmem>>
    %dma_start3A_51 = tpu.memref_squeeze %dma_start3A_50 : memref<1x128xi32, #tpu.memory_space<vmem>> -> memref<128xi32, #tpu.memory_space<vmem>>
    %dma_start3A_52 = arith.constant 0 : i32
    %dma_start3A_53 = tpu.memref_slice %arg10[%dma_start3A_52] : memref<10112xf32, #tpu.memory_space<vmem_shared>> -> memref<10112xf32, #tpu.memory_space<vmem_shared>>
    tpu.enqueue_indirect_dma source(%arg7 : memref<128xf32, #tpu.memory_space<vmem>>) target(%dma_start3A_53 : memref<10112xf32, #tpu.memory_space<vmem_shared>>) offsets(%dma_start3A_51 : memref<128xi32, #tpu.memory_space<vmem>>) semaphore(%arg12 : memref<!tpu.dma_semaphore, #tpu.memory_space<semaphore_mem>>) {add = true}
    %scan3A_54 = arith.constant 0 : i32
    %scan3A_55 = arith.constant 79 : i32
    %scan3A_56 = arith.addi %scan3A_54, %scan3A_55 : i32
    %scan3A_57 = arith.constant 1 : i32
    scf.for %scan3A_80 = %scan3A_54 to %scan3A_56 step %scan3A_57  : i32 {
      %mul3A_81 = arith.constant 1 : i32
      %mul3A_82 = arith.muli %scan3A_80, %mul3A_81 : i32
      %add3A_83 = arith.constant 1 : i32
      %add3A_84 = arith.addi %add3A_83, %mul3A_82 : i32
      %dma_start3A_85 = arith.constant 0 : i32
      %dma_start3A_86 = tpu.memref_slice %arg5[%add3A_84, %dma_start3A_85] : memref<80x128xi32, #tpu.memory_space<vmem>> -> memref<1x128xi32, #tpu.memory_space<vmem>>
      %dma_start3A_87 = tpu.memref_squeeze %dma_start3A_86 : memref<1x128xi32, #tpu.memory_space<vmem>> -> memref<128xi32, #tpu.memory_space<vmem>>
      %dma_start3A_88 = arith.constant 0 : i32
      %dma_start3A_89 = tpu.memref_slice %arg9[%dma_start3A_88] : memref<10112xf32, #tpu.memory_space<vmem_shared>> -> memref<10112xf32, #tpu.memory_space<vmem_shared>>
      tpu.enqueue_indirect_dma source(%arg7 : memref<128xf32, #tpu.memory_space<vmem>>) target(%dma_start3A_89 : memref<10112xf32, #tpu.memory_space<vmem_shared>>) offsets(%dma_start3A_87 : memref<128xi32, #tpu.memory_space<vmem>>) semaphore(%arg11 : memref<!tpu.dma_semaphore, #tpu.memory_space<semaphore_mem>>) {add = true}
      %dma_start3A_90 = arith.constant 0 : i32
      %dma_start3A_91 = tpu.memref_slice %arg6[%add3A_84, %dma_start3A_90] : memref<80x128xi32, #tpu.memory_space<vmem>> -> memref<1x128xi32, #tpu.memory_space<vmem>>
      %dma_start3A_92 = tpu.memref_squeeze %dma_start3A_91 : memref<1x128xi32, #tpu.memory_space<vmem>> -> memref<128xi32, #tpu.memory_space<vmem>>
      %dma_start3A_93 = arith.constant 0 : i32
      %dma_start3A_94 = tpu.memref_slice %arg10[%dma_start3A_93] : memref<10112xf32, #tpu.memory_space<vmem_shared>> -> memref<10112xf32, #tpu.memory_space<vmem_shared>>
      tpu.enqueue_indirect_dma source(%arg7 : memref<128xf32, #tpu.memory_space<vmem>>) target(%dma_start3A_94 : memref<10112xf32, #tpu.memory_space<vmem_shared>>) offsets(%dma_start3A_92 : memref<128xi32, #tpu.memory_space<vmem>>) semaphore(%arg12 : memref<!tpu.dma_semaphore, #tpu.memory_space<semaphore_mem>>) {add = true}
      %sub3A = arith.constant 1 : i32
      %sub3A_95 = arith.subi %add3A_84, %sub3A : i32
      %dma_wait3A_96 = arith.constant 0 : i32
      %dma_wait3A_97 = tpu.memref_slice %arg5[%sub3A_95, %dma_wait3A_96] : memref<80x128xi32, #tpu.memory_space<vmem>> -> memref<1x128xi32, #tpu.memory_space<vmem>>
      %dma_wait3A_98 = tpu.memref_squeeze %dma_wait3A_97 : memref<1x128xi32, #tpu.memory_space<vmem>> -> memref<128xi32, #tpu.memory_space<vmem>>
      %dma_wait3A_99 = arith.constant 0 : i32
      %dma_wait3A_100 = tpu.memref_slice %arg9[%dma_wait3A_99] : memref<10112xf32, #tpu.memory_space<vmem_shared>> -> memref<10112xf32, #tpu.memory_space<vmem_shared>>
      tpu.wait_indirect_dma semaphore(%arg11 : memref<!tpu.dma_semaphore, #tpu.memory_space<semaphore_mem>>) src(%arg7 : memref<128xf32, #tpu.memory_space<vmem>>) dst(%dma_wait3A_100 : memref<10112xf32, #tpu.memory_space<vmem_shared>>)
      %dma_wait3A_101 = arith.constant 0 : i32
      %dma_wait3A_102 = tpu.memref_slice %arg6[%sub3A_95, %dma_wait3A_101] : memref<80x128xi32, #tpu.memory_space<vmem>> -> memref<1x128xi32, #tpu.memory_space<vmem>>
      %dma_wait3A_103 = tpu.memref_squeeze %dma_wait3A_102 : memref<1x128xi32, #tpu.memory_space<vmem>> -> memref<128xi32, #tpu.memory_space<vmem>>
      %dma_wait3A_104 = arith.constant 0 : i32
      %dma_wait3A_105 = tpu.memref_slice %arg10[%dma_wait3A_104] : memref<10112xf32, #tpu.memory_space<vmem_shared>> -> memref<10112xf32, #tpu.memory_space<vmem_shared>>
      tpu.wait_indirect_dma semaphore(%arg12 : memref<!tpu.dma_semaphore, #tpu.memory_space<semaphore_mem>>) src(%arg7 : memref<128xf32, #tpu.memory_space<vmem>>) dst(%dma_wait3A_105 : memref<10112xf32, #tpu.memory_space<vmem_shared>>)
    }
    %scan3A_58 = arith.constant 79 : i32
    %dma_wait3A_59 = arith.constant 79 : i32
    %dma_wait3A_60 = arith.constant 0 : i32
    %dma_wait3A_61 = tpu.memref_slice %arg5[%dma_wait3A_59, %dma_wait3A_60] : memref<80x128xi32, #tpu.memory_space<vmem>> -> memref<1x128xi32, #tpu.memory_space<vmem>>
    %dma_wait3A_62 = tpu.memref_squeeze %dma_wait3A_61 : memref<1x128xi32, #tpu.memory_space<vmem>> -> memref<128xi32, #tpu.memory_space<vmem>>
    %dma_wait3A_63 = arith.constant 0 : i32
    %dma_wait3A_64 = tpu.memref_slice %arg9[%dma_wait3A_63] : memref<10112xf32, #tpu.memory_space<vmem_shared>> -> memref<10112xf32, #tpu.memory_space<vmem_shared>>
    tpu.wait_indirect_dma semaphore(%arg11 : memref<!tpu.dma_semaphore, #tpu.memory_space<semaphore_mem>>) src(%arg7 : memref<128xf32, #tpu.memory_space<vmem>>) dst(%dma_wait3A_64 : memref<10112xf32, #tpu.memory_space<vmem_shared>>)
    %dma_wait3A_65 = arith.constant 79 : i32
    %dma_wait3A_66 = arith.constant 0 : i32
    %dma_wait3A_67 = tpu.memref_slice %arg6[%dma_wait3A_65, %dma_wait3A_66] : memref<80x128xi32, #tpu.memory_space<vmem>> -> memref<1x128xi32, #tpu.memory_space<vmem>>
    %dma_wait3A_68 = tpu.memref_squeeze %dma_wait3A_67 : memref<1x128xi32, #tpu.memory_space<vmem>> -> memref<128xi32, #tpu.memory_space<vmem>>
    %dma_wait3A_69 = arith.constant 0 : i32
    %dma_wait3A_70 = tpu.memref_slice %arg10[%dma_wait3A_69] : memref<10112xf32, #tpu.memory_space<vmem_shared>> -> memref<10112xf32, #tpu.memory_space<vmem_shared>>
    tpu.wait_indirect_dma semaphore(%arg12 : memref<!tpu.dma_semaphore, #tpu.memory_space<semaphore_mem>>) src(%arg7 : memref<128xf32, #tpu.memory_space<vmem>>) dst(%dma_wait3A_70 : memref<10112xf32, #tpu.memory_space<vmem_shared>>)
    %barrier3A_71 = arith.constant 0 : index
    tpu.barrier barrier_id(%barrier3A_71)
    %mul3A_72 = arith.constant 2 : i32
    %mul3A_73 = arith.muli %arg0, %mul3A_72 : i32
    %mul3A_74 = arith.constant 10112 : i32
    %mul3A_75 = arith.muli %mul3A_73, %mul3A_74 : i32
    "tpu.region"() ({
      %run_scoped3A = tpu.sem_alloc : memref<!tpu.dma_semaphore, #tpu.memory_space<semaphore_mem>>
      %dma_start3A_80 = arith.constant 0 : i32
      %dma_start3A_81 = tpu.memref_slice %arg8[%dma_start3A_80] : memref<640xf32, #tpu.memory_space<vmem>> -> memref<632xf32, #tpu.memory_space<vmem>>
      %dma_start3A_82 = tpu.memref_slice %arg9[%mul3A_41] : memref<10112xf32, #tpu.memory_space<vmem_shared>> -> memref<632xf32, #tpu.memory_space<vmem_shared>>
      %dma_start3A_83 = arith.constant 0 : i32
      %dma_start3A_84 = tpu.memref_slice %arg8[%dma_start3A_83] : memref<640xf32, #tpu.memory_space<vmem>> -> memref<632xf32, #tpu.memory_space<vmem>>
      %dma_start3A_85 = tpu.memref_slice %arg9[%mul3A_41] : memref<10112xf32, #tpu.memory_space<vmem_shared>> -> memref<632xf32, #tpu.memory_space<vmem_shared>>
      tpu.enqueue_dma source(%dma_start3A_85 : memref<632xf32, #tpu.memory_space<vmem_shared>>) target(%dma_start3A_84 : memref<632xf32, #tpu.memory_space<vmem>>) target_semaphore(%run_scoped3A : memref<!tpu.dma_semaphore, #tpu.memory_space<semaphore_mem>>)
      %dma_wait3A_86 = arith.constant 0 : i32
      %dma_wait3A_87 = tpu.memref_slice %arg8[%dma_wait3A_86] : memref<640xf32, #tpu.memory_space<vmem>> -> memref<632xf32, #tpu.memory_space<vmem>>
      %dma_wait3A_88 = tpu.memref_slice %arg9[%mul3A_41] : memref<10112xf32, #tpu.memory_space<vmem_shared>> -> memref<632xf32, #tpu.memory_space<vmem_shared>>
      %dma_wait3A_89 = arith.constant 0 : i32
      %dma_wait3A_90 = tpu.memref_slice %arg8[%dma_wait3A_89] : memref<640xf32, #tpu.memory_space<vmem>> -> memref<632xf32, #tpu.memory_space<vmem>>
      %dma_wait3A_91 = tpu.memref_slice %arg9[%mul3A_41] : memref<10112xf32, #tpu.memory_space<vmem_shared>> -> memref<632xf32, #tpu.memory_space<vmem_shared>>
      tpu.wait_dma2 semaphore(%run_scoped3A : memref<!tpu.dma_semaphore, #tpu.memory_space<semaphore_mem>>) src(%dma_wait3A_91 : memref<632xf32, #tpu.memory_space<vmem_shared>>) dst(%dma_wait3A_90 : memref<632xf32, #tpu.memory_space<vmem>>)
      tpu.yield
    }) : () -> ()
    %add3A_76 = arith.addi %mul3A_75, %mul3A_41 : i32
    "tpu.region"() ({
      %run_scoped3A = tpu.sem_alloc : memref<!tpu.dma_semaphore, #tpu.memory_space<semaphore_mem>>
      %dma_start3A_80 = arith.constant 0 : i32
      %dma_start3A_81 = tpu.memref_slice %arg8[%dma_start3A_80] : memref<640xf32, #tpu.memory_space<vmem>> -> memref<632xf32, #tpu.memory_space<vmem>>
      %dma_start3A_82 = tpu.memref_slice %arg4[%add3A_76] : memref<40448xf32, #tpu.memory_space<hbm>> -> memref<632xf32, #tpu.memory_space<hbm>>
      %dma_start3A_83 = tpu.memref_slice %arg4[%add3A_76] : memref<40448xf32, #tpu.memory_space<hbm>> -> memref<632xf32, #tpu.memory_space<hbm>>
      %dma_start3A_84 = arith.constant 0 : i32
      %dma_start3A_85 = tpu.memref_slice %arg8[%dma_start3A_84] : memref<640xf32, #tpu.memory_space<vmem>> -> memref<632xf32, #tpu.memory_space<vmem>>
      tpu.enqueue_dma source(%dma_start3A_85 : memref<632xf32, #tpu.memory_space<vmem>>) target(%dma_start3A_83 : memref<632xf32, #tpu.memory_space<hbm>>) target_semaphore(%run_scoped3A : memref<!tpu.dma_semaphore, #tpu.memory_space<semaphore_mem>>)
      %dma_wait3A_86 = arith.constant 0 : i32
      %dma_wait3A_87 = tpu.memref_slice %arg8[%dma_wait3A_86] : memref<640xf32, #tpu.memory_space<vmem>> -> memref<632xf32, #tpu.memory_space<vmem>>
      %dma_wait3A_88 = tpu.memref_slice %arg4[%add3A_76] : memref<40448xf32, #tpu.memory_space<hbm>> -> memref<632xf32, #tpu.memory_space<hbm>>
      %dma_wait3A_89 = tpu.memref_slice %arg4[%add3A_76] : memref<40448xf32, #tpu.memory_space<hbm>> -> memref<632xf32, #tpu.memory_space<hbm>>
      %dma_wait3A_90 = arith.constant 0 : i32
      %dma_wait3A_91 = tpu.memref_slice %arg8[%dma_wait3A_90] : memref<640xf32, #tpu.memory_space<vmem>> -> memref<632xf32, #tpu.memory_space<vmem>>
      tpu.wait_dma2 semaphore(%run_scoped3A : memref<!tpu.dma_semaphore, #tpu.memory_space<semaphore_mem>>) src(%dma_wait3A_91 : memref<632xf32, #tpu.memory_space<vmem>>) dst(%dma_wait3A_89 : memref<632xf32, #tpu.memory_space<hbm>>)
      tpu.yield
    }) : () -> ()
    "tpu.region"() ({
      %run_scoped3A = tpu.sem_alloc : memref<!tpu.dma_semaphore, #tpu.memory_space<semaphore_mem>>
      %dma_start3A_80 = arith.constant 0 : i32
      %dma_start3A_81 = tpu.memref_slice %arg8[%dma_start3A_80] : memref<640xf32, #tpu.memory_space<vmem>> -> memref<632xf32, #tpu.memory_space<vmem>>
      %dma_start3A_82 = tpu.memref_slice %arg10[%mul3A_41] : memref<10112xf32, #tpu.memory_space<vmem_shared>> -> memref<632xf32, #tpu.memory_space<vmem_shared>>
      %dma_start3A_83 = arith.constant 0 : i32
      %dma_start3A_84 = tpu.memref_slice %arg8[%dma_start3A_83] : memref<640xf32, #tpu.memory_space<vmem>> -> memref<632xf32, #tpu.memory_space<vmem>>
      %dma_start3A_85 = tpu.memref_slice %arg10[%mul3A_41] : memref<10112xf32, #tpu.memory_space<vmem_shared>> -> memref<632xf32, #tpu.memory_space<vmem_shared>>
      tpu.enqueue_dma source(%dma_start3A_85 : memref<632xf32, #tpu.memory_space<vmem_shared>>) target(%dma_start3A_84 : memref<632xf32, #tpu.memory_space<vmem>>) target_semaphore(%run_scoped3A : memref<!tpu.dma_semaphore, #tpu.memory_space<semaphore_mem>>)
      %dma_wait3A_86 = arith.constant 0 : i32
      %dma_wait3A_87 = tpu.memref_slice %arg8[%dma_wait3A_86] : memref<640xf32, #tpu.memory_space<vmem>> -> memref<632xf32, #tpu.memory_space<vmem>>
      %dma_wait3A_88 = tpu.memref_slice %arg10[%mul3A_41] : memref<10112xf32, #tpu.memory_space<vmem_shared>> -> memref<632xf32, #tpu.memory_space<vmem_shared>>
      %dma_wait3A_89 = arith.constant 0 : i32
      %dma_wait3A_90 = tpu.memref_slice %arg8[%dma_wait3A_89] : memref<640xf32, #tpu.memory_space<vmem>> -> memref<632xf32, #tpu.memory_space<vmem>>
      %dma_wait3A_91 = tpu.memref_slice %arg10[%mul3A_41] : memref<10112xf32, #tpu.memory_space<vmem_shared>> -> memref<632xf32, #tpu.memory_space<vmem_shared>>
      tpu.wait_dma2 semaphore(%run_scoped3A : memref<!tpu.dma_semaphore, #tpu.memory_space<semaphore_mem>>) src(%dma_wait3A_91 : memref<632xf32, #tpu.memory_space<vmem_shared>>) dst(%dma_wait3A_90 : memref<632xf32, #tpu.memory_space<vmem>>)
      tpu.yield
    }) : () -> ()
    %add3A_77 = arith.constant 10112 : i32
    %add3A_78 = arith.addi %mul3A_75, %add3A_77 : i32
    %add3A_79 = arith.addi %add3A_78, %mul3A_41 : i32
    "tpu.region"() ({
      %run_scoped3A = tpu.sem_alloc : memref<!tpu.dma_semaphore, #tpu.memory_space<semaphore_mem>>
      %dma_start3A_80 = arith.constant 0 : i32
      %dma_start3A_81 = tpu.memref_slice %arg8[%dma_start3A_80] : memref<640xf32, #tpu.memory_space<vmem>> -> memref<632xf32, #tpu.memory_space<vmem>>
      %dma_start3A_82 = tpu.memref_slice %arg4[%add3A_79] : memref<40448xf32, #tpu.memory_space<hbm>> -> memref<632xf32, #tpu.memory_space<hbm>>
      %dma_start3A_83 = tpu.memref_slice %arg4[%add3A_79] : memref<40448xf32, #tpu.memory_space<hbm>> -> memref<632xf32, #tpu.memory_space<hbm>>
      %dma_start3A_84 = arith.constant 0 : i32
      %dma_start3A_85 = tpu.memref_slice %arg8[%dma_start3A_84] : memref<640xf32, #tpu.memory_space<vmem>> -> memref<632xf32, #tpu.memory_space<vmem>>
      tpu.enqueue_dma source(%dma_start3A_85 : memref<632xf32, #tpu.memory_space<vmem>>) target(%dma_start3A_83 : memref<632xf32, #tpu.memory_space<hbm>>) target_semaphore(%run_scoped3A : memref<!tpu.dma_semaphore, #tpu.memory_space<semaphore_mem>>)
      %dma_wait3A_86 = arith.constant 0 : i32
      %dma_wait3A_87 = tpu.memref_slice %arg8[%dma_wait3A_86] : memref<640xf32, #tpu.memory_space<vmem>> -> memref<632xf32, #tpu.memory_space<vmem>>
      %dma_wait3A_88 = tpu.memref_slice %arg4[%add3A_79] : memref<40448xf32, #tpu.memory_space<hbm>> -> memref<632xf32, #tpu.memory_space<hbm>>
      %dma_wait3A_89 = tpu.memref_slice %arg4[%add3A_79] : memref<40448xf32, #tpu.memory_space<hbm>> -> memref<632xf32, #tpu.memory_space<hbm>>
      %dma_wait3A_90 = arith.constant 0 : i32
      %dma_wait3A_91 = tpu.memref_slice %arg8[%dma_wait3A_90] : memref<640xf32, #tpu.memory_space<vmem>> -> memref<632xf32, #tpu.memory_space<vmem>>
      tpu.wait_dma2 semaphore(%run_scoped3A : memref<!tpu.dma_semaphore, #tpu.memory_space<semaphore_mem>>) src(%dma_wait3A_91 : memref<632xf32, #tpu.memory_space<vmem>>) dst(%dma_wait3A_89 : memref<632xf32, #tpu.memory_space<hbm>>)
      tpu.yield
    }) : () -> ()
    return
  }
}

#map = affine_map<(d0, d1) -> (0, 0)>
#map1 = affine_map<(d0, d1) -> (0)>
#map2 = affine_map<(d0, d1) -> (0, 0, 0)>
module attributes {stable_mosaic.version = 14 : i64} {
  func.func @_mp_body(%arg0: i32, %arg1: i32, %arg2: memref<10112x128xf32, #tpu.memory_space<hbm>>, %arg3: memref<320000xi32, #tpu.memory_space<hbm>>, %arg4: memref<320000xi32, #tpu.memory_space<hbm>>, %arg5: memref<2x10112x128xf32, #tpu.memory_space<hbm>>, %arg6: memref<10000xi32, #tpu.memory_space<vmem>>, %arg7: memref<80xi32, #tpu.memory_space<vmem>>, %arg8: memref<80xi32, #tpu.memory_space<vmem>>, %arg9: memref<80xi32, #tpu.memory_space<vmem>>, %arg10: memref<80x128xf32, #tpu.memory_space<vmem>>, %arg11: memref<80x128xf32, #tpu.memory_space<vmem>>, %arg12: memref<80x128xf32, #tpu.memory_space<vmem>>, %arg13: memref<10112x128xf32, #tpu.memory_space<vmem_shared>>, %arg14: memref<!tpu.dma_semaphore, #tpu.memory_space<semaphore_mem>>, %arg15: memref<!tpu.dma_semaphore, #tpu.memory_space<semaphore_mem>>, %arg16: memref<!tpu.dma_semaphore, #tpu.memory_space<semaphore_mem>>, %arg17: memref<!tpu.dma_semaphore, #tpu.memory_space<semaphore_mem>>, %arg18: memref<!tpu.dma_semaphore, #tpu.memory_space<semaphore_mem>>, %arg19: memref<!tpu.dma_semaphore, #tpu.memory_space<semaphore_mem>>, %arg20: memref<!tpu.dma_semaphore, #tpu.memory_space<semaphore_mem>>, %arg21: memref<!tpu.dma_semaphore, #tpu.memory_space<semaphore_mem>>, %arg22: memref<!tpu.dma_semaphore, #tpu.memory_space<semaphore_mem>>) attributes {dimension_semantics = [#tpu.dimension_semantics<core_parallel>, #tpu.dimension_semantics<subcore_parallel>], iteration_bounds = array<i64: 2, 16>, scalar_prefetch = 0 : i64, scratch_operands = 17 : i64, tpu.core_type = #tpu.core_type<sc_vector_subcore>, window_params = [{transform_indices = #map}, {transform_indices = #map1}, {transform_indices = #map1}, {transform_indices = #map2}]} {
    %mul3A = arith.constant 2 : i32
    %mul3A_0 = arith.muli %arg1, %mul3A : i32
    %add3A = arith.addi %mul3A_0, %arg0 : i32
    %mul3A_1 = arith.constant 10000 : i32
    %mul3A_2 = arith.muli %add3A, %mul3A_1 : i32
    %mul3A_3 = arith.constant 632 : i32
    %mul3A_4 = arith.muli %arg1, %mul3A_3 : i32
    %dma_start3A = tpu.memref_slice %arg3[%mul3A_2] : memref<320000xi32, #tpu.memory_space<hbm>> -> memref<10000xi32, #tpu.memory_space<hbm>>
    %dma_start3A_5 = tpu.memref_slice %arg3[%mul3A_2] : memref<320000xi32, #tpu.memory_space<hbm>> -> memref<10000xi32, #tpu.memory_space<hbm>>
    tpu.enqueue_dma source(%dma_start3A_5 : memref<10000xi32, #tpu.memory_space<hbm>>) target(%arg6 : memref<10000xi32, #tpu.memory_space<vmem>>) target_semaphore(%arg16 : memref<!tpu.dma_semaphore, #tpu.memory_space<semaphore_mem>>)
    %scan3A = arith.constant 0 : i32
    %scan3A_6 = arith.constant 80 : i32
    %scan3A_7 = arith.addi %scan3A, %scan3A_6 : i32
    %scan3A_8 = arith.constant 1 : i32
    scf.for %scan3A_78 = %scan3A to %scan3A_7 step %scan3A_8  : i32 {
      %mul3A_79 = arith.constant 1 : i32
      %mul3A_80 = arith.muli %scan3A_78, %mul3A_79 : i32
      %add3A_81 = arith.constant 0 : i32
      %add3A_82 = arith.addi %add3A_81, %mul3A_80 : i32
      %scan3A_83 = arith.constant 0 : i32
      %scan3A_84 = arith.constant 8 : i32
      %scan3A_85 = arith.addi %scan3A_83, %scan3A_84 : i32
      %scan3A_86 = arith.constant 1 : i32
      scf.for %scan3A_88 = %scan3A_83 to %scan3A_85 step %scan3A_86  : i32 {
        %mul3A_89 = arith.constant 16 : i32
        %mul3A_90 = arith.muli %scan3A_88, %mul3A_89 : i32
        %add3A_91 = arith.constant 0 : i32
        %add3A_92 = arith.addi %add3A_91, %mul3A_90 : i32
        %broadcast_in_dim3A = arith.constant 0.000000e+00 : f32
        %broadcast_in_dim3A_93 = vector.broadcast %broadcast_in_dim3A : f32 to vector<16xf32>
        %swap3A = arith.index_cast %add3A_82 : i32 to index
        %swap3A_94 = arith.index_cast %add3A_92 : i32 to index
        %swap3A_95 = tpu.vector_load %arg12[%swap3A, %swap3A_94] {strides = array<i32>} : memref<80x128xf32, #tpu.memory_space<vmem>>, vector<1x16xf32>,
        %swap3A_96 = vector.shape_cast %swap3A_95 : vector<1x16xf32> to vector<16xf32>
        %swap3A_97 = vector.shape_cast %broadcast_in_dim3A_93 : vector<16xf32> to vector<1x16xf32>
        tpu.vector_store %arg12[%swap3A, %swap3A_94], %swap3A_97 {strides = array<i32>} : memref<80x128xf32, #tpu.memory_space<vmem>>, vector<1x16xf32>,
      }
      %scan3A_87 = arith.constant 8 : i32
    }
    %scan3A_9 = arith.constant 80 : i32
    %dma_wait3A = tpu.memref_slice %arg3[%mul3A_2] : memref<320000xi32, #tpu.memory_space<hbm>> -> memref<10000xi32, #tpu.memory_space<hbm>>
    %dma_wait3A_10 = tpu.memref_slice %arg3[%mul3A_2] : memref<320000xi32, #tpu.memory_space<hbm>> -> memref<10000xi32, #tpu.memory_space<hbm>>
    tpu.wait_dma2 semaphore(%arg16 : memref<!tpu.dma_semaphore, #tpu.memory_space<semaphore_mem>>) src(%dma_wait3A_10 : memref<10000xi32, #tpu.memory_space<hbm>>) dst(%arg6 : memref<10000xi32, #tpu.memory_space<vmem>>)
    %add3A_11 = arith.constant 0 : i32
    %add3A_12 = arith.addi %mul3A_2, %add3A_11 : i32
    %dma_start3A_13 = tpu.memref_slice %arg4[%add3A_12] : memref<320000xi32, #tpu.memory_space<hbm>> -> memref<80xi32, #tpu.memory_space<hbm>>
    %dma_start3A_14 = tpu.memref_slice %arg4[%add3A_12] : memref<320000xi32, #tpu.memory_space<hbm>> -> memref<80xi32, #tpu.memory_space<hbm>>
    tpu.enqueue_dma source(%dma_start3A_14 : memref<80xi32, #tpu.memory_space<hbm>>) target(%arg7 : memref<80xi32, #tpu.memory_space<vmem>>) target_semaphore(%arg20 : memref<!tpu.dma_semaphore, #tpu.memory_space<semaphore_mem>>)
    %dma_start3A_15 = arith.constant 0 : i32
    %dma_start3A_16 = tpu.memref_slice %arg6[%dma_start3A_15] : memref<10000xi32, #tpu.memory_space<vmem>> -> memref<80xi32, #tpu.memory_space<vmem>>
    %dma_start3A_17 = arith.constant 0 : i32
    %dma_start3A_18 = arith.constant 0 : i32
    %dma_start3A_19 = tpu.memref_slice %arg2[%dma_start3A_17, %dma_start3A_18] : memref<10112x128xf32, #tpu.memory_space<hbm>> -> memref<10112x128xf32, #tpu.memory_space<hbm>>
    tpu.enqueue_indirect_dma source(%dma_start3A_19 : memref<10112x128xf32, #tpu.memory_space<hbm>>) target(%arg10 : memref<80x128xf32, #tpu.memory_space<vmem>>) offsets(%dma_start3A_16 : memref<80xi32, #tpu.memory_space<vmem>>) semaphore(%arg14 : memref<!tpu.dma_semaphore, #tpu.memory_space<semaphore_mem>>)
    %add3A_20 = arith.constant 80 : i32
    %add3A_21 = arith.addi %mul3A_2, %add3A_20 : i32
    %dma_start3A_22 = tpu.memref_slice %arg4[%add3A_21] : memref<320000xi32, #tpu.memory_space<hbm>> -> memref<80xi32, #tpu.memory_space<hbm>>
    %dma_start3A_23 = tpu.memref_slice %arg4[%add3A_21] : memref<320000xi32, #tpu.memory_space<hbm>> -> memref<80xi32, #tpu.memory_space<hbm>>
    tpu.enqueue_dma source(%dma_start3A_23 : memref<80xi32, #tpu.memory_space<hbm>>) target(%arg8 : memref<80xi32, #tpu.memory_space<vmem>>) target_semaphore(%arg21 : memref<!tpu.dma_semaphore, #tpu.memory_space<semaphore_mem>>)
    %dma_start3A_24 = arith.constant 80 : i32
    %dma_start3A_25 = tpu.memref_slice %arg6[%dma_start3A_24] : memref<10000xi32, #tpu.memory_space<vmem>> -> memref<80xi32, #tpu.memory_space<vmem>>
    %dma_start3A_26 = arith.constant 0 : i32
    %dma_start3A_27 = arith.constant 0 : i32
    %dma_start3A_28 = tpu.memref_slice %arg2[%dma_start3A_26, %dma_start3A_27] : memref<10112x128xf32, #tpu.memory_space<hbm>> -> memref<10112x128xf32, #tpu.memory_space<hbm>>
    tpu.enqueue_indirect_dma source(%dma_start3A_28 : memref<10112x128xf32, #tpu.memory_space<hbm>>) target(%arg11 : memref<80x128xf32, #tpu.memory_space<vmem>>) offsets(%dma_start3A_25 : memref<80xi32, #tpu.memory_space<vmem>>) semaphore(%arg15 : memref<!tpu.dma_semaphore, #tpu.memory_space<semaphore_mem>>)
    %scan3A_29 = arith.constant 0 : i32
    %scan3A_30 = arith.constant 7 : i32
    %scan3A_31 = arith.addi %scan3A_29, %scan3A_30 : i32
    %scan3A_32 = arith.constant 1 : i32
    scf.for %scan3A_78 = %scan3A_29 to %scan3A_31 step %scan3A_32  : i32 {
      %mul3A_79 = arith.constant 1 : i32
      %mul3A_80 = arith.muli %scan3A_78, %mul3A_79 : i32
      %add3A_81 = arith.constant 0 : i32
      %add3A_82 = arith.addi %add3A_81, %mul3A_80 : i32
      %mul3A_83 = arith.constant 80 : i32
      %mul3A_84 = arith.muli %add3A_82, %mul3A_83 : i32
      %add3A_85 = arith.addi %mul3A_4, %mul3A_84 : i32
      "tpu.region"() ({
        %run_scoped3A = tpu.sem_alloc : memref<!tpu.dma_semaphore, #tpu.memory_space<semaphore_mem>>
        %dma_start3A_86 = arith.constant 0 : i32
        %dma_start3A_87 = tpu.memref_slice %arg13[%add3A_85, %dma_start3A_86] : memref<10112x128xf32, #tpu.memory_space<vmem_shared>> -> memref<80x128xf32, #tpu.memory_space<vmem_shared>>
        %dma_start3A_88 = arith.constant 0 : i32
        %dma_start3A_89 = tpu.memref_slice %arg13[%add3A_85, %dma_start3A_88] : memref<10112x128xf32, #tpu.memory_space<vmem_shared>> -> memref<80x128xf32, #tpu.memory_space<vmem_shared>>
        tpu.enqueue_dma source(%arg12 : memref<80x128xf32, #tpu.memory_space<vmem>>) target(%dma_start3A_89 : memref<80x128xf32, #tpu.memory_space<vmem_shared>>) target_semaphore(%run_scoped3A : memref<!tpu.dma_semaphore, #tpu.memory_space<semaphore_mem>>)
        %dma_wait3A_90 = arith.constant 0 : i32
        %dma_wait3A_91 = tpu.memref_slice %arg13[%add3A_85, %dma_wait3A_90] : memref<10112x128xf32, #tpu.memory_space<vmem_shared>> -> memref<80x128xf32, #tpu.memory_space<vmem_shared>>
        %dma_wait3A_92 = arith.constant 0 : i32
        %dma_wait3A_93 = tpu.memref_slice %arg13[%add3A_85, %dma_wait3A_92] : memref<10112x128xf32, #tpu.memory_space<vmem_shared>> -> memref<80x128xf32, #tpu.memory_space<vmem_shared>>
        tpu.wait_dma2 semaphore(%run_scoped3A : memref<!tpu.dma_semaphore, #tpu.memory_space<semaphore_mem>>) src(%arg12 : memref<80x128xf32, #tpu.memory_space<vmem>>) dst(%dma_wait3A_93 : memref<80x128xf32, #tpu.memory_space<vmem_shared>>)
        tpu.yield
      }) : () -> ()
    }
    %scan3A_33 = arith.constant 7 : i32
    %add3A_34 = arith.constant 560 : i32
    %add3A_35 = arith.addi %mul3A_4, %add3A_34 : i32
    "tpu.region"() ({
      %run_scoped3A = tpu.sem_alloc : memref<!tpu.dma_semaphore, #tpu.memory_space<semaphore_mem>>
      %dma_start3A_78 = arith.constant 0 : i32
      %dma_start3A_79 = arith.constant 0 : i32
      %dma_start3A_80 = tpu.memref_slice %arg12[%dma_start3A_78, %dma_start3A_79] : memref<80x128xf32, #tpu.memory_space<vmem>> -> memref<72x128xf32, #tpu.memory_space<vmem>>
      %dma_start3A_81 = arith.constant 0 : i32
      %dma_start3A_82 = tpu.memref_slice %arg13[%add3A_35, %dma_start3A_81] : memref<10112x128xf32, #tpu.memory_space<vmem_shared>> -> memref<72x128xf32, #tpu.memory_space<vmem_shared>>
      %dma_start3A_83 = arith.constant 0 : i32
      %dma_start3A_84 = tpu.memref_slice %arg13[%add3A_35, %dma_start3A_83] : memref<10112x128xf32, #tpu.memory_space<vmem_shared>> -> memref<72x128xf32, #tpu.memory_space<vmem_shared>>
      %dma_start3A_85 = arith.constant 0 : i32
      %dma_start3A_86 = arith.constant 0 : i32
      %dma_start3A_87 = tpu.memref_slice %arg12[%dma_start3A_85, %dma_start3A_86] : memref<80x128xf32, #tpu.memory_space<vmem>> -> memref<72x128xf32, #tpu.memory_space<vmem>>
      tpu.enqueue_dma source(%dma_start3A_87 : memref<72x128xf32, #tpu.memory_space<vmem>>) target(%dma_start3A_84 : memref<72x128xf32, #tpu.memory_space<vmem_shared>>) target_semaphore(%run_scoped3A : memref<!tpu.dma_semaphore, #tpu.memory_space<semaphore_mem>>)
      %dma_wait3A_88 = arith.constant 0 : i32
      %dma_wait3A_89 = arith.constant 0 : i32
      %dma_wait3A_90 = tpu.memref_slice %arg12[%dma_wait3A_88, %dma_wait3A_89] : memref<80x128xf32, #tpu.memory_space<vmem>> -> memref<72x128xf32, #tpu.memory_space<vmem>>
      %dma_wait3A_91 = arith.constant 0 : i32
      %dma_wait3A_92 = tpu.memref_slice %arg13[%add3A_35, %dma_wait3A_91] : memref<10112x128xf32, #tpu.memory_space<vmem_shared>> -> memref<72x128xf32, #tpu.memory_space<vmem_shared>>
      %dma_wait3A_93 = arith.constant 0 : i32
      %dma_wait3A_94 = tpu.memref_slice %arg13[%add3A_35, %dma_wait3A_93] : memref<10112x128xf32, #tpu.memory_space<vmem_shared>> -> memref<72x128xf32, #tpu.memory_space<vmem_shared>>
      %dma_wait3A_95 = arith.constant 0 : i32
      %dma_wait3A_96 = arith.constant 0 : i32
      %dma_wait3A_97 = tpu.memref_slice %arg12[%dma_wait3A_95, %dma_wait3A_96] : memref<80x128xf32, #tpu.memory_space<vmem>> -> memref<72x128xf32, #tpu.memory_space<vmem>>
      tpu.wait_dma2 semaphore(%run_scoped3A : memref<!tpu.dma_semaphore, #tpu.memory_space<semaphore_mem>>) src(%dma_wait3A_97 : memref<72x128xf32, #tpu.memory_space<vmem>>) dst(%dma_wait3A_94 : memref<72x128xf32, #tpu.memory_space<vmem_shared>>)
      tpu.yield
    }) : () -> ()
    %barrier3A = arith.constant 0 : index
    tpu.barrier barrier_id(%barrier3A)
    %scan3A_36 = arith.constant 0 : i32
    %scan3A_37 = arith.constant 61 : i32
    %scan3A_38 = arith.addi %scan3A_36, %scan3A_37 : i32
    %scan3A_39 = arith.constant 1 : i32
    scf.for %scan3A_78 = %scan3A_36 to %scan3A_38 step %scan3A_39  : i32 {
      %mul3A_79 = arith.constant 1 : i32
      %mul3A_80 = arith.muli %scan3A_78, %mul3A_79 : i32
      %add3A_81 = arith.constant 0 : i32
      %add3A_82 = arith.addi %add3A_81, %mul3A_80 : i32
      %mul3A_83 = arith.constant 2 : i32
      %mul3A_84 = arith.muli %mul3A_83, %add3A_82 : i32
      %add3A_85 = arith.constant 0 : i32
      %add3A_86 = arith.addi %mul3A_84, %add3A_85 : i32
      %mul3A_87 = arith.constant 80 : i32
      %mul3A_88 = arith.muli %add3A_86, %mul3A_87 : i32
      %add3A_89 = arith.addi %mul3A_2, %mul3A_88 : i32
      %dma_wait3A_90 = tpu.memref_slice %arg4[%add3A_89] : memref<320000xi32, #tpu.memory_space<hbm>> -> memref<80xi32, #tpu.memory_space<hbm>>
      %dma_wait3A_91 = tpu.memref_slice %arg4[%add3A_89] : memref<320000xi32, #tpu.memory_space<hbm>> -> memref<80xi32, #tpu.memory_space<hbm>>
      tpu.wait_dma2 semaphore(%arg20 : memref<!tpu.dma_semaphore, #tpu.memory_space<semaphore_mem>>) src(%dma_wait3A_91 : memref<80xi32, #tpu.memory_space<hbm>>) dst(%arg7 : memref<80xi32, #tpu.memory_space<vmem>>)
      %add3A_92 = arith.constant 0 : i32
      %add3A_93 = arith.addi %mul3A_84, %add3A_92 : i32
      %mul3A_94 = arith.constant 80 : i32
      %mul3A_95 = arith.muli %add3A_93, %mul3A_94 : i32
      %dma_wait3A_96 = tpu.memref_slice %arg6[%mul3A_95] : memref<10000xi32, #tpu.memory_space<vmem>> -> memref<80xi32, #tpu.memory_space<vmem>>
      %dma_wait3A_97 = arith.constant 0 : i32
      %dma_wait3A_98 = arith.constant 0 : i32
      %dma_wait3A_99 = tpu.memref_slice %arg2[%dma_wait3A_97, %dma_wait3A_98] : memref<10112x128xf32, #tpu.memory_space<hbm>> -> memref<10112x128xf32, #tpu.memory_space<hbm>>
      tpu.wait_indirect_dma semaphore(%arg14 : memref<!tpu.dma_semaphore, #tpu.memory_space<semaphore_mem>>) src(%dma_wait3A_99 : memref<10112x128xf32, #tpu.memory_space<hbm>>) dst(%arg10 : memref<80x128xf32, #tpu.memory_space<vmem>>)
      "tpu.region"() ({
        %run_scoped3A = tpu.sem_alloc : memref<!tpu.dma_semaphore, #tpu.memory_space<semaphore_mem>>
        %dma_start3A_153 = arith.constant 0 : i32
        %dma_start3A_154 = arith.constant 0 : i32
        %dma_start3A_155 = tpu.memref_slice %arg13[%dma_start3A_153, %dma_start3A_154] : memref<10112x128xf32, #tpu.memory_space<vmem_shared>> -> memref<10112x128xf32, #tpu.memory_space<vmem_shared>>
        tpu.enqueue_indirect_dma source(%arg10 : memref<80x128xf32, #tpu.memory_space<vmem>>) target(%dma_start3A_155 : memref<10112x128xf32, #tpu.memory_space<vmem_shared>>) offsets(%arg7 : memref<80xi32, #tpu.memory_space<vmem>>) semaphore(%run_scoped3A : memref<!tpu.dma_semaphore, #tpu.memory_space<semaphore_mem>>) {add = true}
        %dma_wait3A_156 = arith.constant 0 : i32
        %dma_wait3A_157 = arith.constant 0 : i32
        %dma_wait3A_158 = tpu.memref_slice %arg13[%dma_wait3A_156, %dma_wait3A_157] : memref<10112x128xf32, #tpu.memory_space<vmem_shared>> -> memref<10112x128xf32, #tpu.memory_space<vmem_shared>>
        tpu.wait_indirect_dma semaphore(%run_scoped3A : memref<!tpu.dma_semaphore, #tpu.memory_space<semaphore_mem>>) src(%arg10 : memref<80x128xf32, #tpu.memory_space<vmem>>) dst(%dma_wait3A_158 : memref<10112x128xf32, #tpu.memory_space<vmem_shared>>)
        tpu.yield
      }) : () -> ()
      %add3A_100 = arith.constant 2 : i32
      %add3A_101 = arith.addi %mul3A_84, %add3A_100 : i32
      %add3A_102 = arith.constant 0 : i32
      %add3A_103 = arith.addi %add3A_101, %add3A_102 : i32
      %mul3A_104 = arith.constant 80 : i32
      %mul3A_105 = arith.muli %add3A_103, %mul3A_104 : i32
      %add3A_106 = arith.addi %mul3A_2, %mul3A_105 : i32
      %dma_start3A_107 = tpu.memref_slice %arg4[%add3A_106] : memref<320000xi32, #tpu.memory_space<hbm>> -> memref<80xi32, #tpu.memory_space<hbm>>
      %dma_start3A_108 = tpu.memref_slice %arg4[%add3A_106] : memref<320000xi32, #tpu.memory_space<hbm>> -> memref<80xi32, #tpu.memory_space<hbm>>
      tpu.enqueue_dma source(%dma_start3A_108 : memref<80xi32, #tpu.memory_space<hbm>>) target(%arg7 : memref<80xi32, #tpu.memory_space<vmem>>) target_semaphore(%arg20 : memref<!tpu.dma_semaphore, #tpu.memory_space<semaphore_mem>>)
      %add3A_109 = arith.constant 2 : i32
      %add3A_110 = arith.addi %mul3A_84, %add3A_109 : i32
      %add3A_111 = arith.constant 0 : i32
      %add3A_112 = arith.addi %add3A_110, %add3A_111 : i32
      %mul3A_113 = arith.constant 80 : i32
      %mul3A_114 = arith.muli %add3A_112, %mul3A_113 : i32
      %dma_start3A_115 = tpu.memref_slice %arg6[%mul3A_114] : memref<10000xi32, #tpu.memory_space<vmem>> -> memref<80xi32, #tpu.memory_space<vmem>>
      %dma_start3A_116 = arith.constant 0 : i32
      %dma_start3A_117 = arith.constant 0 : i32
      %dma_start3A_118 = tpu.memref_slice %arg2[%dma_start3A_116, %dma_start3A_117] : memref<10112x128xf32, #tpu.memory_space<hbm>> -> memref<10112x128xf32, #tpu.memory_space<hbm>>
      tpu.enqueue_indirect_dma source(%dma_start3A_118 : memref<10112x128xf32, #tpu.memory_space<hbm>>) target(%arg10 : memref<80x128xf32, #tpu.memory_space<vmem>>) offsets(%dma_start3A_115 : memref<80xi32, #tpu.memory_space<vmem>>) semaphore(%arg14 : memref<!tpu.dma_semaphore, #tpu.memory_space<semaphore_mem>>)
      %add3A_119 = arith.constant 1 : i32
      %add3A_120 = arith.addi %mul3A_84, %add3A_119 : i32
      %mul3A_121 = arith.constant 80 : i32
      %mul3A_122 = arith.muli %add3A_120, %mul3A_121 : i32
      %add3A_123 = arith.addi %mul3A_2, %mul3A_122 : i32
      %dma_wait3A_124 = tpu.memref_slice %arg4[%add3A_123] : memref<320000xi32, #tpu.memory_space<hbm>> -> memref<80xi32, #tpu.memory_space<hbm>>
      %dma_wait3A_125 = tpu.memref_slice %arg4[%add3A_123] : memref<320000xi32, #tpu.memory_space<hbm>> -> memref<80xi32, #tpu.memory_space<hbm>>
      tpu.wait_dma2 semaphore(%arg21 : memref<!tpu.dma_semaphore, #tpu.memory_space<semaphore_mem>>) src(%dma_wait3A_125 : memref<80xi32, #tpu.memory_space<hbm>>) dst(%arg8 : memref<80xi32, #tpu.memory_space<vmem>>)
      %add3A_126 = arith.constant 1 : i32
      %add3A_127 = arith.addi %mul3A_84, %add3A_126 : i32
      %mul3A_128 = arith.constant 80 : i32
      %mul3A_129 = arith.muli %add3A_127, %mul3A_128 : i32
      %dma_wait3A_130 = tpu.memref_slice %arg6[%mul3A_129] : memref<10000xi32, #tpu.memory_space<vmem>> -> memref<80xi32, #tpu.memory_space<vmem>>
      %dma_wait3A_131 = arith.constant 0 : i32
      %dma_wait3A_132 = arith.constant 0 : i32
      %dma_wait3A_133 = tpu.memref_slice %arg2[%dma_wait3A_131, %dma_wait3A_132] : memref<10112x128xf32, #tpu.memory_space<hbm>> -> memref<10112x128xf32, #tpu.memory_space<hbm>>
      tpu.wait_indirect_dma semaphore(%arg15 : memref<!tpu.dma_semaphore, #tpu.memory_space<semaphore_mem>>) src(%dma_wait3A_133 : memref<10112x128xf32, #tpu.memory_space<hbm>>) dst(%arg11 : memref<80x128xf32, #tpu.memory_space<vmem>>)
      "tpu.region"() ({
        %run_scoped3A = tpu.sem_alloc : memref<!tpu.dma_semaphore, #tpu.memory_space<semaphore_mem>>
        %dma_start3A_153 = arith.constant 0 : i32
        %dma_start3A_154 = arith.constant 0 : i32
        %dma_start3A_155 = tpu.memref_slice %arg13[%dma_start3A_153, %dma_start3A_154] : memref<10112x128xf32, #tpu.memory_space<vmem_shared>> -> memref<10112x128xf32, #tpu.memory_space<vmem_shared>>
        tpu.enqueue_indirect_dma source(%arg11 : memref<80x128xf32, #tpu.memory_space<vmem>>) target(%dma_start3A_155 : memref<10112x128xf32, #tpu.memory_space<vmem_shared>>) offsets(%arg8 : memref<80xi32, #tpu.memory_space<vmem>>) semaphore(%run_scoped3A : memref<!tpu.dma_semaphore, #tpu.memory_space<semaphore_mem>>) {add = true}
        %dma_wait3A_156 = arith.constant 0 : i32
        %dma_wait3A_157 = arith.constant 0 : i32
        %dma_wait3A_158 = tpu.memref_slice %arg13[%dma_wait3A_156, %dma_wait3A_157] : memref<10112x128xf32, #tpu.memory_space<vmem_shared>> -> memref<10112x128xf32, #tpu.memory_space<vmem_shared>>
        tpu.wait_indirect_dma semaphore(%run_scoped3A : memref<!tpu.dma_semaphore, #tpu.memory_space<semaphore_mem>>) src(%arg11 : memref<80x128xf32, #tpu.memory_space<vmem>>) dst(%dma_wait3A_158 : memref<10112x128xf32, #tpu.memory_space<vmem_shared>>)
        tpu.yield
      }) : () -> ()
      %add3A_134 = arith.constant 2 : i32
      %add3A_135 = arith.addi %mul3A_84, %add3A_134 : i32
      %add3A_136 = arith.constant 1 : i32
      %add3A_137 = arith.addi %add3A_135, %add3A_136 : i32
      %mul3A_138 = arith.constant 80 : i32
      %mul3A_139 = arith.muli %add3A_137, %mul3A_138 : i32
      %add3A_140 = arith.addi %mul3A_2, %mul3A_139 : i32
      %dma_start3A_141 = tpu.memref_slice %arg4[%add3A_140] : memref<320000xi32, #tpu.memory_space<hbm>> -> memref<80xi32, #tpu.memory_space<hbm>>
      %dma_start3A_142 = tpu.memref_slice %arg4[%add3A_140] : memref<320000xi32, #tpu.memory_space<hbm>> -> memref<80xi32, #tpu.memory_space<hbm>>
      tpu.enqueue_dma source(%dma_start3A_142 : memref<80xi32, #tpu.memory_space<hbm>>) target(%arg8 : memref<80xi32, #tpu.memory_space<vmem>>) target_semaphore(%arg21 : memref<!tpu.dma_semaphore, #tpu.memory_space<semaphore_mem>>)
      %add3A_143 = arith.constant 2 : i32
      %add3A_144 = arith.addi %mul3A_84, %add3A_143 : i32
      %add3A_145 = arith.constant 1 : i32
      %add3A_146 = arith.addi %add3A_144, %add3A_145 : i32
      %mul3A_147 = arith.constant 80 : i32
      %mul3A_148 = arith.muli %add3A_146, %mul3A_147 : i32
      %dma_start3A_149 = tpu.memref_slice %arg6[%mul3A_148] : memref<10000xi32, #tpu.memory_space<vmem>> -> memref<80xi32, #tpu.memory_space<vmem>>
      %dma_start3A_150 = arith.constant 0 : i32
      %dma_start3A_151 = arith.constant 0 : i32
      %dma_start3A_152 = tpu.memref_slice %arg2[%dma_start3A_150, %dma_start3A_151] : memref<10112x128xf32, #tpu.memory_space<hbm>> -> memref<10112x128xf32, #tpu.memory_space<hbm>>
      tpu.enqueue_indirect_dma source(%dma_start3A_152 : memref<10112x128xf32, #tpu.memory_space<hbm>>) target(%arg11 : memref<80x128xf32, #tpu.memory_space<vmem>>) offsets(%dma_start3A_149 : memref<80xi32, #tpu.memory_space<vmem>>) semaphore(%arg15 : memref<!tpu.dma_semaphore, #tpu.memory_space<semaphore_mem>>)
    }
    %scan3A_40 = arith.constant 61 : i32
    %add3A_41 = arith.constant 9760 : i32
    %add3A_42 = arith.addi %mul3A_2, %add3A_41 : i32
    %dma_wait3A_43 = tpu.memref_slice %arg4[%add3A_42] : memref<320000xi32, #tpu.memory_space<hbm>> -> memref<80xi32, #tpu.memory_space<hbm>>
    %dma_wait3A_44 = tpu.memref_slice %arg4[%add3A_42] : memref<320000xi32, #tpu.memory_space<hbm>> -> memref<80xi32, #tpu.memory_space<hbm>>
    tpu.wait_dma2 semaphore(%arg20 : memref<!tpu.dma_semaphore, #tpu.memory_space<semaphore_mem>>) src(%dma_wait3A_44 : memref<80xi32, #tpu.memory_space<hbm>>) dst(%arg7 : memref<80xi32, #tpu.memory_space<vmem>>)
    %dma_wait3A_45 = arith.constant 9760 : i32
    %dma_wait3A_46 = tpu.memref_slice %arg6[%dma_wait3A_45] : memref<10000xi32, #tpu.memory_space<vmem>> -> memref<80xi32, #tpu.memory_space<vmem>>
    %dma_wait3A_47 = arith.constant 0 : i32
    %dma_wait3A_48 = arith.constant 0 : i32
    %dma_wait3A_49 = tpu.memref_slice %arg2[%dma_wait3A_47, %dma_wait3A_48] : memref<10112x128xf32, #tpu.memory_space<hbm>> -> memref<10112x128xf32, #tpu.memory_space<hbm>>
    tpu.wait_indirect_dma semaphore(%arg14 : memref<!tpu.dma_semaphore, #tpu.memory_space<semaphore_mem>>) src(%dma_wait3A_49 : memref<10112x128xf32, #tpu.memory_space<hbm>>) dst(%arg10 : memref<80x128xf32, #tpu.memory_space<vmem>>)
    "tpu.region"() ({
      %run_scoped3A = tpu.sem_alloc : memref<!tpu.dma_semaphore, #tpu.memory_space<semaphore_mem>>
      %dma_start3A_78 = arith.constant 0 : i32
      %dma_start3A_79 = arith.constant 0 : i32
      %dma_start3A_80 = tpu.memref_slice %arg13[%dma_start3A_78, %dma_start3A_79] : memref<10112x128xf32, #tpu.memory_space<vmem_shared>> -> memref<10112x128xf32, #tpu.memory_space<vmem_shared>>
      tpu.enqueue_indirect_dma source(%arg10 : memref<80x128xf32, #tpu.memory_space<vmem>>) target(%dma_start3A_80 : memref<10112x128xf32, #tpu.memory_space<vmem_shared>>) offsets(%arg7 : memref<80xi32, #tpu.memory_space<vmem>>) semaphore(%run_scoped3A : memref<!tpu.dma_semaphore, #tpu.memory_space<semaphore_mem>>) {add = true}
      %dma_wait3A_81 = arith.constant 0 : i32
      %dma_wait3A_82 = arith.constant 0 : i32
      %dma_wait3A_83 = tpu.memref_slice %arg13[%dma_wait3A_81, %dma_wait3A_82] : memref<10112x128xf32, #tpu.memory_space<vmem_shared>> -> memref<10112x128xf32, #tpu.memory_space<vmem_shared>>
      tpu.wait_indirect_dma semaphore(%run_scoped3A : memref<!tpu.dma_semaphore, #tpu.memory_space<semaphore_mem>>) src(%arg10 : memref<80x128xf32, #tpu.memory_space<vmem>>) dst(%dma_wait3A_83 : memref<10112x128xf32, #tpu.memory_space<vmem_shared>>)
      tpu.yield
    }) : () -> ()
    %add3A_50 = arith.constant 9920 : i32
    %add3A_51 = arith.addi %mul3A_2, %add3A_50 : i32
    %dma_start3A_52 = tpu.memref_slice %arg4[%add3A_51] : memref<320000xi32, #tpu.memory_space<hbm>> -> memref<80xi32, #tpu.memory_space<hbm>>
    %dma_start3A_53 = tpu.memref_slice %arg4[%add3A_51] : memref<320000xi32, #tpu.memory_space<hbm>> -> memref<80xi32, #tpu.memory_space<hbm>>
    tpu.enqueue_dma source(%dma_start3A_53 : memref<80xi32, #tpu.memory_space<hbm>>) target(%arg7 : memref<80xi32, #tpu.memory_space<vmem>>) target_semaphore(%arg20 : memref<!tpu.dma_semaphore, #tpu.memory_space<semaphore_mem>>)
    %dma_start3A_54 = arith.constant 9920 : i32
    %dma_start3A_55 = tpu.memref_slice %arg6[%dma_start3A_54] : memref<10000xi32, #tpu.memory_space<vmem>> -> memref<80xi32, #tpu.memory_space<vmem>>
    %dma_start3A_56 = arith.constant 0 : i32
    %dma_start3A_57 = arith.constant 0 : i32
    %dma_start3A_58 = tpu.memref_slice %arg2[%dma_start3A_56, %dma_start3A_57] : memref<10112x128xf32, #tpu.memory_space<hbm>> -> memref<10112x128xf32, #tpu.memory_space<hbm>>
    tpu.enqueue_indirect_dma source(%dma_start3A_58 : memref<10112x128xf32, #tpu.memory_space<hbm>>) target(%arg10 : memref<80x128xf32, #tpu.memory_space<vmem>>) offsets(%dma_start3A_55 : memref<80xi32, #tpu.memory_space<vmem>>) semaphore(%arg14 : memref<!tpu.dma_semaphore, #tpu.memory_space<semaphore_mem>>)
    %add3A_59 = arith.constant 9840 : i32
    %add3A_60 = arith.addi %mul3A_2, %add3A_59 : i32
    %dma_wait3A_61 = tpu.memref_slice %arg4[%add3A_60] : memref<320000xi32, #tpu.memory_space<hbm>> -> memref<80xi32, #tpu.memory_space<hbm>>
    %dma_wait3A_62 = tpu.memref_slice %arg4[%add3A_60] : memref<320000xi32, #tpu.memory_space<hbm>> -> memref<80xi32, #tpu.memory_space<hbm>>
    tpu.wait_dma2 semaphore(%arg21 : memref<!tpu.dma_semaphore, #tpu.memory_space<semaphore_mem>>) src(%dma_wait3A_62 : memref<80xi32, #tpu.memory_space<hbm>>) dst(%arg8 : memref<80xi32, #tpu.memory_space<vmem>>)
    %dma_wait3A_63 = arith.constant 9840 : i32
    %dma_wait3A_64 = tpu.memref_slice %arg6[%dma_wait3A_63] : memref<10000xi32, #tpu.memory_space<vmem>> -> memref<80xi32, #tpu.memory_space<vmem>>
    %dma_wait3A_65 = arith.constant 0 : i32
    %dma_wait3A_66 = arith.constant 0 : i32
    %dma_wait3A_67 = tpu.memref_slice %arg2[%dma_wait3A_65, %dma_wait3A_66] : memref<10112x128xf32, #tpu.memory_space<hbm>> -> memref<10112x128xf32, #tpu.memory_space<hbm>>
    tpu.wait_indirect_dma semaphore(%arg15 : memref<!tpu.dma_semaphore, #tpu.memory_space<semaphore_mem>>) src(%dma_wait3A_67 : memref<10112x128xf32, #tpu.memory_space<hbm>>) dst(%arg11 : memref<80x128xf32, #tpu.memory_space<vmem>>)
    "tpu.region"() ({
      %run_scoped3A = tpu.sem_alloc : memref<!tpu.dma_semaphore, #tpu.memory_space<semaphore_mem>>
      %dma_start3A_78 = arith.constant 0 : i32
      %dma_start3A_79 = arith.constant 0 : i32
      %dma_start3A_80 = tpu.memref_slice %arg13[%dma_start3A_78, %dma_start3A_79] : memref<10112x128xf32, #tpu.memory_space<vmem_shared>> -> memref<10112x128xf32, #tpu.memory_space<vmem_shared>>
      tpu.enqueue_indirect_dma source(%arg11 : memref<80x128xf32, #tpu.memory_space<vmem>>) target(%dma_start3A_80 : memref<10112x128xf32, #tpu.memory_space<vmem_shared>>) offsets(%arg8 : memref<80xi32, #tpu.memory_space<vmem>>) semaphore(%run_scoped3A : memref<!tpu.dma_semaphore, #tpu.memory_space<semaphore_mem>>) {add = true}
      %dma_wait3A_81 = arith.constant 0 : i32
      %dma_wait3A_82 = arith.constant 0 : i32
      %dma_wait3A_83 = tpu.memref_slice %arg13[%dma_wait3A_81, %dma_wait3A_82] : memref<10112x128xf32, #tpu.memory_space<vmem_shared>> -> memref<10112x128xf32, #tpu.memory_space<vmem_shared>>
      tpu.wait_indirect_dma semaphore(%run_scoped3A : memref<!tpu.dma_semaphore, #tpu.memory_space<semaphore_mem>>) src(%arg11 : memref<80x128xf32, #tpu.memory_space<vmem>>) dst(%dma_wait3A_83 : memref<10112x128xf32, #tpu.memory_space<vmem_shared>>)
      tpu.yield
    }) : () -> ()
    %add3A_68 = arith.constant 9920 : i32
    %add3A_69 = arith.addi %mul3A_2, %add3A_68 : i32
    %dma_wait3A_70 = tpu.memref_slice %arg4[%add3A_69] : memref<320000xi32, #tpu.memory_space<hbm>> -> memref<80xi32, #tpu.memory_space<hbm>>
    %dma_wait3A_71 = tpu.memref_slice %arg4[%add3A_69] : memref<320000xi32, #tpu.memory_space<hbm>> -> memref<80xi32, #tpu.memory_space<hbm>>
    tpu.wait_dma2 semaphore(%arg20 : memref<!tpu.dma_semaphore, #tpu.memory_space<semaphore_mem>>) src(%dma_wait3A_71 : memref<80xi32, #tpu.memory_space<hbm>>) dst(%arg7 : memref<80xi32, #tpu.memory_space<vmem>>)
    %dma_wait3A_72 = arith.constant 9920 : i32
    %dma_wait3A_73 = tpu.memref_slice %arg6[%dma_wait3A_72] : memref<10000xi32, #tpu.memory_space<vmem>> -> memref<80xi32, #tpu.memory_space<vmem>>
    %dma_wait3A_74 = arith.constant 0 : i32
    %dma_wait3A_75 = arith.constant 0 : i32
    %dma_wait3A_76 = tpu.memref_slice %arg2[%dma_wait3A_74, %dma_wait3A_75] : memref<10112x128xf32, #tpu.memory_space<hbm>> -> memref<10112x128xf32, #tpu.memory_space<hbm>>
    tpu.wait_indirect_dma semaphore(%arg14 : memref<!tpu.dma_semaphore, #tpu.memory_space<semaphore_mem>>) src(%dma_wait3A_76 : memref<10112x128xf32, #tpu.memory_space<hbm>>) dst(%arg10 : memref<80x128xf32, #tpu.memory_space<vmem>>)
    "tpu.region"() ({
      %run_scoped3A = tpu.sem_alloc : memref<!tpu.dma_semaphore, #tpu.memory_space<semaphore_mem>>
      %dma_start3A_78 = arith.constant 0 : i32
      %dma_start3A_79 = arith.constant 0 : i32
      %dma_start3A_80 = tpu.memref_slice %arg13[%dma_start3A_78, %dma_start3A_79] : memref<10112x128xf32, #tpu.memory_space<vmem_shared>> -> memref<10112x128xf32, #tpu.memory_space<vmem_shared>>
      tpu.enqueue_indirect_dma source(%arg10 : memref<80x128xf32, #tpu.memory_space<vmem>>) target(%dma_start3A_80 : memref<10112x128xf32, #tpu.memory_space<vmem_shared>>) offsets(%arg7 : memref<80xi32, #tpu.memory_space<vmem>>) semaphore(%run_scoped3A : memref<!tpu.dma_semaphore, #tpu.memory_space<semaphore_mem>>) {add = true}
      %dma_wait3A_81 = arith.constant 0 : i32
      %dma_wait3A_82 = arith.constant 0 : i32
      %dma_wait3A_83 = tpu.memref_slice %arg13[%dma_wait3A_81, %dma_wait3A_82] : memref<10112x128xf32, #tpu.memory_space<vmem_shared>> -> memref<10112x128xf32, #tpu.memory_space<vmem_shared>>
      tpu.wait_indirect_dma semaphore(%run_scoped3A : memref<!tpu.dma_semaphore, #tpu.memory_space<semaphore_mem>>) src(%arg10 : memref<80x128xf32, #tpu.memory_space<vmem>>) dst(%dma_wait3A_83 : memref<10112x128xf32, #tpu.memory_space<vmem_shared>>)
      tpu.yield
    }) : () -> ()
    %barrier3A_77 = arith.constant 0 : index
    tpu.barrier barrier_id(%barrier3A_77)
    "tpu.region"() ({
      %run_scoped3A = tpu.sem_alloc : memref<!tpu.dma_semaphore, #tpu.memory_space<semaphore_mem>>
      %dma_start3A_78 = arith.constant 0 : i32
      %dma_start3A_79 = tpu.memref_slice %arg5[%arg0, %mul3A_4, %dma_start3A_78] : memref<2x10112x128xf32, #tpu.memory_space<hbm>> -> memref<1x632x128xf32, #tpu.memory_space<hbm>>
      %dma_start3A_80 = tpu.memref_squeeze %dma_start3A_79 : memref<1x632x128xf32, #tpu.memory_space<hbm>> -> memref<632x128xf32, #tpu.memory_space<hbm>>
      %dma_start3A_81 = arith.constant 0 : i32
      %dma_start3A_82 = tpu.memref_slice %arg13[%mul3A_4, %dma_start3A_81] : memref<10112x128xf32, #tpu.memory_space<vmem_shared>> -> memref<632x128xf32, #tpu.memory_space<vmem_shared>>
      tpu.enqueue_dma source(%dma_start3A_82 : memref<632x128xf32, #tpu.memory_space<vmem_shared>>) target(%dma_start3A_80 : memref<632x128xf32, #tpu.memory_space<hbm>>) target_semaphore(%run_scoped3A : memref<!tpu.dma_semaphore, #tpu.memory_space<semaphore_mem>>)
      %dma_wait3A_83 = arith.constant 0 : i32
      %dma_wait3A_84 = tpu.memref_slice %arg5[%arg0, %mul3A_4, %dma_wait3A_83] : memref<2x10112x128xf32, #tpu.memory_space<hbm>> -> memref<1x632x128xf32, #tpu.memory_space<hbm>>
      %dma_wait3A_85 = tpu.memref_squeeze %dma_wait3A_84 : memref<1x632x128xf32, #tpu.memory_space<hbm>> -> memref<632x128xf32, #tpu.memory_space<hbm>>
      %dma_wait3A_86 = arith.constant 0 : i32
      %dma_wait3A_87 = tpu.memref_slice %arg13[%mul3A_4, %dma_wait3A_86] : memref<10112x128xf32, #tpu.memory_space<vmem_shared>> -> memref<632x128xf32, #tpu.memory_space<vmem_shared>>
      tpu.wait_dma2 semaphore(%run_scoped3A : memref<!tpu.dma_semaphore, #tpu.memory_space<semaphore_mem>>) src(%dma_wait3A_87 : memref<632x128xf32, #tpu.memory_space<vmem_shared>>) dst(%dma_wait3A_85 : memref<632x128xf32, #tpu.memory_space<hbm>>)
      tpu.yield
    }) : () -> ()
    return
  }
}

module attributes {stable_mosaic.version = 14 : i64} {
  func.func @body(%arg0: i32, %arg1: memref<400x128xf32, #tpu.memory_space<vmem>>, %arg2: memref<2x2x400x1xf32, #tpu.memory_space<vmem>>, %arg3: memref<128x128xf32, #tpu.memory_space<vmem>>, %arg4: memref<400x128xf32, #tpu.memory_space<vmem>>) attributes {dimension_semantics = [#tpu.dimension_semantics<arbitrary>], iteration_bounds = array<i64: 25>, scalar_prefetch = 0 : i64, scratch_operands = 0 : i64, tpu.core_type = #tpu.core_type<tc>, window_params = [{transform_indices = @transform_0, window_bounds = array<i64: 400, 128>}, {transform_indices = @transform_1, window_bounds = array<i64: 2, 2, 400, 1>}, {pipeline_mode = #tpu.pipeline_mode<synchronous>, transform_indices = @transform_2, window_bounds = array<i64: 128, 128>}, {transform_indices = @transform_3, window_bounds = array<i64: 400, 128>}]} {
    %get3A = arith.constant 0 : index
    %get3A_0 = arith.constant 0 : index
    %get3A_1 = vector.load %arg1[%get3A, %get3A_0] : memref<400x128xf32, #tpu.memory_space<vmem>>, vector<400x128xf32>
    %get3A_2 = arith.constant 0 : index
    %get3A_3 = arith.constant 0 : index
    %get3A_4 = arith.constant 0 : index
    %get3A_5 = arith.constant 0 : index
    %get3A_6 = vector.load %arg2[%get3A_2, %get3A_3, %get3A_4, %get3A_5] : memref<2x2x400x1xf32, #tpu.memory_space<vmem>>, vector<1x1x400x1xf32>
    %get3A_7 = vector.shape_cast %get3A_6 : vector<1x1x400x1xf32> to vector<400x1xf32>
    %get3A_8 = arith.constant 1 : index
    %get3A_9 = arith.constant 0 : index
    %get3A_10 = arith.constant 0 : index
    %get3A_11 = arith.constant 0 : index
    %get3A_12 = vector.load %arg2[%get3A_8, %get3A_9, %get3A_10, %get3A_11] : memref<2x2x400x1xf32, #tpu.memory_space<vmem>>, vector<1x1x400x1xf32>
    %get3A_13 = vector.shape_cast %get3A_12 : vector<1x1x400x1xf32> to vector<400x1xf32>
    %add3A = arith.addf %get3A_7, %get3A_13 : vector<400x1xf32>
    %max3A = arith.constant 1.000000e+00 : f32
    %max3A_14 = vector.broadcast %max3A : f32 to vector<400x1xf32>
    %max3A_15 = arith.maximumf %add3A, %max3A_14 : vector<400x1xf32>
    %sqrt3A = math.sqrt %max3A_15 : vector<400x1xf32>
    %div3A = arith.constant 1.000000e+00 : f32
    %div3A_16 = vector.broadcast %div3A : f32 to vector<400x1xf32>
    %div3A_17 = arith.divf %div3A_16, %sqrt3A : vector<400x1xf32>
    %mul3A = vector.broadcast %div3A_17 : vector<400x1xf32> to vector<400x128xf32>
    %mul3A_18 = arith.mulf %get3A_1, %mul3A : vector<400x128xf32>
    %get3A_19 = arith.constant 0 : index
    %get3A_20 = arith.constant 0 : index
    %get3A_21 = vector.load %arg3[%get3A_19, %get3A_20] : memref<128x128xf32, #tpu.memory_space<vmem>>, vector<128x128xf32>
    %dot_general3A = arith.constant dense<0.000000e+00> : vector<400x128xf32>
    %dot_general3A_22 = tpu.matmul %mul3A_18, %get3A_21, %dot_general3A {dimension_numbers = #tpu.dot_dimension_numbers<[1], [0], [0], [1], [0, 0, 1, 1], [], []>, transpose_lhs_hint = false} : vector<400x128xf32>, vector<128x128xf32>, vector<400x128xf32> -> vector<400x128xf32>
    %swap3A = arith.constant 0 : index
    %swap3A_23 = arith.constant 0 : index
    %swap3A_24 = vector.load %arg4[%swap3A, %swap3A_23] : memref<400x128xf32, #tpu.memory_space<vmem>>, vector<400x128xf32>
    tpu.vector_store %arg4[%swap3A, %swap3A_23], %dot_general3A_22 {strides = array<i32>} : memref<400x128xf32, #tpu.memory_space<vmem>>, vector<400x128xf32>,
    return
  }
  func.func @transform_0(%arg0: i32) -> (i32, i32) {
    %c0_i32 = arith.constant 0 : i32
    %c0_i32_0 = arith.constant 0 : i32
    return %arg0, %c0_i32 : i32, i32
  }
  func.func @transform_1(%arg0: i32) -> (i32, i32, i32, i32) {
    %c0_i32 = arith.constant 0 : i32
    %c0_i32_0 = arith.constant 0 : i32
    %c0_i32_1 = arith.constant 0 : i32
    %c0_i32_2 = arith.constant 0 : i32
    return %c0_i32, %c0_i32_0, %arg0, %c0_i32_1 : i32, i32, i32, i32
  }
  func.func @transform_2(%arg0: i32) -> (i32, i32) {
    %c0_i32 = arith.constant 0 : i32
    %c0_i32_0 = arith.constant 0 : i32
    %c0_i32_1 = arith.constant 0 : i32
    return %c0_i32, %c0_i32_0 : i32, i32
  }
  func.func @transform_3(%arg0: i32) -> (i32, i32) {
    %c0_i32 = arith.constant 0 : i32
    %c0_i32_0 = arith.constant 0 : i32
    return %arg0, %c0_i32 : i32, i32
  }
}

module attributes {stable_mosaic.version = 14 : i64} {
  func.func @body(%arg0: i32, %arg1: memref<2x400x128xf32, #tpu.memory_space<vmem>>, %arg2: memref<2x2x400x1xf32, #tpu.memory_space<vmem>>, %arg3: memref<1x128xf32, #tpu.memory_space<vmem>>, %arg4: memref<128x128xf32, #tpu.memory_space<vmem>>, %arg5: memref<400x128xf32, #tpu.memory_space<vmem>>) attributes {dimension_semantics = [#tpu.dimension_semantics<arbitrary>], iteration_bounds = array<i64: 25>, scalar_prefetch = 0 : i64, scratch_operands = 0 : i64, tpu.core_type = #tpu.core_type<tc>, window_params = [{transform_indices = @transform_0, window_bounds = array<i64: 2, 400, 128>}, {transform_indices = @transform_1, window_bounds = array<i64: 2, 2, 400, 1>}, {pipeline_mode = #tpu.pipeline_mode<synchronous>, transform_indices = @transform_2, window_bounds = array<i64: 1, 128>}, {pipeline_mode = #tpu.pipeline_mode<synchronous>, transform_indices = @transform_3, window_bounds = array<i64: 128, 128>}, {transform_indices = @transform_4, window_bounds = array<i64: 400, 128>}]} {
    %get3A = arith.constant 0 : index
    %get3A_0 = arith.constant 1 : index
    %get3A_1 = arith.constant 0 : index
    %get3A_2 = arith.constant 0 : index
    %get3A_3 = vector.load %arg2[%get3A, %get3A_0, %get3A_1, %get3A_2] : memref<2x2x400x1xf32, #tpu.memory_space<vmem>>, vector<1x1x400x1xf32>
    %get3A_4 = vector.shape_cast %get3A_3 : vector<1x1x400x1xf32> to vector<400x1xf32>
    %get3A_5 = arith.constant 1 : index
    %get3A_6 = arith.constant 1 : index
    %get3A_7 = arith.constant 0 : index
    %get3A_8 = arith.constant 0 : index
    %get3A_9 = vector.load %arg2[%get3A_5, %get3A_6, %get3A_7, %get3A_8] : memref<2x2x400x1xf32, #tpu.memory_space<vmem>>, vector<1x1x400x1xf32>
    %get3A_10 = vector.shape_cast %get3A_9 : vector<1x1x400x1xf32> to vector<400x1xf32>
    %add3A = arith.addf %get3A_4, %get3A_10 : vector<400x1xf32>
    %max3A = arith.constant 1.000000e+00 : f32
    %max3A_11 = vector.broadcast %max3A : f32 to vector<400x1xf32>
    %max3A_12 = arith.maximumf %add3A, %max3A_11 : vector<400x1xf32>
    %sqrt3A = math.sqrt %max3A_12 : vector<400x1xf32>
    %div3A = arith.constant 1.000000e+00 : f32
    %div3A_13 = vector.broadcast %div3A : f32 to vector<400x1xf32>
    %div3A_14 = arith.divf %div3A_13, %sqrt3A : vector<400x1xf32>
    %get3A_15 = arith.constant 0 : index
    %get3A_16 = arith.constant 0 : index
    %get3A_17 = arith.constant 0 : index
    %get3A_18 = vector.load %arg1[%get3A_15, %get3A_16, %get3A_17] : memref<2x400x128xf32, #tpu.memory_space<vmem>>, vector<1x400x128xf32>
    %get3A_19 = vector.shape_cast %get3A_18 : vector<1x400x128xf32> to vector<400x128xf32>
    %get3A_20 = arith.constant 1 : index
    %get3A_21 = arith.constant 0 : index
    %get3A_22 = arith.constant 0 : index
    %get3A_23 = vector.load %arg1[%get3A_20, %get3A_21, %get3A_22] : memref<2x400x128xf32, #tpu.memory_space<vmem>>, vector<1x400x128xf32>
    %get3A_24 = vector.shape_cast %get3A_23 : vector<1x400x128xf32> to vector<400x128xf32>
    %add3A_25 = arith.addf %get3A_19, %get3A_24 : vector<400x128xf32>
    %mul3A = vector.broadcast %div3A_14 : vector<400x1xf32> to vector<400x128xf32>
    %mul3A_26 = arith.mulf %add3A_25, %mul3A : vector<400x128xf32>
    %get3A_27 = arith.constant 0 : index
    %get3A_28 = arith.constant 0 : index
    %get3A_29 = vector.load %arg3[%get3A_27, %get3A_28] : memref<1x128xf32, #tpu.memory_space<vmem>>, vector<1x128xf32>
    %add3A_30 = vector.broadcast %get3A_29 : vector<1x128xf32> to vector<400x128xf32>
    %add3A_31 = arith.addf %mul3A_26, %add3A_30 : vector<400x128xf32>
    %max3A_32 = arith.constant 0.000000e+00 : f32
    %max3A_33 = vector.broadcast %max3A_32 : f32 to vector<400x128xf32>
    %max3A_34 = arith.maximumf %add3A_31, %max3A_33 : vector<400x128xf32>
    %get3A_35 = arith.constant 0 : index
    %get3A_36 = arith.constant 0 : index
    %get3A_37 = arith.constant 0 : index
    %get3A_38 = arith.constant 0 : index
    %get3A_39 = vector.load %arg2[%get3A_35, %get3A_36, %get3A_37, %get3A_38] : memref<2x2x400x1xf32, #tpu.memory_space<vmem>>, vector<1x1x400x1xf32>
    %get3A_40 = vector.shape_cast %get3A_39 : vector<1x1x400x1xf32> to vector<400x1xf32>
    %get3A_41 = arith.constant 1 : index
    %get3A_42 = arith.constant 0 : index
    %get3A_43 = arith.constant 0 : index
    %get3A_44 = arith.constant 0 : index
    %get3A_45 = vector.load %arg2[%get3A_41, %get3A_42, %get3A_43, %get3A_44] : memref<2x2x400x1xf32, #tpu.memory_space<vmem>>, vector<1x1x400x1xf32>
    %get3A_46 = vector.shape_cast %get3A_45 : vector<1x1x400x1xf32> to vector<400x1xf32>
    %add3A_47 = arith.addf %get3A_40, %get3A_46 : vector<400x1xf32>
    %max3A_48 = arith.constant 1.000000e+00 : f32
    %max3A_49 = vector.broadcast %max3A_48 : f32 to vector<400x1xf32>
    %max3A_50 = arith.maximumf %add3A_47, %max3A_49 : vector<400x1xf32>
    %sqrt3A_51 = math.sqrt %max3A_50 : vector<400x1xf32>
    %div3A_52 = arith.constant 1.000000e+00 : f32
    %div3A_53 = vector.broadcast %div3A_52 : f32 to vector<400x1xf32>
    %div3A_54 = arith.divf %div3A_53, %sqrt3A_51 : vector<400x1xf32>
    %mul3A_55 = vector.broadcast %div3A_54 : vector<400x1xf32> to vector<400x128xf32>
    %mul3A_56 = arith.mulf %max3A_34, %mul3A_55 : vector<400x128xf32>
    %get3A_57 = arith.constant 0 : index
    %get3A_58 = arith.constant 0 : index
    %get3A_59 = vector.load %arg4[%get3A_57, %get3A_58] : memref<128x128xf32, #tpu.memory_space<vmem>>, vector<128x128xf32>
    %dot_general3A = arith.constant dense<0.000000e+00> : vector<400x128xf32>
    %dot_general3A_60 = tpu.matmul %mul3A_56, %get3A_59, %dot_general3A {dimension_numbers = #tpu.dot_dimension_numbers<[1], [0], [0], [1], [0, 0, 1, 1], [], []>, transpose_lhs_hint = false} : vector<400x128xf32>, vector<128x128xf32>, vector<400x128xf32> -> vector<400x128xf32>
    %swap3A = arith.constant 0 : index
    %swap3A_61 = arith.constant 0 : index
    %swap3A_62 = vector.load %arg5[%swap3A, %swap3A_61] : memref<400x128xf32, #tpu.memory_space<vmem>>, vector<400x128xf32>
    tpu.vector_store %arg5[%swap3A, %swap3A_61], %dot_general3A_60 {strides = array<i32>} : memref<400x128xf32, #tpu.memory_space<vmem>>, vector<400x128xf32>,
    return
  }
  func.func @transform_0(%arg0: i32) -> (i32, i32, i32) {
    %c0_i32 = arith.constant 0 : i32
    %c0_i32_0 = arith.constant 0 : i32
    %c0_i32_1 = arith.constant 0 : i32
    return %c0_i32, %arg0, %c0_i32_0 : i32, i32, i32
  }
  func.func @transform_1(%arg0: i32) -> (i32, i32, i32, i32) {
    %c0_i32 = arith.constant 0 : i32
    %c0_i32_0 = arith.constant 0 : i32
    %c0_i32_1 = arith.constant 0 : i32
    %c0_i32_2 = arith.constant 0 : i32
    return %c0_i32, %c0_i32_0, %arg0, %c0_i32_1 : i32, i32, i32, i32
  }
  func.func @transform_2(%arg0: i32) -> (i32, i32) {
    %c0_i32 = arith.constant 0 : i32
    %c0_i32_0 = arith.constant 0 : i32
    %c0_i32_1 = arith.constant 0 : i32
    return %c0_i32, %c0_i32_0 : i32, i32
  }
  func.func @transform_3(%arg0: i32) -> (i32, i32) {
    %c0_i32 = arith.constant 0 : i32
    %c0_i32_0 = arith.constant 0 : i32
    %c0_i32_1 = arith.constant 0 : i32
    return %c0_i32, %c0_i32_0 : i32, i32
  }
  func.func @transform_4(%arg0: i32) -> (i32, i32) {
    %c0_i32 = arith.constant 0 : i32
    %c0_i32_0 = arith.constant 0 : i32
    return %arg0, %c0_i32 : i32, i32
  }
}

module attributes {stable_mosaic.version = 14 : i64} {
  func.func @body(%arg0: i32, %arg1: memref<2x400x128xf32, #tpu.memory_space<vmem>>, %arg2: memref<2x2x400x1xf32, #tpu.memory_space<vmem>>, %arg3: memref<1x128xf32, #tpu.memory_space<vmem>>, %arg4: memref<400x40xf32, #tpu.memory_space<vmem>>) attributes {dimension_semantics = [#tpu.dimension_semantics<arbitrary>], iteration_bounds = array<i64: 25>, scalar_prefetch = 0 : i64, scratch_operands = 0 : i64, tpu.core_type = #tpu.core_type<tc>, window_params = [{transform_indices = @transform_0, window_bounds = array<i64: 2, 400, 128>}, {transform_indices = @transform_1, window_bounds = array<i64: 2, 2, 400, 1>}, {pipeline_mode = #tpu.pipeline_mode<synchronous>, transform_indices = @transform_2, window_bounds = array<i64: 1, 128>}, {transform_indices = @transform_3, window_bounds = array<i64: 400, 40>}]} {
    %get3A = arith.constant 0 : index
    %get3A_0 = arith.constant 1 : index
    %get3A_1 = arith.constant 0 : index
    %get3A_2 = arith.constant 0 : index
    %get3A_3 = vector.load %arg2[%get3A, %get3A_0, %get3A_1, %get3A_2] : memref<2x2x400x1xf32, #tpu.memory_space<vmem>>, vector<1x1x400x1xf32>
    %get3A_4 = vector.shape_cast %get3A_3 : vector<1x1x400x1xf32> to vector<400x1xf32>
    %get3A_5 = arith.constant 1 : index
    %get3A_6 = arith.constant 1 : index
    %get3A_7 = arith.constant 0 : index
    %get3A_8 = arith.constant 0 : index
    %get3A_9 = vector.load %arg2[%get3A_5, %get3A_6, %get3A_7, %get3A_8] : memref<2x2x400x1xf32, #tpu.memory_space<vmem>>, vector<1x1x400x1xf32>
    %get3A_10 = vector.shape_cast %get3A_9 : vector<1x1x400x1xf32> to vector<400x1xf32>
    %add3A = arith.addf %get3A_4, %get3A_10 : vector<400x1xf32>
    %max3A = arith.constant 1.000000e+00 : f32
    %max3A_11 = vector.broadcast %max3A : f32 to vector<400x1xf32>
    %max3A_12 = arith.maximumf %add3A, %max3A_11 : vector<400x1xf32>
    %sqrt3A = math.sqrt %max3A_12 : vector<400x1xf32>
    %div3A = arith.constant 1.000000e+00 : f32
    %div3A_13 = vector.broadcast %div3A : f32 to vector<400x1xf32>
    %div3A_14 = arith.divf %div3A_13, %sqrt3A : vector<400x1xf32>
    %get3A_15 = arith.constant 0 : index
    %get3A_16 = arith.constant 0 : index
    %get3A_17 = arith.constant 0 : index
    %get3A_18 = vector.load %arg1[%get3A_15, %get3A_16, %get3A_17] : memref<2x400x128xf32, #tpu.memory_space<vmem>>, vector<1x400x128xf32>
    %get3A_19 = vector.shape_cast %get3A_18 : vector<1x400x128xf32> to vector<400x128xf32>
    %get3A_20 = arith.constant 1 : index
    %get3A_21 = arith.constant 0 : index
    %get3A_22 = arith.constant 0 : index
    %get3A_23 = vector.load %arg1[%get3A_20, %get3A_21, %get3A_22] : memref<2x400x128xf32, #tpu.memory_space<vmem>>, vector<1x400x128xf32>
    %get3A_24 = vector.shape_cast %get3A_23 : vector<1x400x128xf32> to vector<400x128xf32>
    %add3A_25 = arith.addf %get3A_19, %get3A_24 : vector<400x128xf32>
    %mul3A = vector.broadcast %div3A_14 : vector<400x1xf32> to vector<400x128xf32>
    %mul3A_26 = arith.mulf %add3A_25, %mul3A : vector<400x128xf32>
    %get3A_27 = arith.constant 0 : index
    %get3A_28 = arith.constant 0 : index
    %get3A_29 = vector.load %arg3[%get3A_27, %get3A_28] : memref<1x128xf32, #tpu.memory_space<vmem>>, vector<1x128xf32>
    %add3A_30 = vector.broadcast %get3A_29 : vector<1x128xf32> to vector<400x128xf32>
    %add3A_31 = arith.addf %mul3A_26, %add3A_30 : vector<400x128xf32>
    %slice3A = vector.extract_strided_slice %add3A_31 {offsets = [0, 0], sizes = [400, 40], strides = [1, 1]} : vector<400x128xf32> to vector<400x40xf32>
    %swap3A = arith.constant 0 : index
    %swap3A_32 = arith.constant 0 : index
    %swap3A_33 = vector.load %arg4[%swap3A, %swap3A_32] : memref<400x40xf32, #tpu.memory_space<vmem>>, vector<400x40xf32>
    tpu.vector_store %arg4[%swap3A, %swap3A_32], %slice3A {strides = array<i32>} : memref<400x40xf32, #tpu.memory_space<vmem>>, vector<400x40xf32>,
    return
  }
  func.func @transform_0(%arg0: i32) -> (i32, i32, i32) {
    %c0_i32 = arith.constant 0 : i32
    %c0_i32_0 = arith.constant 0 : i32
    %c0_i32_1 = arith.constant 0 : i32
    return %c0_i32, %arg0, %c0_i32_0 : i32, i32, i32
  }
  func.func @transform_1(%arg0: i32) -> (i32, i32, i32, i32) {
    %c0_i32 = arith.constant 0 : i32
    %c0_i32_0 = arith.constant 0 : i32
    %c0_i32_1 = arith.constant 0 : i32
    %c0_i32_2 = arith.constant 0 : i32
    return %c0_i32, %c0_i32_0, %arg0, %c0_i32_1 : i32, i32, i32, i32
  }
  func.func @transform_2(%arg0: i32) -> (i32, i32) {
    %c0_i32 = arith.constant 0 : i32
    %c0_i32_0 = arith.constant 0 : i32
    %c0_i32_1 = arith.constant 0 : i32
    return %c0_i32, %c0_i32_0 : i32, i32
  }
  func.func @transform_3(%arg0: i32) -> (i32, i32) {
    %c0_i32 = arith.constant 0 : i32
    %c0_i32_0 = arith.constant 0 : i32
    return %arg0, %c0_i32 : i32, i32
  }
}

</mosaic_0001>

<sc_bundles>
// kernel: kernel.10.cloned.1.call-start
scs
__scs_entry_jumppad:
0x0: {  	(pc) =	sbr.rel $0x88, $3  }
0x1: {  	(tag) =	ssettag $0x0;
	lr =	simm.s32 $0x1  }
0x2: {  	[smem:$0x3F99] =	sst lr;
	_ =	strace $0xD0000000  }
0x3: {  	_ = 	snop  }
0x4: {  	_ = 	snop  }
0x5: {  	_ = 	snop  }
0x6: {  	_ = 	snop  }
0x7: {  	_ = 	snop  }
__scs_overlays_trampoline_lowered:
0x8: {  	[smem:$0x3FA8] =	sst s0  }
0x9: {  	[smem:$0x3FA9] =	sst s1  }
0xa: {  	[smem:$0x3FAA] =	sst s2  }
0xb: {  	[smem:$0x3FAB] =	sst s3  }
0xc: {  	[smem:$0x3FAC] =	sst s4  }
0xd: {  	[smem:$0x3FAD] =	sst s5  }
0xe: {  	[smem:$0x3FAE] =	sst s6  }
0xf: {  	[smem:$0x3FAF] =	sst s7  }
0x10: {  	[smem:$0x3FB0] =	sst s8  }
0x11: {  	[smem:$0x3FB1] =	sst s9;
	s0 =	simm.s32 @!p0 $0x0  }
0x12: {  	s1 =	sld [smem:$0x3F97];
	s0 =	simm.s32 @p0 $0x1  }
0x13: {  	[smem:$0x3FB2] =	sst s0;
	s0 =	simm.s32 @!p1 $0x0  }
0x14: {  	s2 =	sld [smem:$0x3F96];
	s0 =	simm.s32 @p1 $0x1  }
0x15: {  	[smem:$0x3FB3] =	sst s0;
	s0 =	simm.s32 @!p2 $0x0  }
0x16: {  	s3 =	sld [smem:$0x3FDB];
	s0 =	simm.s32 @p2 $0x1  }
0x17: {  	s4 =	simm.s32 $0x1BF5;
	[smem:$0x3FB5] =	sst s0  }
0x18: {  	s0 =	sld [smem:$0x3F98];
	_ =	swait.ge [sflag:s4], $0x0  }
0x19: {  	s7 =	sld [smem:$0x3F99]  }
0x1a: {  	s8 =	sadd.s32 $0xFFFFE003, lr  }
0x1b: {  	s9 =	sadd.s32 $0xFFFFFEF7, lr;
	s5 =	simm.s32 $0xFFFFFFFF;
	p2 =	slt.u32 s8, $0xFFFFF086  }
0x1c: {  	p1 =	slt.u32 s9, $0xF7A;
	s5 =	simm.s32 @!p2 $0x0  }
0x1d: {  	s5 =	simm.s32 @p1 $0x1;
	p0 =	seq.s32 s7, s2  }
0x1e: {  	s7 =	smul.u32 @!p0 $0xF7A, s2;
	p2 =	seq.s32 @!p0 s5, $0x0  }
0x1f: {  	s9 =	smul.u32 $0xF7A, s1;
	s8 =	simm.s32 @!p0 $0x1BF5;
	p2 =	por !p2, p0  }
0x20: {  	[sflag:s8] =	ssyncset.s32 @!p0 $0xFFFFF086;
	s6 =	sadd.s32 @!p0 s3, s7;
	s7 =	simm.s32 @!p0 $0x108  }
0x21: {  	s3 =	sadd.s32 s3, s9;
	s6 =	sadd.s32 @!p0 $0x88, s6;
	s7 =	simm.s32 @p2 $0x1082  }
0x22: {  	[simem:s7], [sflag:s8] =	dma.local @!p0 [hbm:s6], $0xF7A  }
0x23: {  	s9 =	sor.u32 $0xD0000000, s2;
	s6 =	simm.s32 $0x108;
	_ =	swait.ge @!p0 [sflag:s8], $0x0  }
0x24: {  	s3 =	sadd.s32 $0x88, s3;
	s6 =	simm.s32 @!p1 $0x1082;
	[sflag:s4] =	ssyncset.s32 $0xFFFFF086  }
0x25: {  	[simem:s6], [sflag:s4] =	dma.local [hbm:s3], $0xF7A  }
0x26: {  	[smem:$0x3F99] =	sst s1;
	(tag) =	ssettag s2;
	_ =	strace s9  }
0x27: {  	s1 =	sld [smem:$0x3FA9]  }
0x28: {  	s2 =	sld [smem:$0x3FAA]  }
0x29: {  	s4 =	sld [smem:$0x3FAC]  }
0x2a: {  	p0 =	seq.s32 s5, $0x0;
	s5 =	sld [smem:$0x3FAD]  }
0x2b: {  	s6 =	sld [smem:$0x3FAE]  }
0x2c: {  	s7 =	sld [smem:$0x3FAF]  }
0x2d: {  	s3 =	simm.s32 $0x108;
	s8 =	sld [smem:$0x3FB0]  }
0x2e: {  	s3 =	simm.s32 @!p0 $0x1082;
	s9 =	sld [smem:$0x3FB1]  }
0x2f: {  	lr =	sadd.s32 s0, s3;
	s0 =	sld [smem:$0x3FA8]  }
0x30: {  	s3 =	sld [smem:$0x3FAB]  }
0x31: {  	[smem:$0x3FB4] =	sst s10  }
0x32: {  	s10 =	sld [smem:$0x3FB2];
	_ =	sdelay $0x3  }
0x33: {  	p0 =	seq.s32 s10, $0x1;
	s10 =	sld [smem:$0x3FB4];
	_ =	sdelay $0x3  }
0x34: {  	[smem:$0x3FB4] =	sst s10  }
0x35: {  	s10 =	sld [smem:$0x3FB3];
	_ =	sdelay $0x3  }
0x36: {  	p1 =	seq.s32 s10, $0x1;
	s10 =	sld [smem:$0x3FB4];
	_ =	sdelay $0x3  }
0x37: {  	[smem:$0x3FB4] =	sst s10  }
0x38: {  	s10 =	sld [smem:$0x3FB5]  }
0x39: {  	_ = 	snop;
	(pc) =	sbr.ind lr, $3  }
0x3a: {  	_ = 	snop  }
0x3b: {  	_ = 	snop  }
0x3c: {  	p2 =	seq.s32 s10, $0x1;
	s10 =	sld [smem:$0x3FB4]  }
0x3d: {  	_ =	shalt  }
0x3e: {  	_ =	shalt  }
0x3f: {  	_ =	shalt  }
0x40: {  	_ =	shalt  }
0x41: {  	_ =	shalt  }
0x42: {  	_ =	shalt  }
0x43: {  	_ =	shalt  }
0x44: {  	_ =	shalt  }
0x45: {  	_ =	shalt  }
0x46: {  	_ =	shalt  }
0x47: {  	_ =	shalt  }
0x48: {  	_ =	shalt  }
0x49: {  	_ =	shalt  }
0x4a: {  	_ =	shalt  }
0x4b: {  	_ =	shalt  }
0x4c: {  	_ =	shalt  }
0x4d: {  	_ =	shalt  }
0x4e: {  	_ =	shalt  }
0x4f: {  	_ =	shalt  }
0x50: {  	_ =	shalt  }
0x51: {  	_ =	shalt  }
0x52: {  	_ =	shalt  }
0x53: {  	_ =	shalt  }
0x54: {  	_ =	shalt  }
0x55: {  	_ =	shalt  }
0x56: {  	_ =	shalt  }
0x57: {  	_ =	shalt  }
0x58: {  	_ =	shalt  }
0x59: {  	_ =	shalt  }
0x5a: {  	_ =	shalt  }
0x5b: {  	_ =	shalt  }
0x5c: {  	_ =	shalt  }
0x5d: {  	_ =	shalt  }
0x5e: {  	_ =	shalt  }
0x5f: {  	_ =	shalt  }
0x60: {  	_ =	shalt  }
0x61: {  	_ =	shalt  }
0x62: {  	_ =	shalt  }
0x63: {  	_ =	shalt  }
0x64: {  	_ =	shalt  }
0x65: {  	_ =	shalt  }
0x66: {  	_ =	shalt  }
0x67: {  	_ =	shalt  }
0x68: {  	_ =	shalt  }
0x69: {  	_ =	shalt  }
0x6a: {  	_ =	shalt  }
0x6b: {  	_ =	shalt  }
0x6c: {  	_ =	shalt  }
0x6d: {  	_ =	shalt  }
0x6e: {  	_ =	shalt  }
0x6f: {  	_ =	shalt  }
0x70: {  	_ =	shalt  }
0x71: {  	_ =	shalt  }
0x72: {  	_ =	shalt  }
0x73: {  	_ =	shalt  }
0x74: {  	_ =	shalt  }
0x75: {  	_ =	shalt  }
0x76: {  	_ =	shalt  }
0x77: {  	_ =	shalt  }
0x78: {  	_ =	shalt  }
0x79: {  	_ =	shalt  }
0x7a: {  	_ =	shalt  }
0x7b: {  	_ =	shalt  }
0x7c: {  	_ =	shalt  }
0x7d: {  	_ =	shalt  }
0x7e: {  	_ =	shalt  }
0x7f: {  	_ =	shalt  }
0x80: {  	_ =	shalt  }
0x81: {  	_ =	shalt  }
0x82: {  	_ =	shalt  }
0x83: {  	_ =	shalt  }
0x84: {  	_ =	shalt  }
0x85: {  	_ =	shalt  }
0x86: {  	_ =	shalt  }
0x87: {  	_ =	shalt  }
.Lfunc_end0:
.L_simem_size_0:
called_computation_lowered:
.L_overlay_start_0:
0x88: {  	s2 =	sld [smem:$0x3FD9]  }
0x89: {  	s3 =	sld [smem:$0x3FFE];
	_ =	sdelay $0x1  }
0x8a: {  	s1 =	srdreg.scid  }
0x8b: {  	s0 =	sand.u32 $0x1, s1  }
0x8c: {  	s17 =	sshll.u32 s0, $0xA;
	s2 =	sadd.s32 s3, s2  }
0x8d: {  	s2 =	sadd.s32 s2, s17  }
0x8e: {  	[smem:$0x3FC0] =	sst s2  }
0x8f: {  	_ = 	snop  }
0x90: {  	s2 =	sld [smem:$0x3FD0];
	(tm) =	ssettm $0x1  }
0x91: {  	s18 =	sld [smem:$0x3FFB];
	_ =	sdelay $0x3  }
0x92: {  	_ =	strace s18  }
0x93: {  	s3 =	sld [smem:$0x3FFC];
	_ =	sdelay $0x3  }
0x94: {  	_ =	strace s3  }
0x95: {  	s3 =	sld [smem:$0x3FFD];
	_ =	sdelay $0x3  }
0x96: {  	_ =	strace s3  }
0x97: {  	_ =	strace $0x8FFFFFFF  }
0x98: {  	s19 =	sld [smem:$0x3FDB];
	_ =	sdelay $0x1  }
0x99: {  	s4 =	simm.s32 $_scs_section_size  }
0x9a: {  	s5 =	simm.s32 $_size__tile_overlayer_lowered;
	s6 =	simm.s32 $_tile_overlayer_lowered  }
0x9b: {  	s22 =	simm.s32 $0x1BFF;
	s21 =	sshll.u32 s6, $0x1;
	s3 =	sadd.s32 s4, s19  }
0x9c: {  	s7 =	simm.s32 $0x0;
	s20 =	sshll.u32 s5, $0x1;
	s5 =	sadd.s32 s21, s3  }
0x9d: {  	[timem:s7], [sflag:s22] =	dma.local [hbm:s5], s20  }
0x9e: {  	_ =	swait.ge [sflag:s22], s20  }
0x9f: {  	s4 =	ssub.s32 $0x0, s20;
	[sflag:s22] =	ssyncset.done $0x0  }
0xa0: {  	[sflag:s22] =	ssyncadd.s32 s4;
	_ =	sdelay $0x1  }
0xa1: {  	s23 =	simm.s32 $0x1B8B  }
0xa2: {  	_ =	swait.ge [sflag:s23], $0x1  }
0xa3: {  	[sflag:s23] =	ssyncset.done $0x0  }
0xa4: {  	s25 =	simm.s32 $0x1B8E;
	s24 =	sld [smem:$0x3FFE];
	[sflag:s23] =	ssyncadd.s32 $0xFFFFFFFF  }
0xa5: {  	s26 =	simm.s32 $execute0_lowered;
	[smem:$0x3FD2] =	sst s25  }
0xa6: {  	s5 =	sshll.u32 s26, $0x1;
	_ =	strace $0x80000046;
	[dreg:$0x1] =	wrdreg $0xFFFFFFFF  }
0xa7: {  	s28 =	simm.s32 $_size_execute0_lowered;
	s3 =	sadd.s32 s3, s5;
	[dreg:$0x0] =	wrdreg $0x0  }
0xa8: {  	s5 =	sshll.u32 s28, $0x1;
	[dreg:$0x2] =	wrdreg s3  }
0xa9: {  	[dreg:$0x3] =	wrdreg s5  }
0xaa: {  	[dreg:$0x4] =	wrdreg $0xC0  }
0xab: {  	_ =	task [dreg:s7], $0x5FFFF  }
0xac: {  	[dreg:$0x1] =	wrdreg $0xFFFFFFFF  }
0xad: {  	[dreg:$0x0] =	wrdreg $0x60  }
0xae: {  	[dreg:$0x2] =	wrdreg s2  }
0xaf: {  	[dreg:$0x3] =	wrdreg s24  }
0xb0: {  	[dreg:$0x4] =	wrdreg $0x53000  }
0xb1: {  	[dreg:$0x5] =	wrdreg $0x55780  }
0xb2: {  	[dreg:$0x6] =	wrdreg $0x9  }
0xb3: {  	_ =	task.clear_ibuf [dreg:s7], $0x7FFFF;
	_ =	strace $0x90000046  }
0xb4: {  	s29 =	simm.s32 $0x9;
	_ =	strace $0x80000048  }
0xb5: {  	_ =	swait.ge [sflag:s29], $0x1  }
0xb6: {  	[sflag:s29] =	ssyncadd.s32 $0xFFFFFFFF  }
0xb7: {  	_ =	strace $0x90000048  }
0xb8: {  	_ =	sfence  }
0xb9: {  	s30 =	sld [smem:$0x0];
	_ =	sdelay $0x2  }
0xba: {  	s31 =	sshll.u32 s1, $0xD;
	s1 =	sshrl.u32 s1, $0x2  }
0xbb: {  	s3 =	sand.u32 $0x4000, s31;
	s1 =	sadd.s32 s1, s30  }
0xbc: {  	s0 =	sor.u32 s3, s0;
	s1 =	sshll.u32 s1, $0x11  }
0xbd: {  	s0 =	sor.u32 s1, s0  }
0xbe: {  	s0 =	sadd.s32 $0x8F2B, s0  }
0xbf: {  	[sflag:s0] =	ssyncadd.remote.s32 $0x1  }
0xc0: {  	_ =	sfence.sel $0xFFFF  }
0xc1: {  	[dreg:$0x0] =	wrdreg $0xFFFFFFFF;
	(pc) =	sbr.abs _section_cstart, $3  }
0xc2: {  	[dreg:$0x1] =	wrdreg $0xFFFFFFFF  }
0xc3: {  	_ =	task.clear_ibuf [dreg:s7], $0x2FFFF;
	_ =	strace $0x9FFFFFFF  }
0xc4: {  	(tm) =	ssettm $0x7FFFFFFF  }
0xc5: {  	_ =	shalt  }
tec
execute0_lowered:
.L_overlay_start_1:
0x0: {  	(tag) =	ssettag $0x1  }
0x1: {  	s5 =	rddreg [dreg:$0x0]  }
0x2: {  	s6 =	rddreg [dreg:$0x1]  }
0x3: {  	s2 =	rddreg [dreg:$0x2]  }
0x4: {  	s3 =	rddreg [dreg:$0x3];
	s4 =	srdreg.scid  }
0x5: {  	s1 =	stileid.u32;
	s0 =	rddreg [dreg:$0x4];
	s13 =	simm.s32 $0x1  }
0x6: {  	s14 =	simm.s32 $0x2;
	s15 =	simm.s32 $0x5080;
	s16 =	simm.s32 $0x3  }
0x7: {  	s17 =	simm.s32 $0x80;
	s18 =	simm.s32 $0x5000;
	s19 =	simm.s32 $0x0  }
0x8: {  	s7 =	sand.u32 $0x1, s4;
	s8 =	smul.u32 $0x278, s1;
	s9 =	sshll.u32 s1, $0x1  }
0x9: {  	s4 =	simm.s32 $0x0;
	s10 =	smul.u32 $0x4F00, s7;
	s9 =	sor.u32 s7, s9  }
0xa: {  	[smem:$0x7FF] =	sst s4;
	s7 =	ssub.s32 $0x2, s7;
	s9 =	smul.u32 $0x500, s9  }
0xb: {  	_ =	strace $0x80000047;
	s11 =	sshrl.u32 s7, $0x1;
	s10 =	sadd.s32 s8, s10  }
0xc: {  	s11 =	ssub.s32 s7, s11;
	s7 =	sadd.s32 s8, s2;
	s8 =	sadd.s32 s8, s3  }
0xd: {  	s10 =	sshrl.u32 s10, $0x3;
	s12 =	sadd.s32 s9, s6;
	s5 =	sadd.s32 s5, s9  }
0xe: {  	s11 =	smax.u32 s11, $0x1;
	s10 =	sadd.s32 s10, s6;
	s6 =	sadd.s32 $0x2C00, s12  }
0xf: {  	v0 =	vimm.f32 $1.000000000e+00;
	v1 =	vimm.f32 $0.0e+00;
	s12 =	simm.s32 $0x2800;
	s9 =	sadd.s32 $0xCC00, s10;
	s10 =	sadd.s32 $0xD0F0, s10  }
.LBB2_1:
0x10: {  	[tilespmem:s4], [sflag:$0x1] =	stream.linear.gather [hbm4b:s5+s4], $0x2800, $0x38;
	[tilespmem:$0x57F0] =	vst v63  }
0x11: {  	_ = 	snop  }
0x12: {  	[tilespmem:s12], [sflag:$0x2] =	stream.linear.gather [hbm4b:s6+s4], $0x2800, $0x38;
	[tilespmem:$0x57F0] =	vst v63  }
0x13: {  	[tilespmem:$0x5000] =	vst v0  }
0x14: {  	[tilespmem:$0x5010] =	vst v0  }
0x15: {  	[tilespmem:$0x5020] =	vst v0  }
0x16: {  	[tilespmem:$0x5030] =	vst v0  }
0x17: {  	[tilespmem:$0x5040] =	vst v0  }
0x18: {  	[tilespmem:$0x5050] =	vst v0  }
0x19: {  	[tilespmem:$0x5060] =	vst v0  }
0x1a: {  	[tilespmem:$0x5070] =	vst v0  }
0x1b: {  	[tilespmem:$0x5080] =	vst v1  }
0x1c: {  	[tilespmem:$0x5090] =	vst v1  }
0x1d: {  	[tilespmem:$0x50A0] =	vst v1  }
0x1e: {  	[tilespmem:$0x50B0] =	vst v1  }
0x1f: {  	[tilespmem:$0x50C0] =	vst v1  }
0x20: {  	[tilespmem:$0x50D0] =	vst v1  }
0x21: {  	[tilespmem:$0x50E0] =	vst v1  }
0x22: {  	[tilespmem:$0x50F0] =	vst v1  }
0x23: {  	[tilespmem:$0x5100] =	vst v1  }
0x24: {  	[tilespmem:$0x5110] =	vst v1  }
0x25: {  	[tilespmem:$0x5120] =	vst v1  }
0x26: {  	[tilespmem:$0x5130] =	vst v1  }
0x27: {  	[tilespmem:$0x5140] =	vst v1  }
0x28: {  	[tilespmem:$0x5150] =	vst v1  }
0x29: {  	[tilespmem:$0x5160] =	vst v1  }
0x2a: {  	[tilespmem:$0x5170] =	vst v1  }
0x2b: {  	[tilespmem:$0x5180] =	vst v1  }
0x2c: {  	[tilespmem:$0x5190] =	vst v1  }
0x2d: {  	[tilespmem:$0x51A0] =	vst v1  }
0x2e: {  	[tilespmem:$0x51B0] =	vst v1  }
0x2f: {  	[tilespmem:$0x51C0] =	vst v1  }
0x30: {  	[tilespmem:$0x51D0] =	vst v1  }
0x31: {  	[tilespmem:$0x51E0] =	vst v1  }
0x32: {  	[tilespmem:$0x51F0] =	vst v1  }
0x33: {  	[tilespmem:$0x5200] =	vst v1  }
0x34: {  	[tilespmem:$0x5210] =	vst v1  }
0x35: {  	[tilespmem:$0x5220] =	vst v1  }
0x36: {  	[tilespmem:$0x5230] =	vst v1  }
0x37: {  	[tilespmem:$0x5240] =	vst v1  }
0x38: {  	[tilespmem:$0x5250] =	vst v1  }
0x39: {  	[tilespmem:$0x5260] =	vst v1  }
0x3a: {  	[tilespmem:$0x5270] =	vst v1  }
0x3b: {  	[tilespmem:$0x5280] =	vst v1  }
0x3c: {  	[tilespmem:$0x5290] =	vst v1  }
0x3d: {  	[tilespmem:$0x52A0] =	vst v1  }
0x3e: {  	[tilespmem:$0x52B0] =	vst v1  }
0x3f: {  	[tilespmem:$0x52C0] =	vst v1  }
0x40: {  	[tilespmem:$0x52D0] =	vst v1  }
0x41: {  	[tilespmem:$0x52E0] =	vst v1  }
0x42: {  	[tilespmem:$0x52F0] =	vst v1  }
0x43: {  	_ =	swait.ge [sflag:s13], $0x2800  }
0x44: {  	[sflag:s13] =	ssyncset.done $0x0  }
0x45: {  	[sflag:s13] =	ssyncadd.s32 $0xFFFFD800  }
0x46: {  	_ =	swait.ge [sflag:s14], $0x2800  }
0x47: {  	[sflag:s14] =	ssyncset.done $0x0  }
0x48: {  	[sflag:s14] =	ssyncadd.s32 $0xFFFFD800  }
0x49: {  	[spmem:s7] =	stream.linear.scatter [tilespmem:s15], [sflag:$0x3], $0x278, $0x38;
	[tilespmem:$0x57F0] =	vst v63  }
0x4a: {  	_ =	swait.ge [sflag:s16], $0x278  }
0x4b: {  	[sflag:s16] =	ssyncset.done $0x0  }
0x4c: {  	[sflag:s16] =	ssyncadd.s32 $0xFFFFFD88  }
0x4d: {  	[spmem:s8] =	stream.linear.scatter [tilespmem:s15], [sflag:$0x3], $0x278, $0x38;
	[tilespmem:$0x57F0] =	vst v63  }
0x4e: {  	_ =	swait.ge [sflag:s16], $0x278  }
0x4f: {  	[sflag:s16] =	ssyncset.done $0x0  }
0x50: {  	[sflag:s16] =	ssyncadd.s32 $0xFFFFFD88  }
0x51: {  	[bflag:$0x0] =	sbarrier.arrive $0xFFFF  }
0x52: {  	[spmem:s2] =	stream.indirect.scatter.add.f32 [tilespmem:s18], [sflag:$0x1], $0x1, s4, s17, $0xb8;
	[tilespmem:$0x57F0] =	vst v63  }
0x53: {  	_ = 	snop  }
0x54: {  	[spmem:s3] =	stream.indirect.scatter.add.f32 [tilespmem:s18], [sflag:$0x2], $0x1, s12, s17, $0xb8;
	[tilespmem:$0x57F0] =	vst v63  }
0x55: {  	s20 =	simm.s32 $0x80  }
0x56: {  	[spmem:s2] =	stream.indirect.scatter.add.f32 [tilespmem:s18], [sflag:$0x1], $0x1, s20, s17, $0xb8;
	[tilespmem:$0x57F0] =	vst v63  }
0x57: {  	s31 =	simm.s32 $0x2880  }
0x58: {  	[spmem:s3] =	stream.indirect.scatter.add.f32 [tilespmem:s18], [sflag:$0x2], $0x1, s31, s17, $0xb8;
	[tilespmem:$0x57F0] =	vst v63  }
0x59: {  	_ =	swait.ge [sflag:s13], $0x80  }
0x5a: {  	[sflag:s13] =	ssyncset.done $0x0  }
0x5b: {  	[sflag:s13] =	ssyncadd.s32 $0xFFFFFF80  }
0x5c: {  	_ =	swait.ge [sflag:s14], $0x80  }
0x5d: {  	s21 =	simm.s32 $0x600;
	s20 =	simm.s32 $0x400;
	[sflag:s14] =	ssyncset.done $0x0  }
.LBB2_2:
0x5e: {  	s22 =	sshra.s32 s20, $0x2  }
0x5f: {  	[sflag:s14] =	ssyncadd.s32 $0xFFFFFF80;
	s20 =	smov.u32 s21;
	s23 =	sadd.s32 $0x200, s21  }
0x60: {  	[spmem:s2] =	stream.indirect.scatter.add.f32 [tilespmem:s18], [sflag:$0x1], $0x1, s22, s17, $0xb8;
	[tilespmem:$0x57F0] =	vst v63  }
0x61: {  	p0 =	sne.s32 s21, $0x9E00;
	s21 =	sadd.s32 $0x2800, s22  }
0x62: {  	[spmem:s3] =	stream.indirect.scatter.add.f32 [tilespmem:s18], [sflag:$0x2], $0x1, s21, s17, $0xb8;
	[tilespmem:$0x57F0] =	vst v63  }
.Ltmp0:
0x63: {  	_ =	swait.ge [sflag:s13], $0x80;
	(pc) =	sbr.rel @p0 .LBB2_2-.Ltmp0, $4  }
0x64: {  	[sflag:s13] =	ssyncset.done $0x0  }
0x65: {  	[sflag:s13] =	ssyncadd.s32 $0xFFFFFF80  }
0x66: {  	_ =	swait.ge [sflag:s14], $0x80  }
0x67: {  	s21 =	smov.u32 s23;
	[sflag:s14] =	ssyncset.done $0x0  }
0x68: {  	s20 =	sshra.s32 s20, $0x2;
	[sflag:s14] =	ssyncadd.s32 $0xFFFFFF80  }
0x69: {  	[spmem:s2] =	stream.indirect.scatter.add.f32 [tilespmem:s18], [sflag:$0x1], $0x1, s20, s17, $0xb8;
	[tilespmem:$0x57F0] =	vst v63  }
0x6a: {  	s20 =	sadd.s32 $0x2800, s20  }
0x6b: {  	[spmem:s3] =	stream.indirect.scatter.add.f32 [tilespmem:s18], [sflag:$0x2], $0x1, s20, s17, $0xb8;
	[tilespmem:$0x57F0] =	vst v63  }
0x6c: {  	_ =	swait.ge [sflag:s13], $0x80  }
0x6d: {  	[sflag:s13] =	ssyncset.done $0x0  }
0x6e: {  	[sflag:s13] =	ssyncadd.s32 $0xFFFFFF80  }
0x6f: {  	_ =	swait.ge [sflag:s14], $0x80  }
0x70: {  	[sflag:s14] =	ssyncset.done $0x0  }
0x71: {  	[sflag:s14] =	ssyncadd.s32 $0xFFFFFF80  }
0x72: {  	_ =	swait.ge [sflag:s13], $0x80  }
0x73: {  	[sflag:s13] =	ssyncset.done $0x0  }
0x74: {  	[sflag:s13] =	ssyncadd.s32 $0xFFFFFF80  }
0x75: {  	_ =	swait.ge [sflag:s14], $0x80  }
0x76: {  	[sflag:s14] =	ssyncset.done $0x0  }
0x77: {  	[sflag:s14] =	ssyncadd.s32 $0xFFFFFF80  }
0x78: {  	[bflag:$0x0] =	sbarrier.arrive $0xFFFF  }
0x79: {  	[tilespmem:s15], [sflag:$0x3] =	stream.linear.gather [spmem:s7], $0x278, $0x38;
	[tilespmem:$0x57F0] =	vst v63  }
0x7a: {  	_ =	swait.ge [sflag:s16], $0x278  }
0x7b: {  	[sflag:s16] =	ssyncset.done $0x0  }
0x7c: {  	[sflag:s16] =	ssyncadd.s32 $0xFFFFFD88  }
0x7d: {  	[hbm4b:s9+s4] =	stream.linear.scatter [tilespmem:s15], [sflag:$0x3], $0x278, $0x38;
	[tilespmem:$0x57F0] =	vst v63  }
0x7e: {  	_ =	swait.ge [sflag:s16], $0x278  }
0x7f: {  	[sflag:s16] =	ssyncset.done $0x0  }
0x80: {  	[sflag:s16] =	ssyncadd.s32 $0xFFFFFD88  }
0x81: {  	[tilespmem:s15], [sflag:$0x3] =	stream.linear.gather [spmem:s8], $0x278, $0x38;
	[tilespmem:$0x57F0] =	vst v63  }
0x82: {  	s19 =	sadd.s32 $0x1, s19;
	_ =	swait.ge [sflag:s16], $0x278  }
0x83: {  	p0 =	sne.s32 s19, s11;
	[sflag:s16] =	ssyncset.done $0x0  }
.Ltmp1:
0x84: {  	[sflag:s16] =	ssyncadd.s32 $0xFFFFFD88;
	(pc) =	sbr.rel @p0 .LBB2_1-.Ltmp1, $4  }
0x85: {  	[hbm4b:s10+s4] =	stream.linear.scatter [tilespmem:s15], [sflag:$0x3], $0x278, $0x38;
	[tilespmem:$0x57F0] =	vst v63  }
0x86: {  	_ =	swait.ge [sflag:s16], $0x278  }
0x87: {  	[sflag:s16] =	ssyncset.done $0x0  }
0x88: {  	[sflag:s16] =	ssyncadd.s32 $0xFFFFFD88  }
0x89: {  	_ =	sfence.sel $0x180000  }
0x8a: {  	[bflag:$0x0] =	sbarrier.arrive $0xFFFF  }
0x8b: {  	p0 =	sne.s32 s1, $0x0;
	_ =	strace $0x90000047  }
0x8c: {  	s0 =	sadd.s32 @!p0 $0x100000, s0;
	[bflag:$0x2] =	sbarrier.arrive $0xFFFF  }
0x8d: {  	[sflag:s0] =	ssyncadd.tile.s32 @!p0 $0x1;
	_ =	shalt  }
.Lfunc_end2:
_tile_overlayer_lowered:
.L_overlay_start_2:
0x8e: {  	(tag) =	ssettag $0x2  }
0x8f: {  	s0 =	rddreg [dreg:$0x0];
	s2 =	stileid.u32  }
0x90: {  	s1 =	rddreg [dreg:$0x1];
	p0 =	sne.s32 s2, $0x0  }
0x91: {  	s3 =	rddreg [dreg:$0x2];
	[bflag:$0x3] =	sbarrier.arrive $0xFFFF;
	s2 =	simm.s32 @!p0 $0x1C03  }
0x92: {  	[timem:s3], [sflag:s2] =	dma.local @!p0 [hbm:s0], s1  }
0x93: {  	s0 =	simm.s32 @!p0 $0x3  }
0x94: {  	_ =	swait.ge @!p0 [sflag:s0], s1  }
0x95: {  	s1 =	ssub.s32 @!p0 $0x0, s1;
	[sflag:s0] =	ssyncset.done @!p0 $0x0  }
0x96: {  	[sflag:s0] =	ssyncadd.s32 @!p0 s1  }
0x97: {  	[bflag:$0x3] =	sbarrier.arrive $0xFFFF  }
0x98: {  	_ =	shalt  }

// kernel: kernel.13.cloned.1.call-start
scs
__scs_entry_jumppad:
0x0: {  	(pc) =	sbr.rel $0x88, $3  }
0x1: {  	(tag) =	ssettag $0x0;
	lr =	simm.s32 $0x1  }
0x2: {  	[smem:$0x3F99] =	sst lr;
	_ =	strace $0xD0000000  }
0x3: {  	_ = 	snop  }
0x4: {  	_ = 	snop  }
0x5: {  	_ = 	snop  }
0x6: {  	_ = 	snop  }
0x7: {  	_ = 	snop  }
__scs_overlays_trampoline_lowered:
0x8: {  	[smem:$0x3FA8] =	sst s0  }
0x9: {  	[smem:$0x3FA9] =	sst s1  }
0xa: {  	[smem:$0x3FAA] =	sst s2  }
0xb: {  	[smem:$0x3FAB] =	sst s3  }
0xc: {  	[smem:$0x3FAC] =	sst s4  }
0xd: {  	[smem:$0x3FAD] =	sst s5  }
0xe: {  	[smem:$0x3FAE] =	sst s6  }
0xf: {  	[smem:$0x3FAF] =	sst s7  }
0x10: {  	[smem:$0x3FB0] =	sst s8  }
0x11: {  	[smem:$0x3FB1] =	sst s9;
	s0 =	simm.s32 @!p0 $0x0  }
0x12: {  	s1 =	sld [smem:$0x3F97];
	s0 =	simm.s32 @p0 $0x1  }
0x13: {  	[smem:$0x3FB2] =	sst s0;
	s0 =	simm.s32 @!p1 $0x0  }
0x14: {  	s2 =	sld [smem:$0x3F96];
	s0 =	simm.s32 @p1 $0x1  }
0x15: {  	[smem:$0x3FB3] =	sst s0;
	s0 =	simm.s32 @!p2 $0x0  }
0x16: {  	s3 =	sld [smem:$0x3FDB];
	s0 =	simm.s32 @p2 $0x1  }
0x17: {  	s4 =	simm.s32 $0x1BF5;
	[smem:$0x3FB5] =	sst s0  }
0x18: {  	s0 =	sld [smem:$0x3F98];
	_ =	swait.ge [sflag:s4], $0x0  }
0x19: {  	s7 =	sld [smem:$0x3F99]  }
0x1a: {  	s8 =	sadd.s32 $0xFFFFE003, lr  }
0x1b: {  	s9 =	sadd.s32 $0xFFFFFEF7, lr;
	s5 =	simm.s32 $0xFFFFFFFF;
	p2 =	slt.u32 s8, $0xFFFFF086  }
0x1c: {  	p1 =	slt.u32 s9, $0xF7A;
	s5 =	simm.s32 @!p2 $0x0  }
0x1d: {  	s5 =	simm.s32 @p1 $0x1;
	p0 =	seq.s32 s7, s2  }
0x1e: {  	s7 =	smul.u32 @!p0 $0xF7A, s2;
	p2 =	seq.s32 @!p0 s5, $0x0  }
0x1f: {  	s9 =	smul.u32 $0xF7A, s1;
	s8 =	simm.s32 @!p0 $0x1BF5;
	p2 =	por !p2, p0  }
0x20: {  	[sflag:s8] =	ssyncset.s32 @!p0 $0xFFFFF086;
	s6 =	sadd.s32 @!p0 s3, s7;
	s7 =	simm.s32 @!p0 $0x108  }
0x21: {  	s3 =	sadd.s32 s3, s9;
	s6 =	sadd.s32 @!p0 $0x88, s6;
	s7 =	simm.s32 @p2 $0x1082  }
0x22: {  	[simem:s7], [sflag:s8] =	dma.local @!p0 [hbm:s6], $0xF7A  }
0x23: {  	s9 =	sor.u32 $0xD0000000, s2;
	s6 =	simm.s32 $0x108;
	_ =	swait.ge @!p0 [sflag:s8], $0x0  }
0x24: {  	s3 =	sadd.s32 $0x88, s3;
	s6 =	simm.s32 @!p1 $0x1082;
	[sflag:s4] =	ssyncset.s32 $0xFFFFF086  }
0x25: {  	[simem:s6], [sflag:s4] =	dma.local [hbm:s3], $0xF7A  }
0x26: {  	[smem:$0x3F99] =	sst s1;
	(tag) =	ssettag s2;
	_ =	strace s9  }
0x27: {  	s1 =	sld [smem:$0x3FA9]  }
0x28: {  	s2 =	sld [smem:$0x3FAA]  }
0x29: {  	s4 =	sld [smem:$0x3FAC]  }
0x2a: {  	p0 =	seq.s32 s5, $0x0;
	s5 =	sld [smem:$0x3FAD]  }
0x2b: {  	s6 =	sld [smem:$0x3FAE]  }
0x2c: {  	s7 =	sld [smem:$0x3FAF]  }
0x2d: {  	s3 =	simm.s32 $0x108;
	s8 =	sld [smem:$0x3FB0]  }
0x2e: {  	s3 =	simm.s32 @!p0 $0x1082;
	s9 =	sld [smem:$0x3FB1]  }
0x2f: {  	lr =	sadd.s32 s0, s3;
	s0 =	sld [smem:$0x3FA8]  }
0x30: {  	s3 =	sld [smem:$0x3FAB]  }
0x31: {  	[smem:$0x3FB4] =	sst s10  }
0x32: {  	s10 =	sld [smem:$0x3FB2];
	_ =	sdelay $0x3  }
0x33: {  	p0 =	seq.s32 s10, $0x1;
	s10 =	sld [smem:$0x3FB4];
	_ =	sdelay $0x3  }
0x34: {  	[smem:$0x3FB4] =	sst s10  }
0x35: {  	s10 =	sld [smem:$0x3FB3];
	_ =	sdelay $0x3  }
0x36: {  	p1 =	seq.s32 s10, $0x1;
	s10 =	sld [smem:$0x3FB4];
	_ =	sdelay $0x3  }
0x37: {  	[smem:$0x3FB4] =	sst s10  }
0x38: {  	s10 =	sld [smem:$0x3FB5]  }
0x39: {  	_ = 	snop;
	(pc) =	sbr.ind lr, $3  }
0x3a: {  	_ = 	snop  }
0x3b: {  	_ = 	snop  }
0x3c: {  	p2 =	seq.s32 s10, $0x1;
	s10 =	sld [smem:$0x3FB4]  }
0x3d: {  	_ =	shalt  }
0x3e: {  	_ =	shalt  }
0x3f: {  	_ =	shalt  }
0x40: {  	_ =	shalt  }
0x41: {  	_ =	shalt  }
0x42: {  	_ =	shalt  }
0x43: {  	_ =	shalt  }
0x44: {  	_ =	shalt  }
0x45: {  	_ =	shalt  }
0x46: {  	_ =	shalt  }
0x47: {  	_ =	shalt  }
0x48: {  	_ =	shalt  }
0x49: {  	_ =	shalt  }
0x4a: {  	_ =	shalt  }
0x4b: {  	_ =	shalt  }
0x4c: {  	_ =	shalt  }
0x4d: {  	_ =	shalt  }
0x4e: {  	_ =	shalt  }
0x4f: {  	_ =	shalt  }
0x50: {  	_ =	shalt  }
0x51: {  	_ =	shalt  }
0x52: {  	_ =	shalt  }
0x53: {  	_ =	shalt  }
0x54: {  	_ =	shalt  }
0x55: {  	_ =	shalt  }
0x56: {  	_ =	shalt  }
0x57: {  	_ =	shalt  }
0x58: {  	_ =	shalt  }
0x59: {  	_ =	shalt  }
0x5a: {  	_ =	shalt  }
0x5b: {  	_ =	shalt  }
0x5c: {  	_ =	shalt  }
0x5d: {  	_ =	shalt  }
0x5e: {  	_ =	shalt  }
0x5f: {  	_ =	shalt  }
0x60: {  	_ =	shalt  }
0x61: {  	_ =	shalt  }
0x62: {  	_ =	shalt  }
0x63: {  	_ =	shalt  }
0x64: {  	_ =	shalt  }
0x65: {  	_ =	shalt  }
0x66: {  	_ =	shalt  }
0x67: {  	_ =	shalt  }
0x68: {  	_ =	shalt  }
0x69: {  	_ =	shalt  }
0x6a: {  	_ =	shalt  }
0x6b: {  	_ =	shalt  }
0x6c: {  	_ =	shalt  }
0x6d: {  	_ =	shalt  }
0x6e: {  	_ =	shalt  }
0x6f: {  	_ =	shalt  }
0x70: {  	_ =	shalt  }
0x71: {  	_ =	shalt  }
0x72: {  	_ =	shalt  }
0x73: {  	_ =	shalt  }
0x74: {  	_ =	shalt  }
0x75: {  	_ =	shalt  }
0x76: {  	_ =	shalt  }
0x77: {  	_ =	shalt  }
0x78: {  	_ =	shalt  }
0x79: {  	_ =	shalt  }
0x7a: {  	_ =	shalt  }
0x7b: {  	_ =	shalt  }
0x7c: {  	_ =	shalt  }
0x7d: {  	_ =	shalt  }
0x7e: {  	_ =	shalt  }
0x7f: {  	_ =	shalt  }
0x80: {  	_ =	shalt  }
0x81: {  	_ =	shalt  }
0x82: {  	_ =	shalt  }
0x83: {  	_ =	shalt  }
0x84: {  	_ =	shalt  }
0x85: {  	_ =	shalt  }
0x86: {  	_ =	shalt  }
0x87: {  	_ =	shalt  }
.Lfunc_end0:
.L_simem_size_0:
called_computation.1_lowered:
.L_overlay_start_0:
0x88: {  	s2 =	sld [smem:$0x3FD9]  }
0x89: {  	s3 =	sld [smem:$0x3FFE];
	_ =	sdelay $0x1  }
0x8a: {  	s1 =	srdreg.scid  }
0x8b: {  	s0 =	sand.u32 $0x1, s1  }
0x8c: {  	s16 =	sshll.u32 s0, $0xA;
	s2 =	sadd.s32 s3, s2  }
0x8d: {  	s2 =	sadd.s32 s2, s16  }
0x8e: {  	[smem:$0x3FC0] =	sst s2  }
0x8f: {  	_ = 	snop  }
0x90: {  	(tm) =	ssettm $0x1  }
0x91: {  	s17 =	sld [smem:$0x3FFB];
	_ =	sdelay $0x3  }
0x92: {  	_ =	strace s17  }
0x93: {  	s2 =	sld [smem:$0x3FFC];
	_ =	sdelay $0x3  }
0x94: {  	_ =	strace s2  }
0x95: {  	s2 =	sld [smem:$0x3FFD];
	_ =	sdelay $0x3  }
0x96: {  	_ =	strace s2  }
0x97: {  	_ =	strace $0x8FFFFFFF  }
0x98: {  	s18 =	sld [smem:$0x3FDB];
	_ =	sdelay $0x1  }
0x99: {  	s19 =	simm.s32 $_scs_section_size  }
0x9a: {  	s4 =	simm.s32 $_size__tile_overlayer_lowered;
	s5 =	simm.s32 $_tile_overlayer_lowered  }
0x9b: {  	s22 =	simm.s32 $0x1BFF;
	s21 =	sshll.u32 s5, $0x1;
	s2 =	sadd.s32 s19, s18  }
0x9c: {  	s6 =	simm.s32 $0x0;
	s20 =	sshll.u32 s4, $0x1;
	s4 =	sadd.s32 s21, s2  }
0x9d: {  	[timem:s6], [sflag:s22] =	dma.local [hbm:s4], s20  }
0x9e: {  	_ =	swait.ge [sflag:s22], s20  }
0x9f: {  	s3 =	ssub.s32 $0x0, s20;
	[sflag:s22] =	ssyncset.done $0x0  }
0xa0: {  	[sflag:s22] =	ssyncadd.s32 s3;
	_ =	sdelay $0x1  }
0xa1: {  	s23 =	simm.s32 $0x1B8B  }
0xa2: {  	_ =	swait.ge [sflag:s23], $0x1  }
0xa3: {  	[sflag:s23] =	ssyncset.done $0x0  }
0xa4: {  	s25 =	simm.s32 $0x1B8E;
	s24 =	sld [smem:$0x3FFE];
	[sflag:s23] =	ssyncadd.s32 $0xFFFFFFFF  }
0xa5: {  	s26 =	simm.s32 $execute0_lowered;
	[smem:$0x3FD2] =	sst s25  }
0xa6: {  	s4 =	sshll.u32 s26, $0x1;
	_ =	strace $0x80000049;
	[dreg:$0x1] =	wrdreg $0xFFFFFFFF  }
0xa7: {  	s28 =	simm.s32 $_size_execute0_lowered;
	s2 =	sadd.s32 s2, s4;
	[dreg:$0x0] =	wrdreg $0x0  }
0xa8: {  	s4 =	sshll.u32 s28, $0x1;
	[dreg:$0x2] =	wrdreg s2  }
0xa9: {  	[dreg:$0x3] =	wrdreg s4  }
0xaa: {  	[dreg:$0x4] =	wrdreg $0xC0  }
0xab: {  	_ =	task [dreg:s6], $0x5FFFF  }
0xac: {  	[dreg:$0x1] =	wrdreg $0xFFFFFFFF  }
0xad: {  	[dreg:$0x0] =	wrdreg $0x60  }
0xae: {  	[dreg:$0x2] =	wrdreg s24  }
0xaf: {  	[dreg:$0x3] =	wrdreg $0xA0800  }
0xb0: {  	[dreg:$0x4] =	wrdreg $0x9  }
0xb1: {  	_ =	task.clear_ibuf [dreg:s6], $0x5FFFF;
	_ =	strace $0x90000049  }
0xb2: {  	s29 =	simm.s32 $0x9;
	_ =	strace $0x8000004B  }
0xb3: {  	_ =	swait.ge [sflag:s29], $0x1  }
0xb4: {  	[sflag:s29] =	ssyncadd.s32 $0xFFFFFFFF  }
0xb5: {  	_ =	strace $0x9000004B  }
0xb6: {  	_ =	sfence  }
0xb7: {  	s30 =	sld [smem:$0x0];
	_ =	sdelay $0x2  }
0xb8: {  	s31 =	sshll.u32 s1, $0xD;
	s1 =	sshrl.u32 s1, $0x2  }
0xb9: {  	s3 =	sand.u32 $0x4000, s31;
	s1 =	sadd.s32 s1, s30  }
0xba: {  	s0 =	sor.u32 s3, s0;
	s1 =	sshll.u32 s1, $0x11  }
0xbb: {  	s0 =	sor.u32 s1, s0  }
0xbc: {  	s0 =	sadd.s32 $0x8F2B, s0  }
0xbd: {  	[sflag:s0] =	ssyncadd.remote.s32 $0x1  }
0xbe: {  	_ =	sfence.sel $0xFFFF  }
0xbf: {  	[dreg:$0x0] =	wrdreg $0xFFFFFFFF;
	(pc) =	sbr.abs _section_cstart, $3  }
0xc0: {  	[dreg:$0x1] =	wrdreg $0xFFFFFFFF  }
0xc1: {  	_ =	task.clear_ibuf [dreg:s6], $0x2FFFF;
	_ =	strace $0x9FFFFFFF  }
0xc2: {  	(tm) =	ssettm $0x7FFFFFFF  }
0xc3: {  	_ =	shalt  }
tec
execute0_lowered:
.L_overlay_start_1:
0x0: {  	(tag) =	ssettag $0x1  }
0x1: {  	s0 =	srdreg.scid;
	s6 =	rddreg [dreg:$0x0]  }
0x2: {  	s12 =	stileid.u32;
	s2 =	rddreg [dreg:$0x1]  }
0x3: {  	s3 =	simm.s32 $0x0;
	s28 =	simm.s32 $0x5080;
	s7 =	smul.u32 $0x13C00, s12  }
0x4: {  	s29 =	simm.s32 $0x7880;
	s30 =	simm.s32 $0x6;
	s11 =	smul.u32 $0x4F000, s12  }
0x5: {  	s31 =	simm.s32 $0x4;
	s0 =	sand.u32 $0x1, s0;
	s19 =	smul.u32 $0x4E20, s12  }
0x6: {  	s1 =	sshll.u32 s12, $0x1;
	[smem:$0x7FF] =	sst s3;
	s5 =	smul.u32 $0x13C000, s0  }
0x7: {  	s1 =	sor.u32 s0, s1;
	s15 =	ssub.s32 $0x2, s0;
	s0 =	smul.u32 $0x2710, s0  }
0x8: {  	s4 =	sadd.s32 $0xBFC00, s6;
	_ =	strace $0x8000004A;
	s1 =	smul.u32 $0x2710, s1  }
0x9: {  	s10 =	sshrl.u32 s15, $0x1;
	s18 =	sshrl.u32 s11, $0x2;
	s5 =	sadd.s32 s7, s5  }
0xa: {  	s16 =	ssub.s32 s15, s10;
	s0 =	sadd.s32 s0, s19;
	s1 =	sshrl.u32 s1, $0x3  }
0xb: {  	s9 =	sshrl.u32 s5, $0x3;
	s5 =	sadd.s32 $0xE000, s6;
	s23 =	smax.u32 s16, $0x1  }
0xc: {  	s26 =	sadd.s32 $0xF0, s0;
	s8 =	sadd.s32 s1, s6;
	s6 =	sadd.s32 s9, s6  }
0xd: {  	s7 =	sadd.s32 s5, s1;
	[dreg:$0x8] =	wrdreg s23;
	s17 =	sadd.s32 $0x17E00, s8  }
0xe: {  	s23 =	simm.s32 $0x2780;
	s1 =	sadd.s32 $0xA, s7;
	[dreg:$0x3] =	wrdreg s17  }
0xf: {  	s9 =	simm.s32 $0x0;
	s21 =	sadd.s32 $0x4D8, s7;
	[dreg:$0x4] =	wrdreg s1  }
0x10: {  	s8 =	sadd.s32 s18, s2;
	s22 =	sadd.s32 $0xE7400, s6;
	[dreg:$0x6] =	wrdreg s21  }
0x11: {  	s6 =	simm.s32 $0x2;
	s20 =	sadd.s32 $0x11800, s8;
	[dreg:$0x7] =	wrdreg s22  }
0x12: {  	s24 =	sadd.s32 $0x2800, s8;
	s25 =	sadd.s32 $0x5000, s8;
	s16 =	sadd.s32 $0x7800, s8  }
0x13: {  	s17 =	sadd.s32 $0xA000, s8;
	s1 =	sshrl.u32 s26, $0x3;
	s18 =	sadd.s32 $0xC800, s8  }
0x14: {  	s19 =	sadd.s32 $0xF000, s8;
	s21 =	sadd.s32 $0xA0, s0;
	[dreg:$0x5] =	wrdreg s20  }
0x15: {  	s22 =	simm.s32 $0x3;
	s26 =	simm.s32 $0x2800;
	[dreg:$0x9] =	wrdreg s24  }
0x16: {  	s0 =	simm.s32 $0x5;
	[dreg:$0xa] =	wrdreg s25;
	s20 =	sadd.s32 s1, s5  }
0x17: {  	v0 =	vimm.f32 $0.0e+00;
	s24 =	simm.s32 $0x50;
	s25 =	simm.s32 $0x2880;
	s1 =	simm.s32 $0x1  }
.LBB2_1:
0x18: {  	s10 =	rddreg [dreg:$0x3]  }
0x19: {  	[tilespmem:s3], [sflag:$0x3] =	stream.linear.gather [hbm4b:s10+s3], $0x2710, $0x38;
	[tilespmem:$0x1DC80] =	vst v63  }
0x1a: {  	s11 =	simm.s32 $0x3C0;
	s10 =	simm.s32 $0x70  }
.LBB2_2:
0x1b: {  	p0 =	sne.s32 s11, $0x9FC0;
	[tilespmem:s10+$0x7880] =	vst v0  }
0x1c: {  	[tilespmem:s10+$0x7810] =	vst v0  }
0x1d: {  	[tilespmem:s10+$0x7820] =	vst v0  }
.Ltmp0:
0x1e: {  	[tilespmem:s10+$0x7830] =	vst v0;
	(pc) =	sbr.rel @p0 .LBB2_2-.Ltmp0, $4  }
0x1f: {  	[tilespmem:s10+$0x7840] =	vst v0  }
0x20: {  	[tilespmem:s10+$0x7850] =	vst v0  }
0x21: {  	[tilespmem:s10+$0x7860] =	vst v0  }
0x22: {  	[tilespmem:s10+$0x7870] =	vst v0;
	s10 =	sshra.s32 s11, $0x2;
	s11 =	sadd.s32 $0x200, s11  }
0x23: {  	[tilespmem:s10+$0x7880] =	vst v0  }
0x24: {  	[tilespmem:s10+$0x7810] =	vst v0  }
0x25: {  	[tilespmem:s10+$0x7820] =	vst v0  }
0x26: {  	[tilespmem:s10+$0x7830] =	vst v0  }
0x27: {  	[tilespmem:s10+$0x7840] =	vst v0  }
0x28: {  	[tilespmem:s10+$0x7850] =	vst v0  }
0x29: {  	[tilespmem:s10+$0x7860] =	vst v0  }
0x2a: {  	[tilespmem:s10+$0x7870] =	vst v0  }
0x2b: {  	_ =	swait.ge [sflag:s22], $0x2710  }
0x2c: {  	[sflag:s22] =	ssyncset.done $0x0  }
0x2d: {  	s14 =	simm.s32 $0x0;
	[sflag:s22] =	ssyncadd.s32 $0xFFFFD8F0  }
0x2e: {  	[tilespmem:s23], [sflag:$0x4] =	stream.linear.gather [hbm4b:s7+s14], $0x50, $0x38;
	[tilespmem:$0x1DC80] =	vst v63  }
0x2f: {  	_ = 	snop  }
0x30: {  	[tilespmem:s25], [sflag:$0x1] =	stream.indirect.gather [hbm4b:s4+s24], $0x80, s14, s24, $0xb8;
	[tilespmem:$0x1DC80] =	vst v63  }
0x31: {  	s11 =	rddreg [dreg:$0x4]  }
0x32: {  	[tilespmem:s26], [sflag:$0x5] =	stream.linear.gather [hbm4b:s11+s14], $0x50, $0x38;
	[tilespmem:$0x1DC80] =	vst v63  }
0x33: {  	_ = 	snop  }
0x34: {  	[tilespmem:s28], [sflag:$0x2] =	stream.indirect.gather [hbm4b:s4+s24], $0x80, s24, s24, $0xb8;
	[tilespmem:$0x1DC80] =	vst v63  }
0x35: {  	_ = 	snop  }
0x36: {  	[spmem:s8] =	stream.linear.scatter [tilespmem:s29], [sflag:$0x6], $0x2800, $0x38;
	[tilespmem:$0x1DC80] =	vst v63  }
0x37: {  	_ =	swait.ge [sflag:s30], $0x2800  }
0x38: {  	[sflag:s30] =	ssyncset.done $0x0  }
0x39: {  	s15 =	rddreg [dreg:$0x9];
	[sflag:s30] =	ssyncadd.s32 $0xFFFFD800  }
0x3a: {  	[spmem:s15] =	stream.linear.scatter [tilespmem:s29], [sflag:$0x6], $0x2800, $0x38;
	[tilespmem:$0x1DC80] =	vst v63  }
0x3b: {  	_ =	swait.ge [sflag:s30], $0x2800  }
0x3c: {  	[sflag:s30] =	ssyncset.done $0x0  }
0x3d: {  	s11 =	rddreg [dreg:$0xa];
	[sflag:s30] =	ssyncadd.s32 $0xFFFFD800  }
0x3e: {  	[spmem:s11] =	stream.linear.scatter [tilespmem:s29], [sflag:$0x6], $0x2800, $0x38;
	[tilespmem:$0x1DC80] =	vst v63  }
0x3f: {  	_ =	swait.ge [sflag:s30], $0x2800  }
0x40: {  	[sflag:s30] =	ssyncset.done $0x0  }
0x41: {  	[sflag:s30] =	ssyncadd.s32 $0xFFFFD800  }
0x42: {  	[spmem:s16] =	stream.linear.scatter [tilespmem:s29], [sflag:$0x6], $0x2800, $0x38;
	[tilespmem:$0x1DC80] =	vst v63  }
0x43: {  	_ =	swait.ge [sflag:s30], $0x2800  }
0x44: {  	[sflag:s30] =	ssyncset.done $0x0  }
0x45: {  	[sflag:s30] =	ssyncadd.s32 $0xFFFFD800  }
0x46: {  	[spmem:s17] =	stream.linear.scatter [tilespmem:s29], [sflag:$0x6], $0x2800, $0x38;
	[tilespmem:$0x1DC80] =	vst v63  }
0x47: {  	_ =	swait.ge [sflag:s30], $0x2800  }
0x48: {  	[sflag:s30] =	ssyncset.done $0x0  }
0x49: {  	[sflag:s30] =	ssyncadd.s32 $0xFFFFD800  }
0x4a: {  	[spmem:s18] =	stream.linear.scatter [tilespmem:s29], [sflag:$0x6], $0x2800, $0x38;
	[tilespmem:$0x1DC80] =	vst v63  }
0x4b: {  	_ =	swait.ge [sflag:s30], $0x2800  }
0x4c: {  	[sflag:s30] =	ssyncset.done $0x0  }
0x4d: {  	[sflag:s30] =	ssyncadd.s32 $0xFFFFD800  }
0x4e: {  	[spmem:s19] =	stream.linear.scatter [tilespmem:s29], [sflag:$0x6], $0x2800, $0x38;
	[tilespmem:$0x1DC80] =	vst v63  }
0x4f: {  	_ =	swait.ge [sflag:s30], $0x2800  }
0x50: {  	[sflag:s30] =	ssyncset.done $0x0  }
0x51: {  	s12 =	rddreg [dreg:$0x5];
	[sflag:s30] =	ssyncadd.s32 $0xFFFFD800  }
0x52: {  	[spmem:s12] =	stream.linear.scatter [tilespmem:s29], [sflag:$0x6], $0x2400, $0x38;
	[tilespmem:$0x1DC80] =	vst v63  }
0x53: {  	_ =	swait.ge [sflag:s30], $0x2400  }
0x54: {  	[sflag:s30] =	ssyncset.done $0x0  }
0x55: {  	[sflag:s30] =	ssyncadd.s32 $0xFFFFDC00  }
0x56: {  	[bflag:$0x0] =	sbarrier.arrive $0xFFFF  }
0x57: {  	_ =	swait.ge [sflag:s31], $0x50  }
0x58: {  	[sflag:s31] =	ssyncset.done $0x0  }
0x59: {  	[sflag:s31] =	ssyncadd.s32 $0xFFFFFFB0  }
0x5a: {  	_ =	swait.ge [sflag:s1], $0x2800  }
0x5b: {  	[sflag:s1] =	ssyncset.done $0x0  }
0x5c: {  	[sflag:s1] =	ssyncadd.s32 $0xFFFFD800  }
0x5d: {  	[spmem:s2] =	stream.indirect.scatter.add.f32 [tilespmem:s25], [sflag:$0x6], $0x80, s23, s24, $0xb8;
	[tilespmem:$0x1DC80] =	vst v63  }
0x5e: {  	_ =	swait.ge [sflag:s30], $0x2800  }
0x5f: {  	s13 =	sshrl.u32 s21, $0x3;
	[sflag:s30] =	ssyncset.done $0x0  }
0x60: {  	s10 =	sadd.s32 s5, s13;
	[sflag:s30] =	ssyncadd.s32 $0xFFFFD800  }
0x61: {  	[tilespmem:s23], [sflag:$0x4] =	stream.linear.gather [hbm4b:s10+s3], $0x50, $0x38;
	[tilespmem:$0x1DC80] =	vst v63  }
0x62: {  	s14 =	simm.s32 $0xA0  }
0x63: {  	[tilespmem:s25], [sflag:$0x1] =	stream.indirect.gather [hbm4b:s4+s24], $0x80, s14, s24, $0xb8;
	[tilespmem:$0x1DC80] =	vst v63  }
0x64: {  	_ =	swait.ge [sflag:s0], $0x50  }
0x65: {  	[sflag:s0] =	ssyncset.done $0x0  }
0x66: {  	[sflag:s0] =	ssyncadd.s32 $0xFFFFFFB0  }
0x67: {  	_ =	swait.ge [sflag:s6], $0x2800  }
0x68: {  	[sflag:s6] =	ssyncset.done $0x0  }
0x69: {  	[sflag:s6] =	ssyncadd.s32 $0xFFFFD800  }
0x6a: {  	[spmem:s2] =	stream.indirect.scatter.add.f32 [tilespmem:s28], [sflag:$0x6], $0x80, s26, s24, $0xb8;
	[tilespmem:$0x1DC80] =	vst v63  }
0x6b: {  	s13 =	sadd.s32 $0xA0, s21;
	_ =	swait.ge [sflag:s30], $0x2800  }
0x6c: {  	s15 =	sadd.s32 $0x0, s20;
	s11 =	simm.s32 $0x14;
	[sflag:s30] =	ssyncset.done $0x0  }
0x6d: {  	s12 =	simm.s32 $0x190;
	s10 =	simm.s32 $0xF0;
	[sflag:s30] =	ssyncadd.s32 $0xFFFFD800  }
0x6e: {  	[tilespmem:s26], [sflag:$0x5] =	stream.linear.gather [hbm4b:s15+s3], $0x50, $0x38;
	[tilespmem:$0x1DC80] =	vst v63  }
.LBB2_4:
0x6f: {  	[tilespmem:s28], [sflag:$0x2] =	stream.indirect.gather [hbm4b:s4+s24], $0x80, s10, s24, $0xb8;
	[tilespmem:$0x1DC80] =	vst v63  }
0x70: {  	s14 =	smov.u32 s11;
	s10 =	smov.u32 s12  }
0x71: {  	p0 =	sne.s32 s11, $0x4B0;
	s11 =	sadd.s32 $0x14, s11;
	_ =	swait.ge [sflag:s31], $0x50  }
0x72: {  	[sflag:s31] =	ssyncset.done $0x0  }
0x73: {  	[sflag:s31] =	ssyncadd.s32 $0xFFFFFFB0  }
0x74: {  	_ =	swait.ge [sflag:s1], $0x2800  }
0x75: {  	[sflag:s1] =	ssyncset.done $0x0  }
0x76: {  	[sflag:s1] =	ssyncadd.s32 $0xFFFFD800  }
0x77: {  	[spmem:s2] =	stream.indirect.scatter.add.f32 [tilespmem:s25], [sflag:$0x6], $0x80, s23, s24, $0xb8;
	[tilespmem:$0x1DC80] =	vst v63  }
0x78: {  	_ =	swait.ge [sflag:s30], $0x2800  }
0x79: {  	s15 =	sshrl.u32 s13, $0x3;
	[sflag:s30] =	ssyncset.done $0x0  }
0x7a: {  	s15 =	sadd.s32 s5, s15;
	[sflag:s30] =	ssyncadd.s32 $0xFFFFD800  }
0x7b: {  	[tilespmem:s23], [sflag:$0x4] =	stream.linear.gather [hbm4b:s15+s3], $0x50, $0x38;
	[tilespmem:$0x1DC80] =	vst v63  }
0x7c: {  	s15 =	sadd.s32 $0xFFFFFFB0, s12  }
0x7d: {  	[tilespmem:s25], [sflag:$0x1] =	stream.indirect.gather [hbm4b:s4+s24], $0x80, s15, s24, $0xb8;
	[tilespmem:$0x1DC80] =	vst v63  }
0x7e: {  	_ =	swait.ge [sflag:s0], $0x50  }
0x7f: {  	[sflag:s0] =	ssyncset.done $0x0  }
0x80: {  	[sflag:s0] =	ssyncadd.s32 $0xFFFFFFB0  }
0x81: {  	_ =	swait.ge [sflag:s6], $0x2800  }
0x82: {  	[sflag:s6] =	ssyncset.done $0x0  }
0x83: {  	[sflag:s6] =	ssyncadd.s32 $0xFFFFD800  }
0x84: {  	[spmem:s2] =	stream.indirect.scatter.add.f32 [tilespmem:s28], [sflag:$0x6], $0x80, s26, s24, $0xb8;
	[tilespmem:$0x1DC80] =	vst v63  }
.Ltmp1:
0x85: {  	_ =	swait.ge [sflag:s30], $0x2800;
	(pc) =	sbr.rel @p0 .LBB2_4-.Ltmp1, $4  }
0x86: {  	[sflag:s30] =	ssyncset.done $0x0  }
0x87: {  	s14 =	sadd.s32 s14, s20;
	[sflag:s30] =	ssyncadd.s32 $0xFFFFD800  }
0x88: {  	[tilespmem:s26], [sflag:$0x5] =	stream.linear.gather [hbm4b:s14+s3], $0x50, $0x38;
	[tilespmem:$0x1DC80] =	vst v63  }
0x89: {  	s13 =	sadd.s32 $0xA0, s13;
	s12 =	sadd.s32 $0xA0, s12  }
0x8a: {  	[tilespmem:s28], [sflag:$0x2] =	stream.indirect.gather [hbm4b:s4+s24], $0x80, s10, s24, $0xb8;
	[tilespmem:$0x1DC80] =	vst v63  }
0x8b: {  	_ =	swait.ge [sflag:s31], $0x50  }
0x8c: {  	[sflag:s31] =	ssyncset.done $0x0  }
0x8d: {  	[sflag:s31] =	ssyncadd.s32 $0xFFFFFFB0  }
0x8e: {  	_ =	swait.ge [sflag:s1], $0x2800  }
0x8f: {  	[sflag:s1] =	ssyncset.done $0x0  }
0x90: {  	[sflag:s1] =	ssyncadd.s32 $0xFFFFD800  }
0x91: {  	[spmem:s2] =	stream.indirect.scatter.add.f32 [tilespmem:s25], [sflag:$0x6], $0x80, s23, s24, $0xb8;
	[tilespmem:$0x1DC80] =	vst v63  }
0x92: {  	_ =	swait.ge [sflag:s30], $0x2800  }
0x93: {  	[sflag:s30] =	ssyncset.done $0x0  }
0x94: {  	s12 =	rddreg [dreg:$0x6];
	[sflag:s30] =	ssyncadd.s32 $0xFFFFD800  }
0x95: {  	[tilespmem:s23], [sflag:$0x4] =	stream.linear.gather [hbm4b:s12+s3], $0x50, $0x38;
	[tilespmem:$0x1DC80] =	vst v63  }
0x96: {  	s13 =	simm.s32 $0x26C0  }
0x97: {  	[tilespmem:s25], [sflag:$0x1] =	stream.indirect.gather [hbm4b:s4+s24], $0x80, s13, s24, $0xb8;
	[tilespmem:$0x1DC80] =	vst v63  }
0x98: {  	_ =	swait.ge [sflag:s0], $0x50  }
0x99: {  	[sflag:s0] =	ssyncset.done $0x0  }
0x9a: {  	[sflag:s0] =	ssyncadd.s32 $0xFFFFFFB0  }
0x9b: {  	_ =	swait.ge [sflag:s6], $0x2800  }
0x9c: {  	[sflag:s6] =	ssyncset.done $0x0  }
0x9d: {  	[sflag:s6] =	ssyncadd.s32 $0xFFFFD800  }
0x9e: {  	[spmem:s2] =	stream.indirect.scatter.add.f32 [tilespmem:s28], [sflag:$0x6], $0x80, s26, s24, $0xb8;
	[tilespmem:$0x1DC80] =	vst v63  }
0x9f: {  	_ =	swait.ge [sflag:s30], $0x2800  }
0xa0: {  	[sflag:s30] =	ssyncset.done $0x0  }
0xa1: {  	[sflag:s30] =	ssyncadd.s32 $0xFFFFD800  }
0xa2: {  	_ =	swait.ge [sflag:s31], $0x50  }
0xa3: {  	[sflag:s31] =	ssyncset.done $0x0  }
0xa4: {  	[sflag:s31] =	ssyncadd.s32 $0xFFFFFFB0  }
0xa5: {  	_ =	swait.ge [sflag:s1], $0x2800  }
0xa6: {  	[sflag:s1] =	ssyncset.done $0x0  }
0xa7: {  	[sflag:s1] =	ssyncadd.s32 $0xFFFFD800  }
0xa8: {  	[spmem:s2] =	stream.indirect.scatter.add.f32 [tilespmem:s25], [sflag:$0x6], $0x80, s23, s24, $0xb8;
	[tilespmem:$0x1DC80] =	vst v63  }
0xa9: {  	_ =	swait.ge [sflag:s30], $0x2800  }
0xaa: {  	[sflag:s30] =	ssyncset.done $0x0  }
0xab: {  	s14 =	stileid.u32;
	[sflag:s30] =	ssyncadd.s32 $0xFFFFD800  }
0xac: {  	s10 =	sshll.u32 s14, $0x6;
	[bflag:$0x0] =	sbarrier.arrive $0xFFFF  }
0xad: {  	s11 =	sshrl.u32 s8, $0x3;
	s10 =	sor.u32 $0x1C06, s10;
	s12 =	rddreg [dreg:$0x7]  }
0xae: {  	[hbm:s12], [sflag:s10] =	dma.local [spmem:s11], $0x2780  }
0xaf: {  	_ =	swait.ge [sflag:s30], $0x2780  }
0xb0: {  	s9 =	sadd.s32 $0x1, s9;
	s15 =	rddreg [dreg:$0x8]  }
0xb1: {  	p0 =	sne.s32 s9, s15  }
.Ltmp2:
0xb2: {  	_ = 	snop;
	(pc) =	sbr.rel @p0 .LBB2_1-.Ltmp2, $3  }
0xb3: {  	_ =	sdelay $0x1  }
0xb4: {  	[sflag:s30] =	ssyncset.done $0x0  }
0xb5: {  	[sflag:s30] =	ssyncadd.s32 $0xFFFFD880  }
0xb6: {  	_ =	sfence.sel $0x180000  }
0xb7: {  	[bflag:$0x0] =	sbarrier.arrive $0xFFFF  }
0xb8: {  	_ =	strace $0x9000004A  }
0xb9: {  	s0 =	stileid.u32;
	[bflag:$0x2] =	sbarrier.arrive $0xFFFF  }
0xba: {  	p0 =	sne.s32 s0, $0x0;
	s0 =	rddreg [dreg:$0x2]  }
0xbb: {  	s0 =	sadd.s32 @!p0 $0x100000, s0  }
0xbc: {  	[sflag:s0] =	ssyncadd.tile.s32 @!p0 $0x1;
	_ =	shalt  }
.Lfunc_end2:
_tile_overlayer_lowered:
.L_overlay_start_2:
0xbd: {  	(tag) =	ssettag $0x2  }
0xbe: {  	s0 =	rddreg [dreg:$0x0];
	s2 =	stileid.u32  }
0xbf: {  	s1 =	rddreg [dreg:$0x1];
	p0 =	sne.s32 s2, $0x0  }
0xc0: {  	s3 =	rddreg [dreg:$0x2];
	[bflag:$0x3] =	sbarrier.arrive $0xFFFF;
	s2 =	simm.s32 @!p0 $0x1C06  }
0xc1: {  	[timem:s3], [sflag:s2] =	dma.local @!p0 [hbm:s0], s1  }
0xc2: {  	s0 =	simm.s32 @!p0 $0x6  }
0xc3: {  	_ =	swait.ge @!p0 [sflag:s0], s1  }
0xc4: {  	s1 =	ssub.s32 @!p0 $0x0, s1;
	[sflag:s0] =	ssyncset.done @!p0 $0x0  }
0xc5: {  	[sflag:s0] =	ssyncadd.s32 @!p0 s1  }
0xc6: {  	[bflag:$0x3] =	sbarrier.arrive $0xFFFF  }
0xc7: {  	_ =	shalt  }

// kernel: kernel.16.cloned.1.call-start
scs
__scs_entry_jumppad:
0x0: {  	(pc) =	sbr.rel $0x88, $3  }
0x1: {  	(tag) =	ssettag $0x0;
	lr =	simm.s32 $0x1  }
0x2: {  	[smem:$0x3F99] =	sst lr;
	_ =	strace $0xD0000000  }
0x3: {  	_ = 	snop  }
0x4: {  	_ = 	snop  }
0x5: {  	_ = 	snop  }
0x6: {  	_ = 	snop  }
0x7: {  	_ = 	snop  }
__scs_overlays_trampoline_lowered:
0x8: {  	[smem:$0x3FA8] =	sst s0  }
0x9: {  	[smem:$0x3FA9] =	sst s1  }
0xa: {  	[smem:$0x3FAA] =	sst s2  }
0xb: {  	[smem:$0x3FAB] =	sst s3  }
0xc: {  	[smem:$0x3FAC] =	sst s4  }
0xd: {  	[smem:$0x3FAD] =	sst s5  }
0xe: {  	[smem:$0x3FAE] =	sst s6  }
0xf: {  	[smem:$0x3FAF] =	sst s7  }
0x10: {  	[smem:$0x3FB0] =	sst s8  }
0x11: {  	[smem:$0x3FB1] =	sst s9;
	s0 =	simm.s32 @!p0 $0x0  }
0x12: {  	s1 =	sld [smem:$0x3F97];
	s0 =	simm.s32 @p0 $0x1  }
0x13: {  	[smem:$0x3FB2] =	sst s0;
	s0 =	simm.s32 @!p1 $0x0  }
0x14: {  	s2 =	sld [smem:$0x3F96];
	s0 =	simm.s32 @p1 $0x1  }
0x15: {  	[smem:$0x3FB3] =	sst s0;
	s0 =	simm.s32 @!p2 $0x0  }
0x16: {  	s3 =	sld [smem:$0x3FDB];
	s0 =	simm.s32 @p2 $0x1  }
0x17: {  	s4 =	simm.s32 $0x1BF5;
	[smem:$0x3FB5] =	sst s0  }
0x18: {  	s0 =	sld [smem:$0x3F98];
	_ =	swait.ge [sflag:s4], $0x0  }
0x19: {  	s7 =	sld [smem:$0x3F99]  }
0x1a: {  	s8 =	sadd.s32 $0xFFFFE003, lr  }
0x1b: {  	s9 =	sadd.s32 $0xFFFFFEF7, lr;
	s5 =	simm.s32 $0xFFFFFFFF;
	p2 =	slt.u32 s8, $0xFFFFF086  }
0x1c: {  	p1 =	slt.u32 s9, $0xF7A;
	s5 =	simm.s32 @!p2 $0x0  }
0x1d: {  	s5 =	simm.s32 @p1 $0x1;
	p0 =	seq.s32 s7, s2  }
0x1e: {  	s7 =	smul.u32 @!p0 $0xF7A, s2;
	p2 =	seq.s32 @!p0 s5, $0x0  }
0x1f: {  	s9 =	smul.u32 $0xF7A, s1;
	s8 =	simm.s32 @!p0 $0x1BF5;
	p2 =	por !p2, p0  }
0x20: {  	[sflag:s8] =	ssyncset.s32 @!p0 $0xFFFFF086;
	s6 =	sadd.s32 @!p0 s3, s7;
	s7 =	simm.s32 @!p0 $0x108  }
0x21: {  	s3 =	sadd.s32 s3, s9;
	s6 =	sadd.s32 @!p0 $0x88, s6;
	s7 =	simm.s32 @p2 $0x1082  }
0x22: {  	[simem:s7], [sflag:s8] =	dma.local @!p0 [hbm:s6], $0xF7A  }
0x23: {  	s9 =	sor.u32 $0xD0000000, s2;
	s6 =	simm.s32 $0x108;
	_ =	swait.ge @!p0 [sflag:s8], $0x0  }
0x24: {  	s3 =	sadd.s32 $0x88, s3;
	s6 =	simm.s32 @!p1 $0x1082;
	[sflag:s4] =	ssyncset.s32 $0xFFFFF086  }
0x25: {  	[simem:s6], [sflag:s4] =	dma.local [hbm:s3], $0xF7A  }
0x26: {  	[smem:$0x3F99] =	sst s1;
	(tag) =	ssettag s2;
	_ =	strace s9  }
0x27: {  	s1 =	sld [smem:$0x3FA9]  }
0x28: {  	s2 =	sld [smem:$0x3FAA]  }
0x29: {  	s4 =	sld [smem:$0x3FAC]  }
0x2a: {  	p0 =	seq.s32 s5, $0x0;
	s5 =	sld [smem:$0x3FAD]  }
0x2b: {  	s6 =	sld [smem:$0x3FAE]  }
0x2c: {  	s7 =	sld [smem:$0x3FAF]  }
0x2d: {  	s3 =	simm.s32 $0x108;
	s8 =	sld [smem:$0x3FB0]  }
0x2e: {  	s3 =	simm.s32 @!p0 $0x1082;
	s9 =	sld [smem:$0x3FB1]  }
0x2f: {  	lr =	sadd.s32 s0, s3;
	s0 =	sld [smem:$0x3FA8]  }
0x30: {  	s3 =	sld [smem:$0x3FAB]  }
0x31: {  	[smem:$0x3FB4] =	sst s10  }
0x32: {  	s10 =	sld [smem:$0x3FB2];
	_ =	sdelay $0x3  }
0x33: {  	p0 =	seq.s32 s10, $0x1;
	s10 =	sld [smem:$0x3FB4];
	_ =	sdelay $0x3  }
0x34: {  	[smem:$0x3FB4] =	sst s10  }
0x35: {  	s10 =	sld [smem:$0x3FB3];
	_ =	sdelay $0x3  }
0x36: {  	p1 =	seq.s32 s10, $0x1;
	s10 =	sld [smem:$0x3FB4];
	_ =	sdelay $0x3  }
0x37: {  	[smem:$0x3FB4] =	sst s10  }
0x38: {  	s10 =	sld [smem:$0x3FB5]  }
0x39: {  	_ = 	snop;
	(pc) =	sbr.ind lr, $3  }
0x3a: {  	_ = 	snop  }
0x3b: {  	_ = 	snop  }
0x3c: {  	p2 =	seq.s32 s10, $0x1;
	s10 =	sld [smem:$0x3FB4]  }
0x3d: {  	_ =	shalt  }
0x3e: {  	_ =	shalt  }
0x3f: {  	_ =	shalt  }
0x40: {  	_ =	shalt  }
0x41: {  	_ =	shalt  }
0x42: {  	_ =	shalt  }
0x43: {  	_ =	shalt  }
0x44: {  	_ =	shalt  }
0x45: {  	_ =	shalt  }
0x46: {  	_ =	shalt  }
0x47: {  	_ =	shalt  }
0x48: {  	_ =	shalt  }
0x49: {  	_ =	shalt  }
0x4a: {  	_ =	shalt  }
0x4b: {  	_ =	shalt  }
0x4c: {  	_ =	shalt  }
0x4d: {  	_ =	shalt  }
0x4e: {  	_ =	shalt  }
0x4f: {  	_ =	shalt  }
0x50: {  	_ =	shalt  }
0x51: {  	_ =	shalt  }
0x52: {  	_ =	shalt  }
0x53: {  	_ =	shalt  }
0x54: {  	_ =	shalt  }
0x55: {  	_ =	shalt  }
0x56: {  	_ =	shalt  }
0x57: {  	_ =	shalt  }
0x58: {  	_ =	shalt  }
0x59: {  	_ =	shalt  }
0x5a: {  	_ =	shalt  }
0x5b: {  	_ =	shalt  }
0x5c: {  	_ =	shalt  }
0x5d: {  	_ =	shalt  }
0x5e: {  	_ =	shalt  }
0x5f: {  	_ =	shalt  }
0x60: {  	_ =	shalt  }
0x61: {  	_ =	shalt  }
0x62: {  	_ =	shalt  }
0x63: {  	_ =	shalt  }
0x64: {  	_ =	shalt  }
0x65: {  	_ =	shalt  }
0x66: {  	_ =	shalt  }
0x67: {  	_ =	shalt  }
0x68: {  	_ =	shalt  }
0x69: {  	_ =	shalt  }
0x6a: {  	_ =	shalt  }
0x6b: {  	_ =	shalt  }
0x6c: {  	_ =	shalt  }
0x6d: {  	_ =	shalt  }
0x6e: {  	_ =	shalt  }
0x6f: {  	_ =	shalt  }
0x70: {  	_ =	shalt  }
0x71: {  	_ =	shalt  }
0x72: {  	_ =	shalt  }
0x73: {  	_ =	shalt  }
0x74: {  	_ =	shalt  }
0x75: {  	_ =	shalt  }
0x76: {  	_ =	shalt  }
0x77: {  	_ =	shalt  }
0x78: {  	_ =	shalt  }
0x79: {  	_ =	shalt  }
0x7a: {  	_ =	shalt  }
0x7b: {  	_ =	shalt  }
0x7c: {  	_ =	shalt  }
0x7d: {  	_ =	shalt  }
0x7e: {  	_ =	shalt  }
0x7f: {  	_ =	shalt  }
0x80: {  	_ =	shalt  }
0x81: {  	_ =	shalt  }
0x82: {  	_ =	shalt  }
0x83: {  	_ =	shalt  }
0x84: {  	_ =	shalt  }
0x85: {  	_ =	shalt  }
0x86: {  	_ =	shalt  }
0x87: {  	_ =	shalt  }
.Lfunc_end0:
.L_simem_size_0:
called_computation.2_lowered:
.L_overlay_start_0:
0x88: {  	s2 =	sld [smem:$0x3FD9]  }
0x89: {  	s3 =	sld [smem:$0x3FFE];
	_ =	sdelay $0x1  }
0x8a: {  	s1 =	srdreg.scid  }
0x8b: {  	s0 =	sand.u32 $0x1, s1  }
0x8c: {  	s16 =	sshll.u32 s0, $0xA;
	s2 =	sadd.s32 s3, s2  }
0x8d: {  	s2 =	sadd.s32 s2, s16  }
0x8e: {  	[smem:$0x3FC0] =	sst s2  }
0x8f: {  	_ = 	snop  }
0x90: {  	(tm) =	ssettm $0x1  }
0x91: {  	s17 =	sld [smem:$0x3FFB];
	_ =	sdelay $0x3  }
0x92: {  	_ =	strace s17  }
0x93: {  	s2 =	sld [smem:$0x3FFC];
	_ =	sdelay $0x3  }
0x94: {  	_ =	strace s2  }
0x95: {  	s2 =	sld [smem:$0x3FFD];
	_ =	sdelay $0x3  }
0x96: {  	_ =	strace s2  }
0x97: {  	_ =	strace $0x8FFFFFFF  }
0x98: {  	s18 =	sld [smem:$0x3FDB];
	_ =	sdelay $0x1  }
0x99: {  	s19 =	simm.s32 $_scs_section_size  }
0x9a: {  	s4 =	simm.s32 $_size__tile_overlayer_lowered;
	s5 =	simm.s32 $_tile_overlayer_lowered  }
0x9b: {  	s22 =	simm.s32 $0x1BFF;
	s21 =	sshll.u32 s5, $0x1;
	s2 =	sadd.s32 s19, s18  }
0x9c: {  	s6 =	simm.s32 $0x0;
	s20 =	sshll.u32 s4, $0x1;
	s4 =	sadd.s32 s21, s2  }
0x9d: {  	[timem:s6], [sflag:s22] =	dma.local [hbm:s4], s20  }
0x9e: {  	_ =	swait.ge [sflag:s22], s20  }
0x9f: {  	s3 =	ssub.s32 $0x0, s20;
	[sflag:s22] =	ssyncset.done $0x0  }
0xa0: {  	[sflag:s22] =	ssyncadd.s32 s3;
	_ =	sdelay $0x1  }
0xa1: {  	s23 =	simm.s32 $0x1B8B  }
0xa2: {  	_ =	swait.ge [sflag:s23], $0x1  }
0xa3: {  	[sflag:s23] =	ssyncset.done $0x0  }
0xa4: {  	s25 =	simm.s32 $0x1B8E;
	s24 =	sld [smem:$0x3FFE];
	[sflag:s23] =	ssyncadd.s32 $0xFFFFFFFF  }
0xa5: {  	s26 =	simm.s32 $execute0_lowered;
	[smem:$0x3FD2] =	sst s25  }
0xa6: {  	s4 =	sshll.u32 s26, $0x1;
	_ =	strace $0x8000004C;
	[dreg:$0x1] =	wrdreg $0xFFFFFFFF  }
0xa7: {  	s28 =	simm.s32 $_size_execute0_lowered;
	s2 =	sadd.s32 s2, s4;
	[dreg:$0x0] =	wrdreg $0x0  }
0xa8: {  	s4 =	sshll.u32 s28, $0x1;
	[dreg:$0x2] =	wrdreg s2  }
0xa9: {  	[dreg:$0x3] =	wrdreg s4  }
0xaa: {  	[dreg:$0x4] =	wrdreg $0xC0  }
0xab: {  	_ =	task [dreg:s6], $0x5FFFF  }
0xac: {  	[dreg:$0x1] =	wrdreg $0xFFFFFFFF  }
0xad: {  	[dreg:$0x0] =	wrdreg $0x60  }
0xae: {  	[dreg:$0x2] =	wrdreg s24  }
0xaf: {  	[dreg:$0x3] =	wrdreg $0xA0800  }
0xb0: {  	[dreg:$0x4] =	wrdreg $0x9  }
0xb1: {  	_ =	task.clear_ibuf [dreg:s6], $0x5FFFF;
	_ =	strace $0x9000004C  }
0xb2: {  	s29 =	simm.s32 $0x9;
	_ =	strace $0x8000004E  }
0xb3: {  	_ =	swait.ge [sflag:s29], $0x1  }
0xb4: {  	[sflag:s29] =	ssyncadd.s32 $0xFFFFFFFF  }
0xb5: {  	_ =	strace $0x9000004E  }
0xb6: {  	_ =	sfence  }
0xb7: {  	s30 =	sld [smem:$0x0];
	_ =	sdelay $0x2  }
0xb8: {  	s31 =	sshll.u32 s1, $0xD;
	s1 =	sshrl.u32 s1, $0x2  }
0xb9: {  	s3 =	sand.u32 $0x4000, s31;
	s1 =	sadd.s32 s1, s30  }
0xba: {  	s0 =	sor.u32 s3, s0;
	s1 =	sshll.u32 s1, $0x11  }
0xbb: {  	s0 =	sor.u32 s1, s0  }
0xbc: {  	s0 =	sadd.s32 $0x8F2B, s0  }
0xbd: {  	[sflag:s0] =	ssyncadd.remote.s32 $0x1  }
0xbe: {  	_ =	sfence.sel $0xFFFF  }
0xbf: {  	[dreg:$0x0] =	wrdreg $0xFFFFFFFF;
	(pc) =	sbr.abs _section_cstart, $3  }
0xc0: {  	[dreg:$0x1] =	wrdreg $0xFFFFFFFF  }
0xc1: {  	_ =	task.clear_ibuf [dreg:s6], $0x2FFFF;
	_ =	strace $0x9FFFFFFF  }
0xc2: {  	(tm) =	ssettm $0x7FFFFFFF  }
0xc3: {  	_ =	shalt  }
tec
execute0_lowered:
.L_overlay_start_1:
0x0: {  	(tag) =	ssettag $0x1  }
0x1: {  	s0 =	srdreg.scid;
	s6 =	rddreg [dreg:$0x0]  }
0x2: {  	s12 =	stileid.u32;
	s2 =	rddreg [dreg:$0x1]  }
0x3: {  	s3 =	simm.s32 $0x0;
	s28 =	simm.s32 $0x5080;
	s7 =	smul.u32 $0x13C00, s12  }
0x4: {  	s29 =	simm.s32 $0x7880;
	s30 =	simm.s32 $0x6;
	s11 =	smul.u32 $0x4F000, s12  }
0x5: {  	s31 =	simm.s32 $0x4;
	s0 =	sand.u32 $0x1, s0;
	s19 =	smul.u32 $0x4E20, s12  }
0x6: {  	s1 =	sshll.u32 s12, $0x1;
	[smem:$0x7FF] =	sst s3;
	s5 =	smul.u32 $0x13C000, s0  }
0x7: {  	s1 =	sor.u32 s0, s1;
	s15 =	ssub.s32 $0x2, s0;
	s0 =	smul.u32 $0x2710, s0  }
0x8: {  	s4 =	sadd.s32 $0xBFC00, s6;
	_ =	strace $0x8000004D;
	s1 =	smul.u32 $0x2710, s1  }
0x9: {  	s10 =	sshrl.u32 s15, $0x1;
	s18 =	sshrl.u32 s11, $0x2;
	s5 =	sadd.s32 s7, s5  }
0xa: {  	s16 =	ssub.s32 s15, s10;
	s0 =	sadd.s32 s0, s19;
	s1 =	sshrl.u32 s1, $0x3  }
0xb: {  	s9 =	sshrl.u32 s5, $0x3;
	s5 =	sadd.s32 $0xE000, s6;
	s23 =	smax.u32 s16, $0x1  }
0xc: {  	s26 =	sadd.s32 $0xF0, s0;
	s8 =	sadd.s32 s1, s6;
	s6 =	sadd.s32 s9, s6  }
0xd: {  	s7 =	sadd.s32 s5, s1;
	[dreg:$0x8] =	wrdreg s23;
	s17 =	sadd.s32 $0x17E00, s8  }
0xe: {  	s23 =	simm.s32 $0x2780;
	s1 =	sadd.s32 $0xA, s7;
	[dreg:$0x3] =	wrdreg s17  }
0xf: {  	s9 =	simm.s32 $0x0;
	s21 =	sadd.s32 $0x4D8, s7;
	[dreg:$0x4] =	wrdreg s1  }
0x10: {  	s8 =	sadd.s32 s18, s2;
	s22 =	sadd.s32 $0xE7400, s6;
	[dreg:$0x6] =	wrdreg s21  }
0x11: {  	s6 =	simm.s32 $0x2;
	s20 =	sadd.s32 $0x11800, s8;
	[dreg:$0x7] =	wrdreg s22  }
0x12: {  	s24 =	sadd.s32 $0x2800, s8;
	s25 =	sadd.s32 $0x5000, s8;
	s16 =	sadd.s32 $0x7800, s8  }
0x13: {  	s17 =	sadd.s32 $0xA000, s8;
	s1 =	sshrl.u32 s26, $0x3;
	s18 =	sadd.s32 $0xC800, s8  }
0x14: {  	s19 =	sadd.s32 $0xF000, s8;
	s21 =	sadd.s32 $0xA0, s0;
	[dreg:$0x5] =	wrdreg s20  }
0x15: {  	s22 =	simm.s32 $0x3;
	s26 =	simm.s32 $0x2800;
	[dreg:$0x9] =	wrdreg s24  }
0x16: {  	s0 =	simm.s32 $0x5;
	[dreg:$0xa] =	wrdreg s25;
	s20 =	sadd.s32 s1, s5  }
0x17: {  	v0 =	vimm.f32 $0.0e+00;
	s24 =	simm.s32 $0x50;
	s25 =	simm.s32 $0x2880;
	s1 =	simm.s32 $0x1  }
.LBB2_1:
0x18: {  	s10 =	rddreg [dreg:$0x3]  }
0x19: {  	[tilespmem:s3], [sflag:$0x3] =	stream.linear.gather [hbm4b:s10+s3], $0x2710, $0x38;
	[tilespmem:$0x1DC80] =	vst v63  }
0x1a: {  	s11 =	simm.s32 $0x3C0;
	s10 =	simm.s32 $0x70  }
.LBB2_2:
0x1b: {  	p0 =	sne.s32 s11, $0x9FC0;
	[tilespmem:s10+$0x7880] =	vst v0  }
0x1c: {  	[tilespmem:s10+$0x7810] =	vst v0  }
0x1d: {  	[tilespmem:s10+$0x7820] =	vst v0  }
.Ltmp0:
0x1e: {  	[tilespmem:s10+$0x7830] =	vst v0;
	(pc) =	sbr.rel @p0 .LBB2_2-.Ltmp0, $4  }
0x1f: {  	[tilespmem:s10+$0x7840] =	vst v0  }
0x20: {  	[tilespmem:s10+$0x7850] =	vst v0  }
0x21: {  	[tilespmem:s10+$0x7860] =	vst v0  }
0x22: {  	[tilespmem:s10+$0x7870] =	vst v0;
	s10 =	sshra.s32 s11, $0x2;
	s11 =	sadd.s32 $0x200, s11  }
0x23: {  	[tilespmem:s10+$0x7880] =	vst v0  }
0x24: {  	[tilespmem:s10+$0x7810] =	vst v0  }
0x25: {  	[tilespmem:s10+$0x7820] =	vst v0  }
0x26: {  	[tilespmem:s10+$0x7830] =	vst v0  }
0x27: {  	[tilespmem:s10+$0x7840] =	vst v0  }
0x28: {  	[tilespmem:s10+$0x7850] =	vst v0  }
0x29: {  	[tilespmem:s10+$0x7860] =	vst v0  }
0x2a: {  	[tilespmem:s10+$0x7870] =	vst v0  }
0x2b: {  	_ =	swait.ge [sflag:s22], $0x2710  }
0x2c: {  	[sflag:s22] =	ssyncset.done $0x0  }
0x2d: {  	s14 =	simm.s32 $0x0;
	[sflag:s22] =	ssyncadd.s32 $0xFFFFD8F0  }
0x2e: {  	[tilespmem:s23], [sflag:$0x4] =	stream.linear.gather [hbm4b:s7+s14], $0x50, $0x38;
	[tilespmem:$0x1DC80] =	vst v63  }
0x2f: {  	_ = 	snop  }
0x30: {  	[tilespmem:s25], [sflag:$0x1] =	stream.indirect.gather [hbm4b:s4+s24], $0x80, s14, s24, $0xb8;
	[tilespmem:$0x1DC80] =	vst v63  }
0x31: {  	s11 =	rddreg [dreg:$0x4]  }
0x32: {  	[tilespmem:s26], [sflag:$0x5] =	stream.linear.gather [hbm4b:s11+s14], $0x50, $0x38;
	[tilespmem:$0x1DC80] =	vst v63  }
0x33: {  	_ = 	snop  }
0x34: {  	[tilespmem:s28], [sflag:$0x2] =	stream.indirect.gather [hbm4b:s4+s24], $0x80, s24, s24, $0xb8;
	[tilespmem:$0x1DC80] =	vst v63  }
0x35: {  	_ = 	snop  }
0x36: {  	[spmem:s8] =	stream.linear.scatter [tilespmem:s29], [sflag:$0x6], $0x2800, $0x38;
	[tilespmem:$0x1DC80] =	vst v63  }
0x37: {  	_ =	swait.ge [sflag:s30], $0x2800  }
0x38: {  	[sflag:s30] =	ssyncset.done $0x0  }
0x39: {  	s15 =	rddreg [dreg:$0x9];
	[sflag:s30] =	ssyncadd.s32 $0xFFFFD800  }
0x3a: {  	[spmem:s15] =	stream.linear.scatter [tilespmem:s29], [sflag:$0x6], $0x2800, $0x38;
	[tilespmem:$0x1DC80] =	vst v63  }
0x3b: {  	_ =	swait.ge [sflag:s30], $0x2800  }
0x3c: {  	[sflag:s30] =	ssyncset.done $0x0  }
0x3d: {  	s11 =	rddreg [dreg:$0xa];
	[sflag:s30] =	ssyncadd.s32 $0xFFFFD800  }
0x3e: {  	[spmem:s11] =	stream.linear.scatter [tilespmem:s29], [sflag:$0x6], $0x2800, $0x38;
	[tilespmem:$0x1DC80] =	vst v63  }
0x3f: {  	_ =	swait.ge [sflag:s30], $0x2800  }
0x40: {  	[sflag:s30] =	ssyncset.done $0x0  }
0x41: {  	[sflag:s30] =	ssyncadd.s32 $0xFFFFD800  }
0x42: {  	[spmem:s16] =	stream.linear.scatter [tilespmem:s29], [sflag:$0x6], $0x2800, $0x38;
	[tilespmem:$0x1DC80] =	vst v63  }
0x43: {  	_ =	swait.ge [sflag:s30], $0x2800  }
0x44: {  	[sflag:s30] =	ssyncset.done $0x0  }
0x45: {  	[sflag:s30] =	ssyncadd.s32 $0xFFFFD800  }
0x46: {  	[spmem:s17] =	stream.linear.scatter [tilespmem:s29], [sflag:$0x6], $0x2800, $0x38;
	[tilespmem:$0x1DC80] =	vst v63  }
0x47: {  	_ =	swait.ge [sflag:s30], $0x2800  }
0x48: {  	[sflag:s30] =	ssyncset.done $0x0  }
0x49: {  	[sflag:s30] =	ssyncadd.s32 $0xFFFFD800  }
0x4a: {  	[spmem:s18] =	stream.linear.scatter [tilespmem:s29], [sflag:$0x6], $0x2800, $0x38;
	[tilespmem:$0x1DC80] =	vst v63  }
0x4b: {  	_ =	swait.ge [sflag:s30], $0x2800  }
0x4c: {  	[sflag:s30] =	ssyncset.done $0x0  }
0x4d: {  	[sflag:s30] =	ssyncadd.s32 $0xFFFFD800  }
0x4e: {  	[spmem:s19] =	stream.linear.scatter [tilespmem:s29], [sflag:$0x6], $0x2800, $0x38;
	[tilespmem:$0x1DC80] =	vst v63  }
0x4f: {  	_ =	swait.ge [sflag:s30], $0x2800  }
0x50: {  	[sflag:s30] =	ssyncset.done $0x0  }
0x51: {  	s12 =	rddreg [dreg:$0x5];
	[sflag:s30] =	ssyncadd.s32 $0xFFFFD800  }
0x52: {  	[spmem:s12] =	stream.linear.scatter [tilespmem:s29], [sflag:$0x6], $0x2400, $0x38;
	[tilespmem:$0x1DC80] =	vst v63  }
0x53: {  	_ =	swait.ge [sflag:s30], $0x2400  }
0x54: {  	[sflag:s30] =	ssyncset.done $0x0  }
0x55: {  	[sflag:s30] =	ssyncadd.s32 $0xFFFFDC00  }
0x56: {  	[bflag:$0x0] =	sbarrier.arrive $0xFFFF  }
0x57: {  	_ =	swait.ge [sflag:s31], $0x50  }
0x58: {  	[sflag:s31] =	ssyncset.done $0x0  }
0x59: {  	[sflag:s31] =	ssyncadd.s32 $0xFFFFFFB0  }
0x5a: {  	_ =	swait.ge [sflag:s1], $0x2800  }
0x5b: {  	[sflag:s1] =	ssyncset.done $0x0  }
0x5c: {  	[sflag:s1] =	ssyncadd.s32 $0xFFFFD800  }
0x5d: {  	[spmem:s2] =	stream.indirect.scatter.add.f32 [tilespmem:s25], [sflag:$0x6], $0x80, s23, s24, $0xb8;
	[tilespmem:$0x1DC80] =	vst v63  }
0x5e: {  	_ =	swait.ge [sflag:s30], $0x2800  }
0x5f: {  	s13 =	sshrl.u32 s21, $0x3;
	[sflag:s30] =	ssyncset.done $0x0  }
0x60: {  	s10 =	sadd.s32 s5, s13;
	[sflag:s30] =	ssyncadd.s32 $0xFFFFD800  }
0x61: {  	[tilespmem:s23], [sflag:$0x4] =	stream.linear.gather [hbm4b:s10+s3], $0x50, $0x38;
	[tilespmem:$0x1DC80] =	vst v63  }
0x62: {  	s14 =	simm.s32 $0xA0  }
0x63: {  	[tilespmem:s25], [sflag:$0x1] =	stream.indirect.gather [hbm4b:s4+s24], $0x80, s14, s24, $0xb8;
	[tilespmem:$0x1DC80] =	vst v63  }
0x64: {  	_ =	swait.ge [sflag:s0], $0x50  }
0x65: {  	[sflag:s0] =	ssyncset.done $0x0  }
0x66: {  	[sflag:s0] =	ssyncadd.s32 $0xFFFFFFB0  }
0x67: {  	_ =	swait.ge [sflag:s6], $0x2800  }
0x68: {  	[sflag:s6] =	ssyncset.done $0x0  }
0x69: {  	[sflag:s6] =	ssyncadd.s32 $0xFFFFD800  }
0x6a: {  	[spmem:s2] =	stream.indirect.scatter.add.f32 [tilespmem:s28], [sflag:$0x6], $0x80, s26, s24, $0xb8;
	[tilespmem:$0x1DC80] =	vst v63  }
0x6b: {  	s13 =	sadd.s32 $0xA0, s21;
	_ =	swait.ge [sflag:s30], $0x2800  }
0x6c: {  	s15 =	sadd.s32 $0x0, s20;
	s11 =	simm.s32 $0x14;
	[sflag:s30] =	ssyncset.done $0x0  }
0x6d: {  	s12 =	simm.s32 $0x190;
	s10 =	simm.s32 $0xF0;
	[sflag:s30] =	ssyncadd.s32 $0xFFFFD800  }
0x6e: {  	[tilespmem:s26], [sflag:$0x5] =	stream.linear.gather [hbm4b:s15+s3], $0x50, $0x38;
	[tilespmem:$0x1DC80] =	vst v63  }
.LBB2_4:
0x6f: {  	[tilespmem:s28], [sflag:$0x2] =	stream.indirect.gather [hbm4b:s4+s24], $0x80, s10, s24, $0xb8;
	[tilespmem:$0x1DC80] =	vst v63  }
0x70: {  	s14 =	smov.u32 s11;
	s10 =	smov.u32 s12  }
0x71: {  	p0 =	sne.s32 s11, $0x4B0;
	s11 =	sadd.s32 $0x14, s11;
	_ =	swait.ge [sflag:s31], $0x50  }
0x72: {  	[sflag:s31] =	ssyncset.done $0x0  }
0x73: {  	[sflag:s31] =	ssyncadd.s32 $0xFFFFFFB0  }
0x74: {  	_ =	swait.ge [sflag:s1], $0x2800  }
0x75: {  	[sflag:s1] =	ssyncset.done $0x0  }
0x76: {  	[sflag:s1] =	ssyncadd.s32 $0xFFFFD800  }
0x77: {  	[spmem:s2] =	stream.indirect.scatter.add.f32 [tilespmem:s25], [sflag:$0x6], $0x80, s23, s24, $0xb8;
	[tilespmem:$0x1DC80] =	vst v63  }
0x78: {  	_ =	swait.ge [sflag:s30], $0x2800  }
0x79: {  	s15 =	sshrl.u32 s13, $0x3;
	[sflag:s30] =	ssyncset.done $0x0  }
0x7a: {  	s15 =	sadd.s32 s5, s15;
	[sflag:s30] =	ssyncadd.s32 $0xFFFFD800  }
0x7b: {  	[tilespmem:s23], [sflag:$0x4] =	stream.linear.gather [hbm4b:s15+s3], $0x50, $0x38;
	[tilespmem:$0x1DC80] =	vst v63  }
0x7c: {  	s15 =	sadd.s32 $0xFFFFFFB0, s12  }
0x7d: {  	[tilespmem:s25], [sflag:$0x1] =	stream.indirect.gather [hbm4b:s4+s24], $0x80, s15, s24, $0xb8;
	[tilespmem:$0x1DC80] =	vst v63  }
0x7e: {  	_ =	swait.ge [sflag:s0], $0x50  }
0x7f: {  	[sflag:s0] =	ssyncset.done $0x0  }
0x80: {  	[sflag:s0] =	ssyncadd.s32 $0xFFFFFFB0  }
0x81: {  	_ =	swait.ge [sflag:s6], $0x2800  }
0x82: {  	[sflag:s6] =	ssyncset.done $0x0  }
0x83: {  	[sflag:s6] =	ssyncadd.s32 $0xFFFFD800  }
0x84: {  	[spmem:s2] =	stream.indirect.scatter.add.f32 [tilespmem:s28], [sflag:$0x6], $0x80, s26, s24, $0xb8;
	[tilespmem:$0x1DC80] =	vst v63  }
.Ltmp1:
0x85: {  	_ =	swait.ge [sflag:s30], $0x2800;
	(pc) =	sbr.rel @p0 .LBB2_4-.Ltmp1, $4  }
0x86: {  	[sflag:s30] =	ssyncset.done $0x0  }
0x87: {  	s14 =	sadd.s32 s14, s20;
	[sflag:s30] =	ssyncadd.s32 $0xFFFFD800  }
0x88: {  	[tilespmem:s26], [sflag:$0x5] =	stream.linear.gather [hbm4b:s14+s3], $0x50, $0x38;
	[tilespmem:$0x1DC80] =	vst v63  }
0x89: {  	s13 =	sadd.s32 $0xA0, s13;
	s12 =	sadd.s32 $0xA0, s12  }
0x8a: {  	[tilespmem:s28], [sflag:$0x2] =	stream.indirect.gather [hbm4b:s4+s24], $0x80, s10, s24, $0xb8;
	[tilespmem:$0x1DC80] =	vst v63  }
0x8b: {  	_ =	swait.ge [sflag:s31], $0x50  }
0x8c: {  	[sflag:s31] =	ssyncset.done $0x0  }
0x8d: {  	[sflag:s31] =	ssyncadd.s32 $0xFFFFFFB0  }
0x8e: {  	_ =	swait.ge [sflag:s1], $0x2800  }
0x8f: {  	[sflag:s1] =	ssyncset.done $0x0  }
0x90: {  	[sflag:s1] =	ssyncadd.s32 $0xFFFFD800  }
0x91: {  	[spmem:s2] =	stream.indirect.scatter.add.f32 [tilespmem:s25], [sflag:$0x6], $0x80, s23, s24, $0xb8;
	[tilespmem:$0x1DC80] =	vst v63  }
0x92: {  	_ =	swait.ge [sflag:s30], $0x2800  }
0x93: {  	[sflag:s30] =	ssyncset.done $0x0  }
0x94: {  	s12 =	rddreg [dreg:$0x6];
	[sflag:s30] =	ssyncadd.s32 $0xFFFFD800  }
0x95: {  	[tilespmem:s23], [sflag:$0x4] =	stream.linear.gather [hbm4b:s12+s3], $0x50, $0x38;
	[tilespmem:$0x1DC80] =	vst v63  }
0x96: {  	s13 =	simm.s32 $0x26C0  }
0x97: {  	[tilespmem:s25], [sflag:$0x1] =	stream.indirect.gather [hbm4b:s4+s24], $0x80, s13, s24, $0xb8;
	[tilespmem:$0x1DC80] =	vst v63  }
0x98: {  	_ =	swait.ge [sflag:s0], $0x50  }
0x99: {  	[sflag:s0] =	ssyncset.done $0x0  }
0x9a: {  	[sflag:s0] =	ssyncadd.s32 $0xFFFFFFB0  }
0x9b: {  	_ =	swait.ge [sflag:s6], $0x2800  }
0x9c: {  	[sflag:s6] =	ssyncset.done $0x0  }
0x9d: {  	[sflag:s6] =	ssyncadd.s32 $0xFFFFD800  }
0x9e: {  	[spmem:s2] =	stream.indirect.scatter.add.f32 [tilespmem:s28], [sflag:$0x6], $0x80, s26, s24, $0xb8;
	[tilespmem:$0x1DC80] =	vst v63  }
0x9f: {  	_ =	swait.ge [sflag:s30], $0x2800  }
0xa0: {  	[sflag:s30] =	ssyncset.done $0x0  }
0xa1: {  	[sflag:s30] =	ssyncadd.s32 $0xFFFFD800  }
0xa2: {  	_ =	swait.ge [sflag:s31], $0x50  }
0xa3: {  	[sflag:s31] =	ssyncset.done $0x0  }
0xa4: {  	[sflag:s31] =	ssyncadd.s32 $0xFFFFFFB0  }
0xa5: {  	_ =	swait.ge [sflag:s1], $0x2800  }
0xa6: {  	[sflag:s1] =	ssyncset.done $0x0  }
0xa7: {  	[sflag:s1] =	ssyncadd.s32 $0xFFFFD800  }
0xa8: {  	[spmem:s2] =	stream.indirect.scatter.add.f32 [tilespmem:s25], [sflag:$0x6], $0x80, s23, s24, $0xb8;
	[tilespmem:$0x1DC80] =	vst v63  }
0xa9: {  	_ =	swait.ge [sflag:s30], $0x2800  }
0xaa: {  	[sflag:s30] =	ssyncset.done $0x0  }
0xab: {  	s14 =	stileid.u32;
	[sflag:s30] =	ssyncadd.s32 $0xFFFFD800  }
0xac: {  	s10 =	sshll.u32 s14, $0x6;
	[bflag:$0x0] =	sbarrier.arrive $0xFFFF  }
0xad: {  	s11 =	sshrl.u32 s8, $0x3;
	s10 =	sor.u32 $0x1C06, s10;
	s12 =	rddreg [dreg:$0x7]  }
0xae: {  	[hbm:s12], [sflag:s10] =	dma.local [spmem:s11], $0x2780  }
0xaf: {  	_ =	swait.ge [sflag:s30], $0x2780  }
0xb0: {  	s9 =	sadd.s32 $0x1, s9;
	s15 =	rddreg [dreg:$0x8]  }
0xb1: {  	p0 =	sne.s32 s9, s15  }
.Ltmp2:
0xb2: {  	_ = 	snop;
	(pc) =	sbr.rel @p0 .LBB2_1-.Ltmp2, $3  }
0xb3: {  	_ =	sdelay $0x1  }
0xb4: {  	[sflag:s30] =	ssyncset.done $0x0  }
0xb5: {  	[sflag:s30] =	ssyncadd.s32 $0xFFFFD880  }
0xb6: {  	_ =	sfence.sel $0x180000  }
0xb7: {  	[bflag:$0x0] =	sbarrier.arrive $0xFFFF  }
0xb8: {  	_ =	strace $0x9000004D  }
0xb9: {  	s0 =	stileid.u32;
	[bflag:$0x2] =	sbarrier.arrive $0xFFFF  }
0xba: {  	p0 =	sne.s32 s0, $0x0;
	s0 =	rddreg [dreg:$0x2]  }
0xbb: {  	s0 =	sadd.s32 @!p0 $0x100000, s0  }
0xbc: {  	[sflag:s0] =	ssyncadd.tile.s32 @!p0 $0x1;
	_ =	shalt  }
.Lfunc_end2:
_tile_overlayer_lowered:
.L_overlay_start_2:
0xbd: {  	(tag) =	ssettag $0x2  }
0xbe: {  	s0 =	rddreg [dreg:$0x0];
	s2 =	stileid.u32  }
0xbf: {  	s1 =	rddreg [dreg:$0x1];
	p0 =	sne.s32 s2, $0x0  }
0xc0: {  	s3 =	rddreg [dreg:$0x2];
	[bflag:$0x3] =	sbarrier.arrive $0xFFFF;
	s2 =	simm.s32 @!p0 $0x1C06  }
0xc1: {  	[timem:s3], [sflag:s2] =	dma.local @!p0 [hbm:s0], s1  }
0xc2: {  	s0 =	simm.s32 @!p0 $0x6  }
0xc3: {  	_ =	swait.ge @!p0 [sflag:s0], s1  }
0xc4: {  	s1 =	ssub.s32 @!p0 $0x0, s1;
	[sflag:s0] =	ssyncset.done @!p0 $0x0  }
0xc5: {  	[sflag:s0] =	ssyncadd.s32 @!p0 s1  }
0xc6: {  	[bflag:$0x3] =	sbarrier.arrive $0xFFFF  }
0xc7: {  	_ =	shalt  }

// kernel: kernel.19.cloned.1.call-start
scs
__scs_entry_jumppad:
0x0: {  	(pc) =	sbr.rel $0x88, $3  }
0x1: {  	(tag) =	ssettag $0x0;
	lr =	simm.s32 $0x1  }
0x2: {  	[smem:$0x3F99] =	sst lr;
	_ =	strace $0xD0000000  }
0x3: {  	_ = 	snop  }
0x4: {  	_ = 	snop  }
0x5: {  	_ = 	snop  }
0x6: {  	_ = 	snop  }
0x7: {  	_ = 	snop  }
__scs_overlays_trampoline_lowered:
0x8: {  	[smem:$0x3FA8] =	sst s0  }
0x9: {  	[smem:$0x3FA9] =	sst s1  }
0xa: {  	[smem:$0x3FAA] =	sst s2  }
0xb: {  	[smem:$0x3FAB] =	sst s3  }
0xc: {  	[smem:$0x3FAC] =	sst s4  }
0xd: {  	[smem:$0x3FAD] =	sst s5  }
0xe: {  	[smem:$0x3FAE] =	sst s6  }
0xf: {  	[smem:$0x3FAF] =	sst s7  }
0x10: {  	[smem:$0x3FB0] =	sst s8  }
0x11: {  	[smem:$0x3FB1] =	sst s9;
	s0 =	simm.s32 @!p0 $0x0  }
0x12: {  	s1 =	sld [smem:$0x3F97];
	s0 =	simm.s32 @p0 $0x1  }
0x13: {  	[smem:$0x3FB2] =	sst s0;
	s0 =	simm.s32 @!p1 $0x0  }
0x14: {  	s2 =	sld [smem:$0x3F96];
	s0 =	simm.s32 @p1 $0x1  }
0x15: {  	[smem:$0x3FB3] =	sst s0;
	s0 =	simm.s32 @!p2 $0x0  }
0x16: {  	s3 =	sld [smem:$0x3FDB];
	s0 =	simm.s32 @p2 $0x1  }
0x17: {  	s4 =	simm.s32 $0x1BF5;
	[smem:$0x3FB5] =	sst s0  }
0x18: {  	s0 =	sld [smem:$0x3F98];
	_ =	swait.ge [sflag:s4], $0x0  }
0x19: {  	s7 =	sld [smem:$0x3F99]  }
0x1a: {  	s8 =	sadd.s32 $0xFFFFE003, lr  }
0x1b: {  	s9 =	sadd.s32 $0xFFFFFEF7, lr;
	s5 =	simm.s32 $0xFFFFFFFF;
	p2 =	slt.u32 s8, $0xFFFFF086  }
0x1c: {  	p1 =	slt.u32 s9, $0xF7A;
	s5 =	simm.s32 @!p2 $0x0  }
0x1d: {  	s5 =	simm.s32 @p1 $0x1;
	p0 =	seq.s32 s7, s2  }
0x1e: {  	s7 =	smul.u32 @!p0 $0xF7A, s2;
	p2 =	seq.s32 @!p0 s5, $0x0  }
0x1f: {  	s9 =	smul.u32 $0xF7A, s1;
	s8 =	simm.s32 @!p0 $0x1BF5;
	p2 =	por !p2, p0  }
0x20: {  	[sflag:s8] =	ssyncset.s32 @!p0 $0xFFFFF086;
	s6 =	sadd.s32 @!p0 s3, s7;
	s7 =	simm.s32 @!p0 $0x108  }
0x21: {  	s3 =	sadd.s32 s3, s9;
	s6 =	sadd.s32 @!p0 $0x88, s6;
	s7 =	simm.s32 @p2 $0x1082  }
0x22: {  	[simem:s7], [sflag:s8] =	dma.local @!p0 [hbm:s6], $0xF7A  }
0x23: {  	s9 =	sor.u32 $0xD0000000, s2;
	s6 =	simm.s32 $0x108;
	_ =	swait.ge @!p0 [sflag:s8], $0x0  }
0x24: {  	s3 =	sadd.s32 $0x88, s3;
	s6 =	simm.s32 @!p1 $0x1082;
	[sflag:s4] =	ssyncset.s32 $0xFFFFF086  }
0x25: {  	[simem:s6], [sflag:s4] =	dma.local [hbm:s3], $0xF7A  }
0x26: {  	[smem:$0x3F99] =	sst s1;
	(tag) =	ssettag s2;
	_ =	strace s9  }
0x27: {  	s1 =	sld [smem:$0x3FA9]  }
0x28: {  	s2 =	sld [smem:$0x3FAA]  }
0x29: {  	s4 =	sld [smem:$0x3FAC]  }
0x2a: {  	p0 =	seq.s32 s5, $0x0;
	s5 =	sld [smem:$0x3FAD]  }
0x2b: {  	s6 =	sld [smem:$0x3FAE]  }
0x2c: {  	s7 =	sld [smem:$0x3FAF]  }
0x2d: {  	s3 =	simm.s32 $0x108;
	s8 =	sld [smem:$0x3FB0]  }
0x2e: {  	s3 =	simm.s32 @!p0 $0x1082;
	s9 =	sld [smem:$0x3FB1]  }
0x2f: {  	lr =	sadd.s32 s0, s3;
	s0 =	sld [smem:$0x3FA8]  }
0x30: {  	s3 =	sld [smem:$0x3FAB]  }
0x31: {  	[smem:$0x3FB4] =	sst s10  }
0x32: {  	s10 =	sld [smem:$0x3FB2];
	_ =	sdelay $0x3  }
0x33: {  	p0 =	seq.s32 s10, $0x1;
	s10 =	sld [smem:$0x3FB4];
	_ =	sdelay $0x3  }
0x34: {  	[smem:$0x3FB4] =	sst s10  }
0x35: {  	s10 =	sld [smem:$0x3FB3];
	_ =	sdelay $0x3  }
0x36: {  	p1 =	seq.s32 s10, $0x1;
	s10 =	sld [smem:$0x3FB4];
	_ =	sdelay $0x3  }
0x37: {  	[smem:$0x3FB4] =	sst s10  }
0x38: {  	s10 =	sld [smem:$0x3FB5]  }
0x39: {  	_ = 	snop;
	(pc) =	sbr.ind lr, $3  }
0x3a: {  	_ = 	snop  }
0x3b: {  	_ = 	snop  }
0x3c: {  	p2 =	seq.s32 s10, $0x1;
	s10 =	sld [smem:$0x3FB4]  }
0x3d: {  	_ =	shalt  }
0x3e: {  	_ =	shalt  }
0x3f: {  	_ =	shalt  }
0x40: {  	_ =	shalt  }
0x41: {  	_ =	shalt  }
0x42: {  	_ =	shalt  }
0x43: {  	_ =	shalt  }
0x44: {  	_ =	shalt  }
0x45: {  	_ =	shalt  }
0x46: {  	_ =	shalt  }
0x47: {  	_ =	shalt  }
0x48: {  	_ =	shalt  }
0x49: {  	_ =	shalt  }
0x4a: {  	_ =	shalt  }
0x4b: {  	_ =	shalt  }
0x4c: {  	_ =	shalt  }
0x4d: {  	_ =	shalt  }
0x4e: {  	_ =	shalt  }
0x4f: {  	_ =	shalt  }
0x50: {  	_ =	shalt  }
0x51: {  	_ =	shalt  }
0x52: {  	_ =	shalt  }
0x53: {  	_ =	shalt  }
0x54: {  	_ =	shalt  }
0x55: {  	_ =	shalt  }
0x56: {  	_ =	shalt  }
0x57: {  	_ =	shalt  }
0x58: {  	_ =	shalt  }
0x59: {  	_ =	shalt  }
0x5a: {  	_ =	shalt  }
0x5b: {  	_ =	shalt  }
0x5c: {  	_ =	shalt  }
0x5d: {  	_ =	shalt  }
0x5e: {  	_ =	shalt  }
0x5f: {  	_ =	shalt  }
0x60: {  	_ =	shalt  }
0x61: {  	_ =	shalt  }
0x62: {  	_ =	shalt  }
0x63: {  	_ =	shalt  }
0x64: {  	_ =	shalt  }
0x65: {  	_ =	shalt  }
0x66: {  	_ =	shalt  }
0x67: {  	_ =	shalt  }
0x68: {  	_ =	shalt  }
0x69: {  	_ =	shalt  }
0x6a: {  	_ =	shalt  }
0x6b: {  	_ =	shalt  }
0x6c: {  	_ =	shalt  }
0x6d: {  	_ =	shalt  }
0x6e: {  	_ =	shalt  }
0x6f: {  	_ =	shalt  }
0x70: {  	_ =	shalt  }
0x71: {  	_ =	shalt  }
0x72: {  	_ =	shalt  }
0x73: {  	_ =	shalt  }
0x74: {  	_ =	shalt  }
0x75: {  	_ =	shalt  }
0x76: {  	_ =	shalt  }
0x77: {  	_ =	shalt  }
0x78: {  	_ =	shalt  }
0x79: {  	_ =	shalt  }
0x7a: {  	_ =	shalt  }
0x7b: {  	_ =	shalt  }
0x7c: {  	_ =	shalt  }
0x7d: {  	_ =	shalt  }
0x7e: {  	_ =	shalt  }
0x7f: {  	_ =	shalt  }
0x80: {  	_ =	shalt  }
0x81: {  	_ =	shalt  }
0x82: {  	_ =	shalt  }
0x83: {  	_ =	shalt  }
0x84: {  	_ =	shalt  }
0x85: {  	_ =	shalt  }
0x86: {  	_ =	shalt  }
0x87: {  	_ =	shalt  }
.Lfunc_end0:
.L_simem_size_0:
called_computation.3_lowered:
.L_overlay_start_0:
0x88: {  	s2 =	sld [smem:$0x3FD9]  }
0x89: {  	s3 =	sld [smem:$0x3FFE];
	_ =	sdelay $0x1  }
0x8a: {  	s1 =	srdreg.scid  }
0x8b: {  	s0 =	sand.u32 $0x1, s1  }
0x8c: {  	s16 =	sshll.u32 s0, $0xA;
	s2 =	sadd.s32 s3, s2  }
0x8d: {  	s2 =	sadd.s32 s2, s16  }
0x8e: {  	[smem:$0x3FC0] =	sst s2  }
0x8f: {  	_ = 	snop  }
0x90: {  	(tm) =	ssettm $0x1  }
0x91: {  	s17 =	sld [smem:$0x3FFB];
	_ =	sdelay $0x3  }
0x92: {  	_ =	strace s17  }
0x93: {  	s2 =	sld [smem:$0x3FFC];
	_ =	sdelay $0x3  }
0x94: {  	_ =	strace s2  }
0x95: {  	s2 =	sld [smem:$0x3FFD];
	_ =	sdelay $0x3  }
0x96: {  	_ =	strace s2  }
0x97: {  	_ =	strace $0x8FFFFFFF  }
0x98: {  	s18 =	sld [smem:$0x3FDB];
	_ =	sdelay $0x1  }
0x99: {  	s19 =	simm.s32 $_scs_section_size  }
0x9a: {  	s4 =	simm.s32 $_size__tile_overlayer_lowered;
	s5 =	simm.s32 $_tile_overlayer_lowered  }
0x9b: {  	s22 =	simm.s32 $0x1BFF;
	s21 =	sshll.u32 s5, $0x1;
	s2 =	sadd.s32 s19, s18  }
0x9c: {  	s6 =	simm.s32 $0x0;
	s20 =	sshll.u32 s4, $0x1;
	s4 =	sadd.s32 s21, s2  }
0x9d: {  	[timem:s6], [sflag:s22] =	dma.local [hbm:s4], s20  }
0x9e: {  	_ =	swait.ge [sflag:s22], s20  }
0x9f: {  	s3 =	ssub.s32 $0x0, s20;
	[sflag:s22] =	ssyncset.done $0x0  }
0xa0: {  	[sflag:s22] =	ssyncadd.s32 s3;
	_ =	sdelay $0x1  }
0xa1: {  	s23 =	simm.s32 $0x1B8B  }
0xa2: {  	_ =	swait.ge [sflag:s23], $0x1  }
0xa3: {  	[sflag:s23] =	ssyncset.done $0x0  }
0xa4: {  	s25 =	simm.s32 $0x1B8E;
	s24 =	sld [smem:$0x3FFE];
	[sflag:s23] =	ssyncadd.s32 $0xFFFFFFFF  }
0xa5: {  	s26 =	simm.s32 $execute0_lowered;
	[smem:$0x3FD2] =	sst s25  }
0xa6: {  	s4 =	sshll.u32 s26, $0x1;
	_ =	strace $0x8000004F;
	[dreg:$0x1] =	wrdreg $0xFFFFFFFF  }
0xa7: {  	s28 =	simm.s32 $_size_execute0_lowered;
	s2 =	sadd.s32 s2, s4;
	[dreg:$0x0] =	wrdreg $0x0  }
0xa8: {  	s4 =	sshll.u32 s28, $0x1;
	[dreg:$0x2] =	wrdreg s2  }
0xa9: {  	[dreg:$0x3] =	wrdreg s4  }
0xaa: {  	[dreg:$0x4] =	wrdreg $0xC0  }
0xab: {  	_ =	task [dreg:s6], $0x5FFFF  }
0xac: {  	[dreg:$0x1] =	wrdreg $0xFFFFFFFF  }
0xad: {  	[dreg:$0x0] =	wrdreg $0x60  }
0xae: {  	[dreg:$0x2] =	wrdreg s24  }
0xaf: {  	[dreg:$0x3] =	wrdreg $0xA0800  }
0xb0: {  	[dreg:$0x4] =	wrdreg $0x9  }
0xb1: {  	_ =	task.clear_ibuf [dreg:s6], $0x5FFFF;
	_ =	strace $0x9000004F  }
0xb2: {  	s29 =	simm.s32 $0x9;
	_ =	strace $0x80000051  }
0xb3: {  	_ =	swait.ge [sflag:s29], $0x1  }
0xb4: {  	[sflag:s29] =	ssyncadd.s32 $0xFFFFFFFF  }
0xb5: {  	_ =	strace $0x90000051  }
0xb6: {  	_ =	sfence  }
0xb7: {  	s30 =	sld [smem:$0x0];
	_ =	sdelay $0x2  }
0xb8: {  	s31 =	sshll.u32 s1, $0xD;
	s1 =	sshrl.u32 s1, $0x2  }
0xb9: {  	s3 =	sand.u32 $0x4000, s31;
	s1 =	sadd.s32 s1, s30  }
0xba: {  	s0 =	sor.u32 s3, s0;
	s1 =	sshll.u32 s1, $0x11  }
0xbb: {  	s0 =	sor.u32 s1, s0  }
0xbc: {  	s0 =	sadd.s32 $0x8F2B, s0  }
0xbd: {  	[sflag:s0] =	ssyncadd.remote.s32 $0x1  }
0xbe: {  	_ =	sfence.sel $0xFFFF  }
0xbf: {  	[dreg:$0x0] =	wrdreg $0xFFFFFFFF;
	(pc) =	sbr.abs _section_cstart, $3  }
0xc0: {  	[dreg:$0x1] =	wrdreg $0xFFFFFFFF  }
0xc1: {  	_ =	task.clear_ibuf [dreg:s6], $0x2FFFF;
	_ =	strace $0x9FFFFFFF  }
0xc2: {  	(tm) =	ssettm $0x7FFFFFFF  }
0xc3: {  	_ =	shalt  }
tec
execute0_lowered:
.L_overlay_start_1:
0x0: {  	(tag) =	ssettag $0x1  }
0x1: {  	s0 =	srdreg.scid;
	s6 =	rddreg [dreg:$0x0]  }
0x2: {  	s12 =	stileid.u32;
	s2 =	rddreg [dreg:$0x1]  }
0x3: {  	s3 =	simm.s32 $0x0;
	s28 =	simm.s32 $0x5080;
	s7 =	smul.u32 $0x13C00, s12  }
0x4: {  	s29 =	simm.s32 $0x7880;
	s30 =	simm.s32 $0x6;
	s11 =	smul.u32 $0x4F000, s12  }
0x5: {  	s31 =	simm.s32 $0x4;
	s0 =	sand.u32 $0x1, s0;
	s19 =	smul.u32 $0x4E20, s12  }
0x6: {  	s1 =	sshll.u32 s12, $0x1;
	[smem:$0x7FF] =	sst s3;
	s5 =	smul.u32 $0x13C000, s0  }
0x7: {  	s1 =	sor.u32 s0, s1;
	s15 =	ssub.s32 $0x2, s0;
	s0 =	smul.u32 $0x2710, s0  }
0x8: {  	s4 =	sadd.s32 $0xBFC00, s6;
	_ =	strace $0x80000050;
	s1 =	smul.u32 $0x2710, s1  }
0x9: {  	s10 =	sshrl.u32 s15, $0x1;
	s18 =	sshrl.u32 s11, $0x2;
	s5 =	sadd.s32 s7, s5  }
0xa: {  	s16 =	ssub.s32 s15, s10;
	s0 =	sadd.s32 s0, s19;
	s1 =	sshrl.u32 s1, $0x3  }
0xb: {  	s9 =	sshrl.u32 s5, $0x3;
	s5 =	sadd.s32 $0xE000, s6;
	s23 =	smax.u32 s16, $0x1  }
0xc: {  	s26 =	sadd.s32 $0xF0, s0;
	s8 =	sadd.s32 s1, s6;
	s6 =	sadd.s32 s9, s6  }
0xd: {  	s7 =	sadd.s32 s5, s1;
	[dreg:$0x8] =	wrdreg s23;
	s17 =	sadd.s32 $0x17E00, s8  }
0xe: {  	s23 =	simm.s32 $0x2780;
	s1 =	sadd.s32 $0xA, s7;
	[dreg:$0x3] =	wrdreg s17  }
0xf: {  	s9 =	simm.s32 $0x0;
	s21 =	sadd.s32 $0x4D8, s7;
	[dreg:$0x4] =	wrdreg s1  }
0x10: {  	s8 =	sadd.s32 s18, s2;
	s22 =	sadd.s32 $0xE7400, s6;
	[dreg:$0x6] =	wrdreg s21  }
0x11: {  	s6 =	simm.s32 $0x2;
	s20 =	sadd.s32 $0x11800, s8;
	[dreg:$0x7] =	wrdreg s22  }
0x12: {  	s24 =	sadd.s32 $0x2800, s8;
	s25 =	sadd.s32 $0x5000, s8;
	s16 =	sadd.s32 $0x7800, s8  }
0x13: {  	s17 =	sadd.s32 $0xA000, s8;
	s1 =	sshrl.u32 s26, $0x3;
	s18 =	sadd.s32 $0xC800, s8  }
0x14: {  	s19 =	sadd.s32 $0xF000, s8;
	s21 =	sadd.s32 $0xA0, s0;
	[dreg:$0x5] =	wrdreg s20  }
0x15: {  	s22 =	simm.s32 $0x3;
	s26 =	simm.s32 $0x2800;
	[dreg:$0x9] =	wrdreg s24  }
0x16: {  	s0 =	simm.s32 $0x5;
	[dreg:$0xa] =	wrdreg s25;
	s20 =	sadd.s32 s1, s5  }
0x17: {  	v0 =	vimm.f32 $0.0e+00;
	s24 =	simm.s32 $0x50;
	s25 =	simm.s32 $0x2880;
	s1 =	simm.s32 $0x1  }
.LBB2_1:
0x18: {  	s10 =	rddreg [dreg:$0x3]  }
0x19: {  	[tilespmem:s3], [sflag:$0x3] =	stream.linear.gather [hbm4b:s10+s3], $0x2710, $0x38;
	[tilespmem:$0x1DC80] =	vst v63  }
0x1a: {  	s11 =	simm.s32 $0x3C0;
	s10 =	simm.s32 $0x70  }
.LBB2_2:
0x1b: {  	p0 =	sne.s32 s11, $0x9FC0;
	[tilespmem:s10+$0x7880] =	vst v0  }
0x1c: {  	[tilespmem:s10+$0x7810] =	vst v0  }
0x1d: {  	[tilespmem:s10+$0x7820] =	vst v0  }
.Ltmp0:
0x1e: {  	[tilespmem:s10+$0x7830] =	vst v0;
	(pc) =	sbr.rel @p0 .LBB2_2-.Ltmp0, $4  }
0x1f: {  	[tilespmem:s10+$0x7840] =	vst v0  }
0x20: {  	[tilespmem:s10+$0x7850] =	vst v0  }
0x21: {  	[tilespmem:s10+$0x7860] =	vst v0  }
0x22: {  	[tilespmem:s10+$0x7870] =	vst v0;
	s10 =	sshra.s32 s11, $0x2;
	s11 =	sadd.s32 $0x200, s11  }
0x23: {  	[tilespmem:s10+$0x7880] =	vst v0  }
0x24: {  	[tilespmem:s10+$0x7810] =	vst v0  }
0x25: {  	[tilespmem:s10+$0x7820] =	vst v0  }
0x26: {  	[tilespmem:s10+$0x7830] =	vst v0  }
0x27: {  	[tilespmem:s10+$0x7840] =	vst v0  }
0x28: {  	[tilespmem:s10+$0x7850] =	vst v0  }
0x29: {  	[tilespmem:s10+$0x7860] =	vst v0  }
0x2a: {  	[tilespmem:s10+$0x7870] =	vst v0  }
0x2b: {  	_ =	swait.ge [sflag:s22], $0x2710  }
0x2c: {  	[sflag:s22] =	ssyncset.done $0x0  }
0x2d: {  	s14 =	simm.s32 $0x0;
	[sflag:s22] =	ssyncadd.s32 $0xFFFFD8F0  }
0x2e: {  	[tilespmem:s23], [sflag:$0x4] =	stream.linear.gather [hbm4b:s7+s14], $0x50, $0x38;
	[tilespmem:$0x1DC80] =	vst v63  }
0x2f: {  	_ = 	snop  }
0x30: {  	[tilespmem:s25], [sflag:$0x1] =	stream.indirect.gather [hbm4b:s4+s24], $0x80, s14, s24, $0xb8;
	[tilespmem:$0x1DC80] =	vst v63  }
0x31: {  	s11 =	rddreg [dreg:$0x4]  }
0x32: {  	[tilespmem:s26], [sflag:$0x5] =	stream.linear.gather [hbm4b:s11+s14], $0x50, $0x38;
	[tilespmem:$0x1DC80] =	vst v63  }
0x33: {  	_ = 	snop  }
0x34: {  	[tilespmem:s28], [sflag:$0x2] =	stream.indirect.gather [hbm4b:s4+s24], $0x80, s24, s24, $0xb8;
	[tilespmem:$0x1DC80] =	vst v63  }
0x35: {  	_ = 	snop  }
0x36: {  	[spmem:s8] =	stream.linear.scatter [tilespmem:s29], [sflag:$0x6], $0x2800, $0x38;
	[tilespmem:$0x1DC80] =	vst v63  }
0x37: {  	_ =	swait.ge [sflag:s30], $0x2800  }
0x38: {  	[sflag:s30] =	ssyncset.done $0x0  }
0x39: {  	s15 =	rddreg [dreg:$0x9];
	[sflag:s30] =	ssyncadd.s32 $0xFFFFD800  }
0x3a: {  	[spmem:s15] =	stream.linear.scatter [tilespmem:s29], [sflag:$0x6], $0x2800, $0x38;
	[tilespmem:$0x1DC80] =	vst v63  }
0x3b: {  	_ =	swait.ge [sflag:s30], $0x2800  }
0x3c: {  	[sflag:s30] =	ssyncset.done $0x0  }
0x3d: {  	s11 =	rddreg [dreg:$0xa];
	[sflag:s30] =	ssyncadd.s32 $0xFFFFD800  }
0x3e: {  	[spmem:s11] =	stream.linear.scatter [tilespmem:s29], [sflag:$0x6], $0x2800, $0x38;
	[tilespmem:$0x1DC80] =	vst v63  }
0x3f: {  	_ =	swait.ge [sflag:s30], $0x2800  }
0x40: {  	[sflag:s30] =	ssyncset.done $0x0  }
0x41: {  	[sflag:s30] =	ssyncadd.s32 $0xFFFFD800  }
0x42: {  	[spmem:s16] =	stream.linear.scatter [tilespmem:s29], [sflag:$0x6], $0x2800, $0x38;
	[tilespmem:$0x1DC80] =	vst v63  }
0x43: {  	_ =	swait.ge [sflag:s30], $0x2800  }
0x44: {  	[sflag:s30] =	ssyncset.done $0x0  }
0x45: {  	[sflag:s30] =	ssyncadd.s32 $0xFFFFD800  }
0x46: {  	[spmem:s17] =	stream.linear.scatter [tilespmem:s29], [sflag:$0x6], $0x2800, $0x38;
	[tilespmem:$0x1DC80] =	vst v63  }
0x47: {  	_ =	swait.ge [sflag:s30], $0x2800  }
0x48: {  	[sflag:s30] =	ssyncset.done $0x0  }
0x49: {  	[sflag:s30] =	ssyncadd.s32 $0xFFFFD800  }
0x4a: {  	[spmem:s18] =	stream.linear.scatter [tilespmem:s29], [sflag:$0x6], $0x2800, $0x38;
	[tilespmem:$0x1DC80] =	vst v63  }
0x4b: {  	_ =	swait.ge [sflag:s30], $0x2800  }
0x4c: {  	[sflag:s30] =	ssyncset.done $0x0  }
0x4d: {  	[sflag:s30] =	ssyncadd.s32 $0xFFFFD800  }
0x4e: {  	[spmem:s19] =	stream.linear.scatter [tilespmem:s29], [sflag:$0x6], $0x2800, $0x38;
	[tilespmem:$0x1DC80] =	vst v63  }
0x4f: {  	_ =	swait.ge [sflag:s30], $0x2800  }
0x50: {  	[sflag:s30] =	ssyncset.done $0x0  }
0x51: {  	s12 =	rddreg [dreg:$0x5];
	[sflag:s30] =	ssyncadd.s32 $0xFFFFD800  }
0x52: {  	[spmem:s12] =	stream.linear.scatter [tilespmem:s29], [sflag:$0x6], $0x2400, $0x38;
	[tilespmem:$0x1DC80] =	vst v63  }
0x53: {  	_ =	swait.ge [sflag:s30], $0x2400  }
0x54: {  	[sflag:s30] =	ssyncset.done $0x0  }
0x55: {  	[sflag:s30] =	ssyncadd.s32 $0xFFFFDC00  }
0x56: {  	[bflag:$0x0] =	sbarrier.arrive $0xFFFF  }
0x57: {  	_ =	swait.ge [sflag:s31], $0x50  }
0x58: {  	[sflag:s31] =	ssyncset.done $0x0  }
0x59: {  	[sflag:s31] =	ssyncadd.s32 $0xFFFFFFB0  }
0x5a: {  	_ =	swait.ge [sflag:s1], $0x2800  }
0x5b: {  	[sflag:s1] =	ssyncset.done $0x0  }
0x5c: {  	[sflag:s1] =	ssyncadd.s32 $0xFFFFD800  }
0x5d: {  	[spmem:s2] =	stream.indirect.scatter.add.f32 [tilespmem:s25], [sflag:$0x6], $0x80, s23, s24, $0xb8;
	[tilespmem:$0x1DC80] =	vst v63  }
0x5e: {  	_ =	swait.ge [sflag:s30], $0x2800  }
0x5f: {  	s13 =	sshrl.u32 s21, $0x3;
	[sflag:s30] =	ssyncset.done $0x0  }
0x60: {  	s10 =	sadd.s32 s5, s13;
	[sflag:s30] =	ssyncadd.s32 $0xFFFFD800  }
0x61: {  	[tilespmem:s23], [sflag:$0x4] =	stream.linear.gather [hbm4b:s10+s3], $0x50, $0x38;
	[tilespmem:$0x1DC80] =	vst v63  }
0x62: {  	s14 =	simm.s32 $0xA0  }
0x63: {  	[tilespmem:s25], [sflag:$0x1] =	stream.indirect.gather [hbm4b:s4+s24], $0x80, s14, s24, $0xb8;
	[tilespmem:$0x1DC80] =	vst v63  }
0x64: {  	_ =	swait.ge [sflag:s0], $0x50  }
0x65: {  	[sflag:s0] =	ssyncset.done $0x0  }
0x66: {  	[sflag:s0] =	ssyncadd.s32 $0xFFFFFFB0  }
0x67: {  	_ =	swait.ge [sflag:s6], $0x2800  }
0x68: {  	[sflag:s6] =	ssyncset.done $0x0  }
0x69: {  	[sflag:s6] =	ssyncadd.s32 $0xFFFFD800  }
0x6a: {  	[spmem:s2] =	stream.indirect.scatter.add.f32 [tilespmem:s28], [sflag:$0x6], $0x80, s26, s24, $0xb8;
	[tilespmem:$0x1DC80] =	vst v63  }
0x6b: {  	s13 =	sadd.s32 $0xA0, s21;
	_ =	swait.ge [sflag:s30], $0x2800  }
0x6c: {  	s15 =	sadd.s32 $0x0, s20;
	s11 =	simm.s32 $0x14;
	[sflag:s30] =	ssyncset.done $0x0  }
0x6d: {  	s12 =	simm.s32 $0x190;
	s10 =	simm.s32 $0xF0;
	[sflag:s30] =	ssyncadd.s32 $0xFFFFD800  }
0x6e: {  	[tilespmem:s26], [sflag:$0x5] =	stream.linear.gather [hbm4b:s15+s3], $0x50, $0x38;
	[tilespmem:$0x1DC80] =	vst v63  }
.LBB2_4:
0x6f: {  	[tilespmem:s28], [sflag:$0x2] =	stream.indirect.gather [hbm4b:s4+s24], $0x80, s10, s24, $0xb8;
	[tilespmem:$0x1DC80] =	vst v63  }
0x70: {  	s14 =	smov.u32 s11;
	s10 =	smov.u32 s12  }
0x71: {  	p0 =	sne.s32 s11, $0x4B0;
	s11 =	sadd.s32 $0x14, s11;
	_ =	swait.ge [sflag:s31], $0x50  }
0x72: {  	[sflag:s31] =	ssyncset.done $0x0  }
0x73: {  	[sflag:s31] =	ssyncadd.s32 $0xFFFFFFB0  }
0x74: {  	_ =	swait.ge [sflag:s1], $0x2800  }
0x75: {  	[sflag:s1] =	ssyncset.done $0x0  }
0x76: {  	[sflag:s1] =	ssyncadd.s32 $0xFFFFD800  }
0x77: {  	[spmem:s2] =	stream.indirect.scatter.add.f32 [tilespmem:s25], [sflag:$0x6], $0x80, s23, s24, $0xb8;
	[tilespmem:$0x1DC80] =	vst v63  }
0x78: {  	_ =	swait.ge [sflag:s30], $0x2800  }
0x79: {  	s15 =	sshrl.u32 s13, $0x3;
	[sflag:s30] =	ssyncset.done $0x0  }
0x7a: {  	s15 =	sadd.s32 s5, s15;
	[sflag:s30] =	ssyncadd.s32 $0xFFFFD800  }
0x7b: {  	[tilespmem:s23], [sflag:$0x4] =	stream.linear.gather [hbm4b:s15+s3], $0x50, $0x38;
	[tilespmem:$0x1DC80] =	vst v63  }
0x7c: {  	s15 =	sadd.s32 $0xFFFFFFB0, s12  }
0x7d: {  	[tilespmem:s25], [sflag:$0x1] =	stream.indirect.gather [hbm4b:s4+s24], $0x80, s15, s24, $0xb8;
	[tilespmem:$0x1DC80] =	vst v63  }
0x7e: {  	_ =	swait.ge [sflag:s0], $0x50  }
0x7f: {  	[sflag:s0] =	ssyncset.done $0x0  }
0x80: {  	[sflag:s0] =	ssyncadd.s32 $0xFFFFFFB0  }
0x81: {  	_ =	swait.ge [sflag:s6], $0x2800  }
0x82: {  	[sflag:s6] =	ssyncset.done $0x0  }
0x83: {  	[sflag:s6] =	ssyncadd.s32 $0xFFFFD800  }
0x84: {  	[spmem:s2] =	stream.indirect.scatter.add.f32 [tilespmem:s28], [sflag:$0x6], $0x80, s26, s24, $0xb8;
	[tilespmem:$0x1DC80] =	vst v63  }
.Ltmp1:
0x85: {  	_ =	swait.ge [sflag:s30], $0x2800;
	(pc) =	sbr.rel @p0 .LBB2_4-.Ltmp1, $4  }
0x86: {  	[sflag:s30] =	ssyncset.done $0x0  }
0x87: {  	s14 =	sadd.s32 s14, s20;
	[sflag:s30] =	ssyncadd.s32 $0xFFFFD800  }
0x88: {  	[tilespmem:s26], [sflag:$0x5] =	stream.linear.gather [hbm4b:s14+s3], $0x50, $0x38;
	[tilespmem:$0x1DC80] =	vst v63  }
0x89: {  	s13 =	sadd.s32 $0xA0, s13;
	s12 =	sadd.s32 $0xA0, s12  }
0x8a: {  	[tilespmem:s28], [sflag:$0x2] =	stream.indirect.gather [hbm4b:s4+s24], $0x80, s10, s24, $0xb8;
	[tilespmem:$0x1DC80] =	vst v63  }
0x8b: {  	_ =	swait.ge [sflag:s31], $0x50  }
0x8c: {  	[sflag:s31] =	ssyncset.done $0x0  }
0x8d: {  	[sflag:s31] =	ssyncadd.s32 $0xFFFFFFB0  }
0x8e: {  	_ =	swait.ge [sflag:s1], $0x2800  }
0x8f: {  	[sflag:s1] =	ssyncset.done $0x0  }
0x90: {  	[sflag:s1] =	ssyncadd.s32 $0xFFFFD800  }
0x91: {  	[spmem:s2] =	stream.indirect.scatter.add.f32 [tilespmem:s25], [sflag:$0x6], $0x80, s23, s24, $0xb8;
	[tilespmem:$0x1DC80] =	vst v63  }
0x92: {  	_ =	swait.ge [sflag:s30], $0x2800  }
0x93: {  	[sflag:s30] =	ssyncset.done $0x0  }
0x94: {  	s12 =	rddreg [dreg:$0x6];
	[sflag:s30] =	ssyncadd.s32 $0xFFFFD800  }
0x95: {  	[tilespmem:s23], [sflag:$0x4] =	stream.linear.gather [hbm4b:s12+s3], $0x50, $0x38;
	[tilespmem:$0x1DC80] =	vst v63  }
0x96: {  	s13 =	simm.s32 $0x26C0  }
0x97: {  	[tilespmem:s25], [sflag:$0x1] =	stream.indirect.gather [hbm4b:s4+s24], $0x80, s13, s24, $0xb8;
	[tilespmem:$0x1DC80] =	vst v63  }
0x98: {  	_ =	swait.ge [sflag:s0], $0x50  }
0x99: {  	[sflag:s0] =	ssyncset.done $0x0  }
0x9a: {  	[sflag:s0] =	ssyncadd.s32 $0xFFFFFFB0  }
0x9b: {  	_ =	swait.ge [sflag:s6], $0x2800  }
0x9c: {  	[sflag:s6] =	ssyncset.done $0x0  }
0x9d: {  	[sflag:s6] =	ssyncadd.s32 $0xFFFFD800  }
0x9e: {  	[spmem:s2] =	stream.indirect.scatter.add.f32 [tilespmem:s28], [sflag:$0x6], $0x80, s26, s24, $0xb8;
	[tilespmem:$0x1DC80] =	vst v63  }
0x9f: {  	_ =	swait.ge [sflag:s30], $0x2800  }
0xa0: {  	[sflag:s30] =	ssyncset.done $0x0  }
0xa1: {  	[sflag:s30] =	ssyncadd.s32 $0xFFFFD800  }
0xa2: {  	_ =	swait.ge [sflag:s31], $0x50  }
0xa3: {  	[sflag:s31] =	ssyncset.done $0x0  }
0xa4: {  	[sflag:s31] =	ssyncadd.s32 $0xFFFFFFB0  }
0xa5: {  	_ =	swait.ge [sflag:s1], $0x2800  }
0xa6: {  	[sflag:s1] =	ssyncset.done $0x0  }
0xa7: {  	[sflag:s1] =	ssyncadd.s32 $0xFFFFD800  }
0xa8: {  	[spmem:s2] =	stream.indirect.scatter.add.f32 [tilespmem:s25], [sflag:$0x6], $0x80, s23, s24, $0xb8;
	[tilespmem:$0x1DC80] =	vst v63  }
0xa9: {  	_ =	swait.ge [sflag:s30], $0x2800  }
0xaa: {  	[sflag:s30] =	ssyncset.done $0x0  }
0xab: {  	s14 =	stileid.u32;
	[sflag:s30] =	ssyncadd.s32 $0xFFFFD800  }
0xac: {  	s10 =	sshll.u32 s14, $0x6;
	[bflag:$0x0] =	sbarrier.arrive $0xFFFF  }
0xad: {  	s11 =	sshrl.u32 s8, $0x3;
	s10 =	sor.u32 $0x1C06, s10;
	s12 =	rddreg [dreg:$0x7]  }
0xae: {  	[hbm:s12], [sflag:s10] =	dma.local [spmem:s11], $0x2780  }
0xaf: {  	_ =	swait.ge [sflag:s30], $0x2780  }
0xb0: {  	s9 =	sadd.s32 $0x1, s9;
	s15 =	rddreg [dreg:$0x8]  }
0xb1: {  	p0 =	sne.s32 s9, s15  }
.Ltmp2:
0xb2: {  	_ = 	snop;
	(pc) =	sbr.rel @p0 .LBB2_1-.Ltmp2, $3  }
0xb3: {  	_ =	sdelay $0x1  }
0xb4: {  	[sflag:s30] =	ssyncset.done $0x0  }
0xb5: {  	[sflag:s30] =	ssyncadd.s32 $0xFFFFD880  }
0xb6: {  	_ =	sfence.sel $0x180000  }
0xb7: {  	[bflag:$0x0] =	sbarrier.arrive $0xFFFF  }
0xb8: {  	_ =	strace $0x90000050  }
0xb9: {  	s0 =	stileid.u32;
	[bflag:$0x2] =	sbarrier.arrive $0xFFFF  }
0xba: {  	p0 =	sne.s32 s0, $0x0;
	s0 =	rddreg [dreg:$0x2]  }
0xbb: {  	s0 =	sadd.s32 @!p0 $0x100000, s0  }
0xbc: {  	[sflag:s0] =	ssyncadd.tile.s32 @!p0 $0x1;
	_ =	shalt  }
.Lfunc_end2:
_tile_overlayer_lowered:
.L_overlay_start_2:
0xbd: {  	(tag) =	ssettag $0x2  }
0xbe: {  	s0 =	rddreg [dreg:$0x0];
	s2 =	stileid.u32  }
0xbf: {  	s1 =	rddreg [dreg:$0x1];
	p0 =	sne.s32 s2, $0x0  }
0xc0: {  	s3 =	rddreg [dreg:$0x2];
	[bflag:$0x3] =	sbarrier.arrive $0xFFFF;
	s2 =	simm.s32 @!p0 $0x1C06  }
0xc1: {  	[timem:s3], [sflag:s2] =	dma.local @!p0 [hbm:s0], s1  }
0xc2: {  	s0 =	simm.s32 @!p0 $0x6  }
0xc3: {  	_ =	swait.ge @!p0 [sflag:s0], s1  }
0xc4: {  	s1 =	ssub.s32 @!p0 $0x0, s1;
	[sflag:s0] =	ssyncset.done @!p0 $0x0  }
0xc5: {  	[sflag:s0] =	ssyncadd.s32 @!p0 s1  }
0xc6: {  	[bflag:$0x3] =	sbarrier.arrive $0xFFFF  }
0xc7: {  	_ =	shalt  }

</sc_bundles>
